<compile_context>
chip_gen: v7x
topology: tpu7x:2x2x1
jax: 0.10.2.dev20260603
libtpu: 0.0.44.dev20260713+nightly
codegen_flags: <defaults>
</compile_context>

<pallas_src>
import functools

import jax
import jax.numpy as jnp
from jax import lax
from jax.experimental import pallas as pl
from jax.experimental.pallas import tpu as pltpu
from jax.experimental.pallas import tpu_sc as plsc

N = 10000
E = 320000
D = 128
DE = 16
OUT = 128

NC = 2
NS = 16
NW = NC * NS
CHUNK = 64
NCHUNKS = E // CHUNK
ROWS_PER_TILE = 640
ACC_ROWS = NS * ROWS_PER_TILE
ZROWS = 16
OUT_PER_TILE = 624
OUT_REM = N - NS * OUT_PER_TILE
WB = 48


def _sc_segment_sum(y, efp, pidx):
    mesh = plsc.VectorSubcoreMesh(core_axis_name="c", subcore_axis_name="s")

    @functools.partial(
        pl.kernel,
        out_type=jax.ShapeDtypeStruct((NC, N, D), jnp.float32),
        mesh=mesh,
        scratch_types=[
            pltpu.VMEM_SHARED((ACC_ROWS, D), jnp.float32),
            pltpu.VMEM((2 * CHUNK,), jnp.int32),
            pltpu.VMEM((2 * CHUNK,), jnp.int32),
            pltpu.VMEM((2 * CHUNK,), jnp.int32),
            pltpu.VMEM((2 * CHUNK,), jnp.int32),
            pltpu.VMEM((2 * CHUNK, D), jnp.float32),
            pltpu.VMEM((2 * CHUNK, D), jnp.float32),
            pltpu.VMEM((ZROWS, D), jnp.float32),
            pltpu.SemaphoreType.DMA,
            pltpu.SemaphoreType.DMA,
            pltpu.SemaphoreType.DMA,
            pltpu.SemaphoreType.DMA,
            pltpu.SemaphoreType.DMA,
            pltpu.SemaphoreType.DMA,
            pltpu.SemaphoreType.DMA,
            pltpu.SemaphoreType.DMA,
        ],
    )
    def k(y_hbm, efp_hbm, pidx_hbm, a_out,
          acc, ibuf0, ibuf1, didx0, didx1, rows0, rows1, zbuf,
          isem0, isem1, gsem0, gsem1, ssem0, ssem1, hsem0, hsem1):
        IB, DI, RB = (ibuf0, ibuf1), (didx0, didx1), (rows0, rows1)
        ISEM, GSEM, SSEM = (isem0, isem1), (gsem0, gsem1), (ssem0, ssem1)
        HSEM = (hsem0, hsem1)
        H = CHUNK // 2

        c = lax.axis_index("c")
        s = lax.axis_index("s")
        w = s * NC + c

        z16 = jnp.zeros((16,), jnp.float32)

        def zero_body(i, _):
            for j in range(D // 16):
                zbuf[i, pl.ds(j * 16, 16)] = z16
            return 0

        lax.fori_loop(0, ZROWS, zero_body, 0)

        def zcopy_issue(i, _):
            pltpu.async_copy(zbuf,
                             acc.at[pl.ds(s * ROWS_PER_TILE + i * ZROWS, ZROWS)],
                             isem0)
            return 0

        def zcopy_wait(i, _):
            pltpu.make_async_copy(zbuf, acc.at[pl.ds(0, ZROWS)], isem0).wait()
            return 0

        lax.fori_loop(0, ROWS_PER_TILE // ZROWS, zcopy_issue, 0)
        lax.fori_loop(0, ROWS_PER_TILE // ZROWS, zcopy_wait, 0)
        plsc.subcore_barrier()

        count = (NCHUNKS - w + NW - 1) // NW

        def issue_idx(t, p):
            pltpu.async_copy(pidx_hbm.at[w + t * NW], IB[p], ISEM[p])

        def wait_idx(p):
            pltpu.make_async_copy(pidx_hbm.at[0], IB[p], ISEM[p]).wait()

        def issue_data(t, p):
            base = (w + t * NW) * CHUNK
            pltpu.async_copy(y_hbm.at[IB[p].at[pl.ds(0, H)]],
                             RB[p].at[pl.ds(0, H)], GSEM[p])
            pltpu.async_copy(y_hbm.at[IB[p].at[pl.ds(H, H)]],
                             RB[p].at[pl.ds(H, H)], HSEM[p])
            pltpu.async_copy(efp_hbm.at[pl.ds(base, CHUNK)],
                             RB[p].at[pl.ds(CHUNK, CHUNK)], GSEM[p])

        def wait_data(p):
            pltpu.make_async_copy(y_hbm.at[IB[p].at[pl.ds(0, H)]],
                                  RB[p].at[pl.ds(0, H)], GSEM[p]).wait()
            pltpu.make_async_copy(y_hbm.at[IB[p].at[pl.ds(H, H)]],
                                  RB[p].at[pl.ds(H, H)], HSEM[p]).wait()
            pltpu.make_async_copy(efp_hbm.at[pl.ds(0, CHUNK)],
                                  RB[p].at[pl.ds(CHUNK, CHUNK)], GSEM[p]).wait()

        def wait_scatter(p):
            pltpu.make_async_copy(RB[p], acc.at[DI[p]], SSEM[p]).wait()

        @pl.when(count > 0)
        def _pipeline():
            issue_idx(0, 0)
            wait_idx(0)
            issue_data(0, 0)

            @pl.when(count > 1)
            def _():
                issue_idx(1, 1)

            def half(u, b):
                t = 2 * u + b
                p = b

                @pl.when(t < count)
                def _():
                    @pl.when(t + 1 < count)
                    def _():
                        wait_idx(1 - p)

                        @pl.when(t >= 1)
                        def _():
                            wait_scatter(1 - p)

                        issue_data(t + 1, 1 - p)

                    wait_data(p)
                    for j in range(CHUNK // 16):
                        dv = IB[p][pl.ds(CHUNK + j * 16, 16)]
                        DI[p][pl.ds(j * 16, 16)] = dv
                        DI[p][pl.ds(CHUNK + j * 16, 16)] = dv
                    pltpu.async_copy(RB[p], acc.at[DI[p]], SSEM[p], add=True)

                    @pl.when(t + 2 < count)
                    def _():
                        issue_idx(t + 2, p)

            def pair_body(u, carry):
                half(u, 0)
                half(u, 1)
                return carry

            lax.fori_loop(0, (count + 1) // 2, pair_body, 0)

            wait_scatter(0)

            @pl.when(count > 1)
            def _():
                wait_scatter(1)

        plsc.subcore_barrier()

        r0 = s * OUT_PER_TILE
        NWB = OUT_PER_TILE // WB

        def wb_issue_in(i, p):
            pltpu.async_copy(acc.at[pl.ds(r0 + i * WB, WB)],
                             RB[p].at[pl.ds(0, WB)], GSEM[p])

        def wb_wait_in(p):
            pltpu.make_async_copy(acc.at[pl.ds(0, WB)],
                                  RB[p].at[pl.ds(0, WB)], GSEM[p]).wait()

        def wb_issue_out(i, p):
            pltpu.async_copy(RB[p].at[pl.ds(0, WB)],
                             a_out.at[c, pl.ds(r0 + i * WB, WB)], SSEM[p])

        def wb_wait_out(p):
            pltpu.make_async_copy(RB[p].at[pl.ds(0, WB)],
                                  a_out.at[c, pl.ds(r0, WB)], SSEM[p]).wait()

        wb_issue_in(0, 0)
        for i in range(NWB):
            p = i % 2
            wb_wait_in(p)
            if i + 1 < NWB:
                if i >= 1:
                    wb_wait_out(1 - p)
                wb_issue_in(i + 1, 1 - p)
            wb_issue_out(i, p)
        wb_wait_out(NWB % 2)
        wb_wait_out(1 - (NWB % 2))

        @pl.when(s == NS - 1)
        def _write_rem():
            rr = NS * OUT_PER_TILE
            pltpu.sync_copy(acc.at[pl.ds(rr, OUT_REM)],
                            rows1.at[pl.ds(0, OUT_REM)])
            pltpu.sync_copy(rows1.at[pl.ds(0, OUT_REM)],
                            a_out.at[c, pl.ds(rr, OUT_REM)])

    return k(y, efp, pidx)


def _tc_matmul(a, bmat, blk, cast_bf16=False):
    m, kdim = a.shape

    def body(a_ref, b_ref, o_ref):
        av, bv = a_ref[...], b_ref[...]
        if cast_bf16:
            av = av.astype(jnp.bfloat16)
            bv = bv.astype(jnp.bfloat16)
        o_ref[...] = jnp.dot(av, bv, preferred_element_type=jnp.float32)

    return pl.pallas_call(
        body,
        grid=(m // blk,),
        in_specs=[
            pl.BlockSpec((blk, kdim), lambda i: (i, 0)),
            pl.BlockSpec((kdim, OUT), lambda i: (0, 0)),
        ],
        out_specs=pl.BlockSpec((blk, OUT), lambda i: (i, 0)),
        out_shape=jax.ShapeDtypeStruct((m, OUT), jnp.float32),
    )(a, bmat)


def _tc_final(x, a0, a1, wx, b2):
    BLK = 1000

    def body(x_ref, a0_ref, a1_ref, wx_ref, b_ref, o_ref):
        acc = jnp.dot(x_ref[...], wx_ref[...],
                      preferred_element_type=jnp.float32)
        o_ref[...] = acc + a0_ref[...] + a1_ref[...] + b_ref[...]

    return pl.pallas_call(
        body,
        grid=(N // BLK,),
        in_specs=[
            pl.BlockSpec((BLK, D), lambda i: (i, 0)),
            pl.BlockSpec((BLK, OUT), lambda i: (i, 0)),
            pl.BlockSpec((BLK, OUT), lambda i: (i, 0)),
            pl.BlockSpec((D, OUT), lambda i: (0, 0)),
            pl.BlockSpec((1, OUT), lambda i: (0, 0)),
        ],
        out_specs=pl.BlockSpec((BLK, OUT), lambda i: (i, 0)),
        out_shape=jax.ShapeDtypeStruct((N, OUT), jnp.float32),
    )(x, a0, a1, wx, b2)


def kernel(node_features, edge_features, edge_index, W, b):
    src = edge_index[0]
    dst = edge_index[1]
    wx = W[:, :D].T
    wg = W[:, D:2 * D].T
    we = W[:, 2 * D:].T
    y = _tc_matmul(node_features, wg, 1000)
    efp = _tc_matmul(edge_features, we, 16000, cast_bf16=True)
    pidx = jnp.concatenate([src.reshape(NCHUNKS, CHUNK),
                            dst.reshape(NCHUNKS, CHUNK)], axis=1)
    a = _sc_segment_sum(y, efp, pidx)
    return _tc_final(node_features, a[0], a[1], wx, b[None, :])

# --- scband reference (transcript-rebuilt; emitter-appended) ---
"""Pipeline reference for scband-ed-gnnlayer-64158221468060 (READ-ONLY COPY).

The authoritative reference and input builder live on the scoring server;
editing this copy changes nothing except your own understanding.
"""

import jax, jax.numpy as jnp
import numpy as np
import math

N = 10000
E = 320000
D = 128
DE = 16
OUT = 128
IN_DIM = 2 * D + DE  # 272


def setup_inputs(seed: int = 0) -> dict:
    key = jax.random.key(seed)
    k1, k2, k3, k4, k5 = jax.random.split(key, 5)
    node_features = jax.random.normal(k1, (N, D), dtype=jnp.float32)
    edge_features = jax.random.normal(k2, (E, DE), dtype=jnp.float32)
    edge_index = jax.random.randint(k3, (2, E), 0, N, dtype=jnp.int32)
    # xavier_uniform for W: limit = sqrt(6 / (fan_in + fan_out))
    limit = math.sqrt(6.0 / (IN_DIM + OUT))
    W = jax.random.uniform(k4, (OUT, IN_DIM), minval=-limit, maxval=limit, dtype=jnp.float32)
    stdv = 1.0 / math.sqrt(IN_DIM)
    b = jax.random.uniform(k5, (OUT,), minval=-stdv, maxval=stdv, dtype=jnp.float32)
    return {"node_features": node_features, "edge_features": edge_features,
            "edge_index": edge_index, "W": W, "b": b}


def reference(node_features, edge_features, edge_index, W, b):
    src = edge_index[0]
    dst = edge_index[1]
    # gnn_msg: per-edge message = concat([h_src, h_edge])  (no dropout at eval)
    msg = jnp.concatenate([node_features[src], edge_features], axis=1)
    # gnn_reduce: sum messages per destination node
    h_msg = jax.ops.segment_sum(msg, dst, num_segments=N)
    # node_update: h = Linear(concat([h_in, h_msg]))
    h = jnp.concatenate([node_features, h_msg], axis=1)
    out = h @ W.T + b
    return out

if __name__ == "__main__":
    import jax
    _d = setup_inputs()
    print(jax.jit(kernel)(*tuple(_d.values())))

</pallas_src>

<mosaic_0001>
#map = affine_map<(d0, d1) -> (0, 0)>
#map1 = affine_map<(d0, d1) -> (0, 0, 0)>
module attributes {stable_mosaic.version = 14 : i64} {
  func.func @k(%arg0: i32, %arg1: i32, %arg2: memref<10000x128xf32, #tpu.memory_space<hbm>>, %arg3: memref<320000x128xf32, #tpu.memory_space<hbm>>, %arg4: memref<5000x128xi32, #tpu.memory_space<hbm>>, %arg5: memref<2x10000x128xf32, #tpu.memory_space<hbm>>, %arg6: memref<10240x128xf32, #tpu.memory_space<vmem_shared>>, %arg7: memref<128xi32, #tpu.memory_space<vmem>>, %arg8: memref<128xi32, #tpu.memory_space<vmem>>, %arg9: memref<128xi32, #tpu.memory_space<vmem>>, %arg10: memref<128xi32, #tpu.memory_space<vmem>>, %arg11: memref<128x128xf32, #tpu.memory_space<vmem>>, %arg12: memref<128x128xf32, #tpu.memory_space<vmem>>, %arg13: memref<16x128xf32, #tpu.memory_space<vmem>>, %arg14: memref<!tpu.dma_semaphore, #tpu.memory_space<semaphore_mem>>, %arg15: memref<!tpu.dma_semaphore, #tpu.memory_space<semaphore_mem>>, %arg16: memref<!tpu.dma_semaphore, #tpu.memory_space<semaphore_mem>>, %arg17: memref<!tpu.dma_semaphore, #tpu.memory_space<semaphore_mem>>, %arg18: memref<!tpu.dma_semaphore, #tpu.memory_space<semaphore_mem>>, %arg19: memref<!tpu.dma_semaphore, #tpu.memory_space<semaphore_mem>>, %arg20: memref<!tpu.dma_semaphore, #tpu.memory_space<semaphore_mem>>, %arg21: memref<!tpu.dma_semaphore, #tpu.memory_space<semaphore_mem>>) attributes {dimension_semantics = [#tpu.dimension_semantics<core_parallel>, #tpu.dimension_semantics<subcore_parallel>], iteration_bounds = array<i64: 2, 16>, scalar_prefetch = 0 : i64, scratch_operands = 16 : i64, tpu.core_type = #tpu.core_type<sc_vector_subcore>, window_params = [{transform_indices = #map}, {transform_indices = #map}, {transform_indices = #map}, {transform_indices = #map1}]} {
    %mul3A = arith.constant 2 : i32
    %mul3A_0 = arith.muli %arg1, %mul3A : i32
    %add3A = arith.addi %mul3A_0, %arg0 : i32
    %broadcast_in_dim3A = arith.constant 0.000000e+00 : f32
    %broadcast_in_dim3A_1 = vector.broadcast %broadcast_in_dim3A : f32 to vector<16xf32>
    %scan3A = arith.constant 0 : i32
    %scan3A_2 = arith.constant 0 : i32
    %scan3A_3 = arith.constant 16 : i32
    %scan3A_4 = arith.addi %scan3A_2, %scan3A_3 : i32
    %scan3A_5 = arith.constant 1 : i32
    %scan3A_6 = scf.for %scan3A_701 = %scan3A_2 to %scan3A_4 step %scan3A_5 iter_args(%scan3A_702 = %scan3A) -> (i32)  : i32 {
      %swap3A = arith.index_cast %scan3A_701 : i32 to index
      %swap3A_703 = arith.constant 0 : index
      %swap3A_704 = tpu.vector_load %arg13[%swap3A, %swap3A_703] {strides = array<i32>} : memref<16x128xf32, #tpu.memory_space<vmem>>, vector<1x16xf32>,
      %swap3A_705 = vector.shape_cast %swap3A_704 : vector<1x16xf32> to vector<16xf32>
      %swap3A_706 = vector.shape_cast %broadcast_in_dim3A_1 : vector<16xf32> to vector<1x16xf32>
      tpu.vector_store %arg13[%swap3A, %swap3A_703], %swap3A_706 {strides = array<i32>} : memref<16x128xf32, #tpu.memory_space<vmem>>, vector<1x16xf32>,
      %swap3A_707 = arith.index_cast %scan3A_701 : i32 to index
      %swap3A_708 = arith.constant 16 : index
      %swap3A_709 = tpu.vector_load %arg13[%swap3A_707, %swap3A_708] {strides = array<i32>} : memref<16x128xf32, #tpu.memory_space<vmem>>, vector<1x16xf32>,
      %swap3A_710 = vector.shape_cast %swap3A_709 : vector<1x16xf32> to vector<16xf32>
      %swap3A_711 = vector.shape_cast %broadcast_in_dim3A_1 : vector<16xf32> to vector<1x16xf32>
      tpu.vector_store %arg13[%swap3A_707, %swap3A_708], %swap3A_711 {strides = array<i32>} : memref<16x128xf32, #tpu.memory_space<vmem>>, vector<1x16xf32>,
      %swap3A_712 = arith.index_cast %scan3A_701 : i32 to index
      %swap3A_713 = arith.constant 32 : index
      %swap3A_714 = tpu.vector_load %arg13[%swap3A_712, %swap3A_713] {strides = array<i32>} : memref<16x128xf32, #tpu.memory_space<vmem>>, vector<1x16xf32>,
      %swap3A_715 = vector.shape_cast %swap3A_714 : vector<1x16xf32> to vector<16xf32>
      %swap3A_716 = vector.shape_cast %broadcast_in_dim3A_1 : vector<16xf32> to vector<1x16xf32>
      tpu.vector_store %arg13[%swap3A_712, %swap3A_713], %swap3A_716 {strides = array<i32>} : memref<16x128xf32, #tpu.memory_space<vmem>>, vector<1x16xf32>,
      %swap3A_717 = arith.index_cast %scan3A_701 : i32 to index
      %swap3A_718 = arith.constant 48 : index
      %swap3A_719 = tpu.vector_load %arg13[%swap3A_717, %swap3A_718] {strides = array<i32>} : memref<16x128xf32, #tpu.memory_space<vmem>>, vector<1x16xf32>,
      %swap3A_720 = vector.shape_cast %swap3A_719 : vector<1x16xf32> to vector<16xf32>
      %swap3A_721 = vector.shape_cast %broadcast_in_dim3A_1 : vector<16xf32> to vector<1x16xf32>
      tpu.vector_store %arg13[%swap3A_717, %swap3A_718], %swap3A_721 {strides = array<i32>} : memref<16x128xf32, #tpu.memory_space<vmem>>, vector<1x16xf32>,
      %swap3A_722 = arith.index_cast %scan3A_701 : i32 to index
      %swap3A_723 = arith.constant 64 : index
      %swap3A_724 = tpu.vector_load %arg13[%swap3A_722, %swap3A_723] {strides = array<i32>} : memref<16x128xf32, #tpu.memory_space<vmem>>, vector<1x16xf32>,
      %swap3A_725 = vector.shape_cast %swap3A_724 : vector<1x16xf32> to vector<16xf32>
      %swap3A_726 = vector.shape_cast %broadcast_in_dim3A_1 : vector<16xf32> to vector<1x16xf32>
      tpu.vector_store %arg13[%swap3A_722, %swap3A_723], %swap3A_726 {strides = array<i32>} : memref<16x128xf32, #tpu.memory_space<vmem>>, vector<1x16xf32>,
      %swap3A_727 = arith.index_cast %scan3A_701 : i32 to index
      %swap3A_728 = arith.constant 80 : index
      %swap3A_729 = tpu.vector_load %arg13[%swap3A_727, %swap3A_728] {strides = array<i32>} : memref<16x128xf32, #tpu.memory_space<vmem>>, vector<1x16xf32>,
      %swap3A_730 = vector.shape_cast %swap3A_729 : vector<1x16xf32> to vector<16xf32>
      %swap3A_731 = vector.shape_cast %broadcast_in_dim3A_1 : vector<16xf32> to vector<1x16xf32>
      tpu.vector_store %arg13[%swap3A_727, %swap3A_728], %swap3A_731 {strides = array<i32>} : memref<16x128xf32, #tpu.memory_space<vmem>>, vector<1x16xf32>,
      %swap3A_732 = arith.index_cast %scan3A_701 : i32 to index
      %swap3A_733 = arith.constant 96 : index
      %swap3A_734 = tpu.vector_load %arg13[%swap3A_732, %swap3A_733] {strides = array<i32>} : memref<16x128xf32, #tpu.memory_space<vmem>>, vector<1x16xf32>,
      %swap3A_735 = vector.shape_cast %swap3A_734 : vector<1x16xf32> to vector<16xf32>
      %swap3A_736 = vector.shape_cast %broadcast_in_dim3A_1 : vector<16xf32> to vector<1x16xf32>
      tpu.vector_store %arg13[%swap3A_732, %swap3A_733], %swap3A_736 {strides = array<i32>} : memref<16x128xf32, #tpu.memory_space<vmem>>, vector<1x16xf32>,
      %swap3A_737 = arith.index_cast %scan3A_701 : i32 to index
      %swap3A_738 = arith.constant 112 : index
      %swap3A_739 = tpu.vector_load %arg13[%swap3A_737, %swap3A_738] {strides = array<i32>} : memref<16x128xf32, #tpu.memory_space<vmem>>, vector<1x16xf32>,
      %swap3A_740 = vector.shape_cast %swap3A_739 : vector<1x16xf32> to vector<16xf32>
      %swap3A_741 = vector.shape_cast %broadcast_in_dim3A_1 : vector<16xf32> to vector<1x16xf32>
      tpu.vector_store %arg13[%swap3A_737, %swap3A_738], %swap3A_741 {strides = array<i32>} : memref<16x128xf32, #tpu.memory_space<vmem>>, vector<1x16xf32>,
      %scan3A_742 = arith.constant 0 : i32
      scf.yield %scan3A_742 : i32
    }
    %scan3A_7 = arith.constant 16 : i32
    %scan3A_8 = arith.constant 0 : i32
    %scan3A_9 = arith.constant 0 : i32
    %scan3A_10 = arith.constant 40 : i32
    %scan3A_11 = arith.addi %scan3A_9, %scan3A_10 : i32
    %scan3A_12 = arith.constant 1 : i32
    %scan3A_13 = scf.for %scan3A_701 = %scan3A_9 to %scan3A_11 step %scan3A_12 iter_args(%scan3A_702 = %scan3A_8) -> (i32)  : i32 {
      %mul3A_703 = arith.constant 640 : i32
      %mul3A_704 = arith.muli %arg1, %mul3A_703 : i32
      %mul3A_705 = arith.constant 16 : i32
      %mul3A_706 = arith.muli %scan3A_701, %mul3A_705 : i32
      %add3A_707 = arith.addi %mul3A_704, %mul3A_706 : i32
      %dma_start3A_708 = arith.constant 0 : i32
      %dma_start3A_709 = tpu.memref_slice %arg6[%add3A_707, %dma_start3A_708] : memref<10240x128xf32, #tpu.memory_space<vmem_shared>> -> memref<16x128xf32, #tpu.memory_space<vmem_shared>>
      %dma_start3A_710 = arith.constant 0 : i32
      %dma_start3A_711 = tpu.memref_slice %arg6[%add3A_707, %dma_start3A_710] : memref<10240x128xf32, #tpu.memory_space<vmem_shared>> -> memref<16x128xf32, #tpu.memory_space<vmem_shared>>
      tpu.enqueue_dma source(%arg13 : memref<16x128xf32, #tpu.memory_space<vmem>>) target(%dma_start3A_711 : memref<16x128xf32, #tpu.memory_space<vmem_shared>>) target_semaphore(%arg14 : memref<!tpu.dma_semaphore, #tpu.memory_space<semaphore_mem>>)
      %scan3A_712 = arith.constant 0 : i32
      scf.yield %scan3A_712 : i32
    }
    %scan3A_14 = arith.constant 40 : i32
    %scan3A_15 = arith.constant 0 : i32
    %scan3A_16 = arith.constant 0 : i32
    %scan3A_17 = arith.constant 40 : i32
    %scan3A_18 = arith.addi %scan3A_16, %scan3A_17 : i32
    %scan3A_19 = arith.constant 1 : i32
    %scan3A_20 = scf.for %scan3A_701 = %scan3A_16 to %scan3A_18 step %scan3A_19 iter_args(%scan3A_702 = %scan3A_15) -> (i32)  : i32 {
      %dma_wait3A_703 = arith.constant 0 : i32
      %dma_wait3A_704 = arith.constant 0 : i32
      %dma_wait3A_705 = tpu.memref_slice %arg6[%dma_wait3A_703, %dma_wait3A_704] : memref<10240x128xf32, #tpu.memory_space<vmem_shared>> -> memref<16x128xf32, #tpu.memory_space<vmem_shared>>
      %dma_wait3A_706 = arith.constant 0 : i32
      %dma_wait3A_707 = arith.constant 0 : i32
      %dma_wait3A_708 = tpu.memref_slice %arg6[%dma_wait3A_706, %dma_wait3A_707] : memref<10240x128xf32, #tpu.memory_space<vmem_shared>> -> memref<16x128xf32, #tpu.memory_space<vmem_shared>>
      tpu.wait_dma2 semaphore(%arg14 : memref<!tpu.dma_semaphore, #tpu.memory_space<semaphore_mem>>) src(%arg13 : memref<16x128xf32, #tpu.memory_space<vmem>>) dst(%dma_wait3A_708 : memref<16x128xf32, #tpu.memory_space<vmem_shared>>)
      %scan3A_709 = arith.constant 0 : i32
      scf.yield %scan3A_709 : i32
    }
    %scan3A_21 = arith.constant 40 : i32
    %barrier3A = arith.constant 0 : index
    tpu.barrier barrier_id(%barrier3A)
    %sub3A = arith.constant 5000 : i32
    %sub3A_22 = arith.subi %sub3A, %add3A : i32
    %add3A_23 = arith.constant 32 : i32
    %add3A_24 = arith.addi %sub3A_22, %add3A_23 : i32
    %sub3A_25 = arith.constant 1 : i32
    %sub3A_26 = arith.subi %add3A_24, %sub3A_25 : i32
    %jit3A = arith.constant 32 : i32
    %div3A = arith.divsi %sub3A_26, %jit3A : i32
    %sign3A = arith.constant 0 : i32
    %sign3A_27 = arith.cmpi sgt, %sub3A_26, %sign3A : i32
    %sign3A_28 = arith.extui %sign3A_27 : i1 to i32
    %sign3A_29 = arith.constant 0 : i32
    %sign3A_30 = arith.cmpi slt, %sub3A_26, %sign3A_29 : i32
    %sign3A_31 = arith.extui %sign3A_30 : i1 to i32
    %sign3A_32 = arith.subi %sign3A_28, %sign3A_31 : i32
    %sign3A_33 = arith.constant 0 : i32
    %sign3A_34 = arith.cmpi sgt, %jit3A, %sign3A_33 : i32
    %sign3A_35 = arith.extui %sign3A_34 : i1 to i32
    %sign3A_36 = arith.constant 0 : i32
    %sign3A_37 = arith.cmpi slt, %jit3A, %sign3A_36 : i32
    %sign3A_38 = arith.extui %sign3A_37 : i1 to i32
    %sign3A_39 = arith.subi %sign3A_35, %sign3A_38 : i32
    %ne3A = arith.cmpi ne, %sign3A_32, %sign3A_39 : i32
    %rem3A = arith.remsi %sub3A_26, %jit3A : i32
    %ne3A_40 = arith.constant 0 : i32
    %ne3A_41 = arith.cmpi ne, %rem3A, %ne3A_40 : i32
    %and3A = arith.andi %ne3A, %ne3A_41 : i1
    %sub3A_42 = arith.constant 1 : i32
    %sub3A_43 = arith.subi %div3A, %sub3A_42 : i32
    %select_n3A = arith.select %and3A, %sub3A_43, %div3A : i32
    %gt3A = arith.constant 0 : i32
    %gt3A_44 = arith.cmpi sgt, %select_n3A, %gt3A : i32
    %convert_element_type3A = arith.extui %gt3A_44 : i1 to i32
    %cond3A = arith.constant 0 : i32
    %cond3A_45 = arith.cmpi ne, %convert_element_type3A, %cond3A : i32
    scf.if %cond3A_45 {
      %add3A_701 = arith.constant 0 : i32
      %add3A_702 = arith.addi %add3A, %add3A_701 : i32
      %dma_start3A_703 = arith.constant 0 : i32
      %dma_start3A_704 = tpu.memref_slice %arg4[%add3A_702, %dma_start3A_703] : memref<5000x128xi32, #tpu.memory_space<hbm>> -> memref<1x128xi32, #tpu.memory_space<hbm>>
      %dma_start3A_705 = tpu.memref_squeeze %dma_start3A_704 : memref<1x128xi32, #tpu.memory_space<hbm>> -> memref<128xi32, #tpu.memory_space<hbm>>
      %dma_start3A_706 = arith.constant 0 : i32
      %dma_start3A_707 = tpu.memref_slice %arg4[%add3A_702, %dma_start3A_706] : memref<5000x128xi32, #tpu.memory_space<hbm>> -> memref<1x128xi32, #tpu.memory_space<hbm>>
      %dma_start3A_708 = tpu.memref_squeeze %dma_start3A_707 : memref<1x128xi32, #tpu.memory_space<hbm>> -> memref<128xi32, #tpu.memory_space<hbm>>
      tpu.enqueue_dma source(%dma_start3A_708 : memref<128xi32, #tpu.memory_space<hbm>>) target(%arg7 : memref<128xi32, #tpu.memory_space<vmem>>) target_semaphore(%arg14 : memref<!tpu.dma_semaphore, #tpu.memory_space<semaphore_mem>>)
      %dma_wait3A_709 = arith.constant 0 : i32
      %dma_wait3A_710 = arith.constant 0 : i32
      %dma_wait3A_711 = tpu.memref_slice %arg4[%dma_wait3A_709, %dma_wait3A_710] : memref<5000x128xi32, #tpu.memory_space<hbm>> -> memref<1x128xi32, #tpu.memory_space<hbm>>
      %dma_wait3A_712 = tpu.memref_squeeze %dma_wait3A_711 : memref<1x128xi32, #tpu.memory_space<hbm>> -> memref<128xi32, #tpu.memory_space<hbm>>
      %dma_wait3A_713 = arith.constant 0 : i32
      %dma_wait3A_714 = tpu.memref_slice %arg4[%dma_wait3A_709, %dma_wait3A_713] : memref<5000x128xi32, #tpu.memory_space<hbm>> -> memref<1x128xi32, #tpu.memory_space<hbm>>
      %dma_wait3A_715 = tpu.memref_squeeze %dma_wait3A_714 : memref<1x128xi32, #tpu.memory_space<hbm>> -> memref<128xi32, #tpu.memory_space<hbm>>
      tpu.wait_dma2 semaphore(%arg14 : memref<!tpu.dma_semaphore, #tpu.memory_space<semaphore_mem>>) src(%dma_wait3A_715 : memref<128xi32, #tpu.memory_space<hbm>>) dst(%arg7 : memref<128xi32, #tpu.memory_space<vmem>>)
      %add3A_716 = arith.constant 0 : i32
      %add3A_717 = arith.addi %add3A, %add3A_716 : i32
      %mul3A_718 = arith.constant 64 : i32
      %mul3A_719 = arith.muli %add3A_717, %mul3A_718 : i32
      %dma_start3A_720 = arith.constant 0 : i32
      %dma_start3A_721 = arith.constant 0 : i32
      %dma_start3A_722 = tpu.memref_slice %arg11[%dma_start3A_720, %dma_start3A_721] : memref<128x128xf32, #tpu.memory_space<vmem>> -> memref<32x128xf32, #tpu.memory_space<vmem>>
      %dma_start3A_723 = arith.constant 0 : i32
      %dma_start3A_724 = tpu.memref_slice %arg7[%dma_start3A_723] : memref<128xi32, #tpu.memory_space<vmem>> -> memref<32xi32, #tpu.memory_space<vmem>>
      %dma_start3A_725 = arith.constant 0 : i32
      %dma_start3A_726 = arith.constant 0 : i32
      %dma_start3A_727 = tpu.memref_slice %arg2[%dma_start3A_725, %dma_start3A_726] : memref<10000x128xf32, #tpu.memory_space<hbm>> -> memref<10000x128xf32, #tpu.memory_space<hbm>>
      tpu.enqueue_indirect_dma source(%dma_start3A_727 : memref<10000x128xf32, #tpu.memory_space<hbm>>) target(%dma_start3A_722 : memref<32x128xf32, #tpu.memory_space<vmem>>) offsets(%dma_start3A_724 : memref<32xi32, #tpu.memory_space<vmem>>) semaphore(%arg16 : memref<!tpu.dma_semaphore, #tpu.memory_space<semaphore_mem>>)
      %dma_start3A_728 = arith.constant 32 : i32
      %dma_start3A_729 = arith.constant 0 : i32
      %dma_start3A_730 = tpu.memref_slice %arg11[%dma_start3A_728, %dma_start3A_729] : memref<128x128xf32, #tpu.memory_space<vmem>> -> memref<32x128xf32, #tpu.memory_space<vmem>>
      %dma_start3A_731 = arith.constant 32 : i32
      %dma_start3A_732 = tpu.memref_slice %arg7[%dma_start3A_731] : memref<128xi32, #tpu.memory_space<vmem>> -> memref<32xi32, #tpu.memory_space<vmem>>
      %dma_start3A_733 = arith.constant 0 : i32
      %dma_start3A_734 = arith.constant 0 : i32
      %dma_start3A_735 = tpu.memref_slice %arg2[%dma_start3A_733, %dma_start3A_734] : memref<10000x128xf32, #tpu.memory_space<hbm>> -> memref<10000x128xf32, #tpu.memory_space<hbm>>
      tpu.enqueue_indirect_dma source(%dma_start3A_735 : memref<10000x128xf32, #tpu.memory_space<hbm>>) target(%dma_start3A_730 : memref<32x128xf32, #tpu.memory_space<vmem>>) offsets(%dma_start3A_732 : memref<32xi32, #tpu.memory_space<vmem>>) semaphore(%arg20 : memref<!tpu.dma_semaphore, #tpu.memory_space<semaphore_mem>>)
      %dma_start3A_736 = arith.constant 64 : i32
      %dma_start3A_737 = arith.constant 0 : i32
      %dma_start3A_738 = tpu.memref_slice %arg11[%dma_start3A_736, %dma_start3A_737] : memref<128x128xf32, #tpu.memory_space<vmem>> -> memref<64x128xf32, #tpu.memory_space<vmem>>
      %dma_start3A_739 = arith.constant 0 : i32
      %dma_start3A_740 = tpu.memref_slice %arg3[%mul3A_719, %dma_start3A_739] : memref<320000x128xf32, #tpu.memory_space<hbm>> -> memref<64x128xf32, #tpu.memory_space<hbm>>
      %dma_start3A_741 = arith.constant 64 : i32
      %dma_start3A_742 = arith.constant 0 : i32
      %dma_start3A_743 = tpu.memref_slice %arg11[%dma_start3A_741, %dma_start3A_742] : memref<128x128xf32, #tpu.memory_space<vmem>> -> memref<64x128xf32, #tpu.memory_space<vmem>>
      %dma_start3A_744 = arith.constant 0 : i32
      %dma_start3A_745 = tpu.memref_slice %arg3[%mul3A_719, %dma_start3A_744] : memref<320000x128xf32, #tpu.memory_space<hbm>> -> memref<64x128xf32, #tpu.memory_space<hbm>>
      tpu.enqueue_dma source(%dma_start3A_745 : memref<64x128xf32, #tpu.memory_space<hbm>>) target(%dma_start3A_743 : memref<64x128xf32, #tpu.memory_space<vmem>>) target_semaphore(%arg16 : memref<!tpu.dma_semaphore, #tpu.memory_space<semaphore_mem>>)
      %gt3A_746 = arith.constant 1 : i32
      %gt3A_747 = arith.cmpi sgt, %select_n3A, %gt3A_746 : i32
      %convert_element_type3A_748 = arith.extui %gt3A_747 : i1 to i32
      %cond3A_749 = arith.constant 0 : i32
      %cond3A_750 = arith.cmpi ne, %convert_element_type3A_748, %cond3A_749 : i32
      scf.if %cond3A_750 {
        %add3A_794 = arith.constant 32 : i32
        %add3A_795 = arith.addi %add3A, %add3A_794 : i32
        %dma_start3A_796 = arith.constant 0 : i32
        %dma_start3A_797 = tpu.memref_slice %arg4[%add3A_795, %dma_start3A_796] : memref<5000x128xi32, #tpu.memory_space<hbm>> -> memref<1x128xi32, #tpu.memory_space<hbm>>
        %dma_start3A_798 = tpu.memref_squeeze %dma_start3A_797 : memref<1x128xi32, #tpu.memory_space<hbm>> -> memref<128xi32, #tpu.memory_space<hbm>>
        %dma_start3A_799 = arith.constant 0 : i32
        %dma_start3A_800 = tpu.memref_slice %arg4[%add3A_795, %dma_start3A_799] : memref<5000x128xi32, #tpu.memory_space<hbm>> -> memref<1x128xi32, #tpu.memory_space<hbm>>
        %dma_start3A_801 = tpu.memref_squeeze %dma_start3A_800 : memref<1x128xi32, #tpu.memory_space<hbm>> -> memref<128xi32, #tpu.memory_space<hbm>>
        tpu.enqueue_dma source(%dma_start3A_801 : memref<128xi32, #tpu.memory_space<hbm>>) target(%arg8 : memref<128xi32, #tpu.memory_space<vmem>>) target_semaphore(%arg15 : memref<!tpu.dma_semaphore, #tpu.memory_space<semaphore_mem>>)
      } else {
      }
      %add3A_751 = arith.constant 1 : i32
      %add3A_752 = arith.addi %select_n3A, %add3A_751 : i32
      %jit3A_753 = arith.constant 2 : i32
      %div3A_754 = arith.divsi %add3A_752, %jit3A_753 : i32
      %sign3A_755 = arith.constant 0 : i32
      %sign3A_756 = arith.cmpi sgt, %add3A_752, %sign3A_755 : i32
      %sign3A_757 = arith.extui %sign3A_756 : i1 to i32
      %sign3A_758 = arith.constant 0 : i32
      %sign3A_759 = arith.cmpi slt, %add3A_752, %sign3A_758 : i32
      %sign3A_760 = arith.extui %sign3A_759 : i1 to i32
      %sign3A_761 = arith.subi %sign3A_757, %sign3A_760 : i32
      %sign3A_762 = arith.constant 0 : i32
      %sign3A_763 = arith.cmpi sgt, %jit3A_753, %sign3A_762 : i32
      %sign3A_764 = arith.extui %sign3A_763 : i1 to i32
      %sign3A_765 = arith.constant 0 : i32
      %sign3A_766 = arith.cmpi slt, %jit3A_753, %sign3A_765 : i32
      %sign3A_767 = arith.extui %sign3A_766 : i1 to i32
      %sign3A_768 = arith.subi %sign3A_764, %sign3A_767 : i32
      %ne3A_769 = arith.cmpi ne, %sign3A_761, %sign3A_768 : i32
      %rem3A_770 = arith.remsi %add3A_752, %jit3A_753 : i32
      %ne3A_771 = arith.constant 0 : i32
      %ne3A_772 = arith.cmpi ne, %rem3A_770, %ne3A_771 : i32
      %and3A_773 = arith.andi %ne3A_769, %ne3A_772 : i1
      %sub3A_774 = arith.constant 1 : i32
      %sub3A_775 = arith.subi %div3A_754, %sub3A_774 : i32
      %select_n3A_776 = arith.select %and3A_773, %sub3A_775, %div3A_754 : i32
      %while3A = arith.constant 0 : i32
      %while3A_777 = arith.constant 0 : i32
      %while3A_778 = arith.subi %select_n3A_776, %while3A_777 : i32
      %while3A_779 = arith.addi %while3A_777, %while3A_778 : i32
      %while3A_780 = arith.constant 1 : i32
      %while3A_781 = arith.divsi %while3A_778, %while3A_780 : i32
      %while3A_782 = arith.muli %while3A_781, %while3A_780 : i32
      %while3A_783 = arith.addi %while3A_777, %while3A_782 : i32
      %while3A_784 = arith.constant 1 : i32
      scf.for %while3A_794 = %while3A_777 to %while3A_783 step %while3A_784  : i32 {
        %mul3A_795 = arith.constant 2 : i32
        %mul3A_796 = arith.muli %mul3A_795, %while3A_794 : i32
        %add3A_797 = arith.constant 0 : i32
        %add3A_798 = arith.addi %mul3A_796, %add3A_797 : i32
        %lt3A = arith.cmpi slt, %add3A_798, %select_n3A : i32
        %convert_element_type3A_799 = arith.extui %lt3A : i1 to i32
        %cond3A_800 = arith.constant 0 : i32
        %cond3A_801 = arith.cmpi ne, %convert_element_type3A_799, %cond3A_800 : i32
        scf.if %cond3A_801 {
          %add3A_810 = arith.constant 1 : i32
          %add3A_811 = arith.addi %add3A_798, %add3A_810 : i32
          %lt3A_812 = arith.cmpi slt, %add3A_811, %select_n3A : i32
          %convert_element_type3A_813 = arith.extui %lt3A_812 : i1 to i32
          %cond3A_814 = arith.constant 0 : i32
          %cond3A_815 = arith.cmpi ne, %convert_element_type3A_813, %cond3A_814 : i32
          scf.if %cond3A_815 {
            %dma_wait3A_895 = arith.constant 0 : i32
            %dma_wait3A_896 = arith.constant 0 : i32
            %dma_wait3A_897 = tpu.memref_slice %arg4[%dma_wait3A_895, %dma_wait3A_896] : memref<5000x128xi32, #tpu.memory_space<hbm>> -> memref<1x128xi32, #tpu.memory_space<hbm>>
            %dma_wait3A_898 = tpu.memref_squeeze %dma_wait3A_897 : memref<1x128xi32, #tpu.memory_space<hbm>> -> memref<128xi32, #tpu.memory_space<hbm>>
            %dma_wait3A_899 = arith.constant 0 : i32
            %dma_wait3A_900 = tpu.memref_slice %arg4[%dma_wait3A_895, %dma_wait3A_899] : memref<5000x128xi32, #tpu.memory_space<hbm>> -> memref<1x128xi32, #tpu.memory_space<hbm>>
            %dma_wait3A_901 = tpu.memref_squeeze %dma_wait3A_900 : memref<1x128xi32, #tpu.memory_space<hbm>> -> memref<128xi32, #tpu.memory_space<hbm>>
            tpu.wait_dma2 semaphore(%arg15 : memref<!tpu.dma_semaphore, #tpu.memory_space<semaphore_mem>>) src(%dma_wait3A_901 : memref<128xi32, #tpu.memory_space<hbm>>) dst(%arg8 : memref<128xi32, #tpu.memory_space<vmem>>)
            %ge3A = arith.constant 1 : i32
            %ge3A_902 = arith.cmpi sge, %add3A_798, %ge3A : i32
            %convert_element_type3A_903 = arith.extui %ge3A_902 : i1 to i32
            %cond3A_904 = arith.constant 0 : i32
            %cond3A_905 = arith.cmpi ne, %convert_element_type3A_903, %cond3A_904 : i32
            scf.if %cond3A_905 {
              %dma_wait3A_939 = arith.constant 0 : i32
              %dma_wait3A_940 = arith.constant 0 : i32
              %dma_wait3A_941 = tpu.memref_slice %arg6[%dma_wait3A_939, %dma_wait3A_940] : memref<10240x128xf32, #tpu.memory_space<vmem_shared>> -> memref<10240x128xf32, #tpu.memory_space<vmem_shared>>
              tpu.wait_indirect_dma semaphore(%arg19 : memref<!tpu.dma_semaphore, #tpu.memory_space<semaphore_mem>>) src(%arg12 : memref<128x128xf32, #tpu.memory_space<vmem>>) dst(%dma_wait3A_941 : memref<10240x128xf32, #tpu.memory_space<vmem_shared>>)
            } else {
            }
            %add3A_906 = arith.constant 1 : i32
            %add3A_907 = arith.addi %add3A_798, %add3A_906 : i32
            %mul3A_908 = arith.constant 32 : i32
            %mul3A_909 = arith.muli %add3A_907, %mul3A_908 : i32
            %add3A_910 = arith.addi %add3A, %mul3A_909 : i32
            %mul3A_911 = arith.constant 64 : i32
            %mul3A_912 = arith.muli %add3A_910, %mul3A_911 : i32
            %dma_start3A_913 = arith.constant 0 : i32
            %dma_start3A_914 = arith.constant 0 : i32
            %dma_start3A_915 = tpu.memref_slice %arg12[%dma_start3A_913, %dma_start3A_914] : memref<128x128xf32, #tpu.memory_space<vmem>> -> memref<32x128xf32, #tpu.memory_space<vmem>>
            %dma_start3A_916 = arith.constant 0 : i32
            %dma_start3A_917 = tpu.memref_slice %arg8[%dma_start3A_916] : memref<128xi32, #tpu.memory_space<vmem>> -> memref<32xi32, #tpu.memory_space<vmem>>
            %dma_start3A_918 = arith.constant 0 : i32
            %dma_start3A_919 = arith.constant 0 : i32
            %dma_start3A_920 = tpu.memref_slice %arg2[%dma_start3A_918, %dma_start3A_919] : memref<10000x128xf32, #tpu.memory_space<hbm>> -> memref<10000x128xf32, #tpu.memory_space<hbm>>
            tpu.enqueue_indirect_dma source(%dma_start3A_920 : memref<10000x128xf32, #tpu.memory_space<hbm>>) target(%dma_start3A_915 : memref<32x128xf32, #tpu.memory_space<vmem>>) offsets(%dma_start3A_917 : memref<32xi32, #tpu.memory_space<vmem>>) semaphore(%arg17 : memref<!tpu.dma_semaphore, #tpu.memory_space<semaphore_mem>>)
            %dma_start3A_921 = arith.constant 32 : i32
            %dma_start3A_922 = arith.constant 0 : i32
            %dma_start3A_923 = tpu.memref_slice %arg12[%dma_start3A_921, %dma_start3A_922] : memref<128x128xf32, #tpu.memory_space<vmem>> -> memref<32x128xf32, #tpu.memory_space<vmem>>
            %dma_start3A_924 = arith.constant 32 : i32
            %dma_start3A_925 = tpu.memref_slice %arg8[%dma_start3A_924] : memref<128xi32, #tpu.memory_space<vmem>> -> memref<32xi32, #tpu.memory_space<vmem>>
            %dma_start3A_926 = arith.constant 0 : i32
            %dma_start3A_927 = arith.constant 0 : i32
            %dma_start3A_928 = tpu.memref_slice %arg2[%dma_start3A_926, %dma_start3A_927] : memref<10000x128xf32, #tpu.memory_space<hbm>> -> memref<10000x128xf32, #tpu.memory_space<hbm>>
            tpu.enqueue_indirect_dma source(%dma_start3A_928 : memref<10000x128xf32, #tpu.memory_space<hbm>>) target(%dma_start3A_923 : memref<32x128xf32, #tpu.memory_space<vmem>>) offsets(%dma_start3A_925 : memref<32xi32, #tpu.memory_space<vmem>>) semaphore(%arg21 : memref<!tpu.dma_semaphore, #tpu.memory_space<semaphore_mem>>)
            %dma_start3A_929 = arith.constant 64 : i32
            %dma_start3A_930 = arith.constant 0 : i32
            %dma_start3A_931 = tpu.memref_slice %arg12[%dma_start3A_929, %dma_start3A_930] : memref<128x128xf32, #tpu.memory_space<vmem>> -> memref<64x128xf32, #tpu.memory_space<vmem>>
            %dma_start3A_932 = arith.constant 0 : i32
            %dma_start3A_933 = tpu.memref_slice %arg3[%mul3A_912, %dma_start3A_932] : memref<320000x128xf32, #tpu.memory_space<hbm>> -> memref<64x128xf32, #tpu.memory_space<hbm>>
            %dma_start3A_934 = arith.constant 64 : i32
            %dma_start3A_935 = arith.constant 0 : i32
            %dma_start3A_936 = tpu.memref_slice %arg12[%dma_start3A_934, %dma_start3A_935] : memref<128x128xf32, #tpu.memory_space<vmem>> -> memref<64x128xf32, #tpu.memory_space<vmem>>
            %dma_start3A_937 = arith.constant 0 : i32
            %dma_start3A_938 = tpu.memref_slice %arg3[%mul3A_912, %dma_start3A_937] : memref<320000x128xf32, #tpu.memory_space<hbm>> -> memref<64x128xf32, #tpu.memory_space<hbm>>
            tpu.enqueue_dma source(%dma_start3A_938 : memref<64x128xf32, #tpu.memory_space<hbm>>) target(%dma_start3A_936 : memref<64x128xf32, #tpu.memory_space<vmem>>) target_semaphore(%arg17 : memref<!tpu.dma_semaphore, #tpu.memory_space<semaphore_mem>>)
          } else {
          }
          %dma_wait3A_816 = arith.constant 0 : i32
          %dma_wait3A_817 = arith.constant 0 : i32
          %dma_wait3A_818 = tpu.memref_slice %arg11[%dma_wait3A_816, %dma_wait3A_817] : memref<128x128xf32, #tpu.memory_space<vmem>> -> memref<32x128xf32, #tpu.memory_space<vmem>>
          %dma_wait3A_819 = arith.constant 0 : i32
          %dma_wait3A_820 = tpu.memref_slice %arg7[%dma_wait3A_819] : memref<128xi32, #tpu.memory_space<vmem>> -> memref<32xi32, #tpu.memory_space<vmem>>
          %dma_wait3A_821 = arith.constant 0 : i32
          %dma_wait3A_822 = arith.constant 0 : i32
          %dma_wait3A_823 = tpu.memref_slice %arg2[%dma_wait3A_821, %dma_wait3A_822] : memref<10000x128xf32, #tpu.memory_space<hbm>> -> memref<10000x128xf32, #tpu.memory_space<hbm>>
          tpu.wait_indirect_dma semaphore(%arg16 : memref<!tpu.dma_semaphore, #tpu.memory_space<semaphore_mem>>) src(%dma_wait3A_823 : memref<10000x128xf32, #tpu.memory_space<hbm>>) dst(%dma_wait3A_818 : memref<32x128xf32, #tpu.memory_space<vmem>>)
          %dma_wait3A_824 = arith.constant 32 : i32
          %dma_wait3A_825 = arith.constant 0 : i32
          %dma_wait3A_826 = tpu.memref_slice %arg11[%dma_wait3A_824, %dma_wait3A_825] : memref<128x128xf32, #tpu.memory_space<vmem>> -> memref<32x128xf32, #tpu.memory_space<vmem>>
          %dma_wait3A_827 = arith.constant 32 : i32
          %dma_wait3A_828 = tpu.memref_slice %arg7[%dma_wait3A_827] : memref<128xi32, #tpu.memory_space<vmem>> -> memref<32xi32, #tpu.memory_space<vmem>>
          %dma_wait3A_829 = arith.constant 0 : i32
          %dma_wait3A_830 = arith.constant 0 : i32
          %dma_wait3A_831 = tpu.memref_slice %arg2[%dma_wait3A_829, %dma_wait3A_830] : memref<10000x128xf32, #tpu.memory_space<hbm>> -> memref<10000x128xf32, #tpu.memory_space<hbm>>
          tpu.wait_indirect_dma semaphore(%arg20 : memref<!tpu.dma_semaphore, #tpu.memory_space<semaphore_mem>>) src(%dma_wait3A_831 : memref<10000x128xf32, #tpu.memory_space<hbm>>) dst(%dma_wait3A_826 : memref<32x128xf32, #tpu.memory_space<vmem>>)
          %dma_wait3A_832 = arith.constant 64 : i32
          %dma_wait3A_833 = arith.constant 0 : i32
          %dma_wait3A_834 = tpu.memref_slice %arg11[%dma_wait3A_832, %dma_wait3A_833] : memref<128x128xf32, #tpu.memory_space<vmem>> -> memref<64x128xf32, #tpu.memory_space<vmem>>
          %dma_wait3A_835 = arith.constant 0 : i32
          %dma_wait3A_836 = arith.constant 0 : i32
          %dma_wait3A_837 = tpu.memref_slice %arg3[%dma_wait3A_835, %dma_wait3A_836] : memref<320000x128xf32, #tpu.memory_space<hbm>> -> memref<64x128xf32, #tpu.memory_space<hbm>>
          %dma_wait3A_838 = arith.constant 64 : i32
          %dma_wait3A_839 = arith.constant 0 : i32
          %dma_wait3A_840 = tpu.memref_slice %arg11[%dma_wait3A_838, %dma_wait3A_839] : memref<128x128xf32, #tpu.memory_space<vmem>> -> memref<64x128xf32, #tpu.memory_space<vmem>>
          %dma_wait3A_841 = arith.constant 0 : i32
          %dma_wait3A_842 = arith.constant 0 : i32
          %dma_wait3A_843 = tpu.memref_slice %arg3[%dma_wait3A_841, %dma_wait3A_842] : memref<320000x128xf32, #tpu.memory_space<hbm>> -> memref<64x128xf32, #tpu.memory_space<hbm>>
          tpu.wait_dma2 semaphore(%arg16 : memref<!tpu.dma_semaphore, #tpu.memory_space<semaphore_mem>>) src(%dma_wait3A_843 : memref<64x128xf32, #tpu.memory_space<hbm>>) dst(%dma_wait3A_840 : memref<64x128xf32, #tpu.memory_space<vmem>>)
          %get3A = arith.constant 64 : index
          %get3A_844 = tpu.vector_load %arg7[%get3A] {strides = array<i32>} : memref<128xi32, #tpu.memory_space<vmem>>, vector<16xi32>,
          %get3A_845 = vector.shape_cast %get3A_844 : vector<16xi32> to vector<16xi32>
          %swap3A = arith.constant 0 : index
          %swap3A_846 = tpu.vector_load %arg9[%swap3A] {strides = array<i32>} : memref<128xi32, #tpu.memory_space<vmem>>, vector<16xi32>,
          %swap3A_847 = vector.shape_cast %swap3A_846 : vector<16xi32> to vector<16xi32>
          %swap3A_848 = vector.shape_cast %get3A_845 : vector<16xi32> to vector<16xi32>
          tpu.vector_store %arg9[%swap3A], %swap3A_848 {strides = array<i32>} : memref<128xi32, #tpu.memory_space<vmem>>, vector<16xi32>,
          %swap3A_849 = arith.constant 64 : index
          %swap3A_850 = tpu.vector_load %arg9[%swap3A_849] {strides = array<i32>} : memref<128xi32, #tpu.memory_space<vmem>>, vector<16xi32>,
          %swap3A_851 = vector.shape_cast %swap3A_850 : vector<16xi32> to vector<16xi32>
          %swap3A_852 = vector.shape_cast %get3A_845 : vector<16xi32> to vector<16xi32>
          tpu.vector_store %arg9[%swap3A_849], %swap3A_852 {strides = array<i32>} : memref<128xi32, #tpu.memory_space<vmem>>, vector<16xi32>,
          %get3A_853 = arith.constant 80 : index
          %get3A_854 = tpu.vector_load %arg7[%get3A_853] {strides = array<i32>} : memref<128xi32, #tpu.memory_space<vmem>>, vector<16xi32>,
          %get3A_855 = vector.shape_cast %get3A_854 : vector<16xi32> to vector<16xi32>
          %swap3A_856 = arith.constant 16 : index
          %swap3A_857 = tpu.vector_load %arg9[%swap3A_856] {strides = array<i32>} : memref<128xi32, #tpu.memory_space<vmem>>, vector<16xi32>,
          %swap3A_858 = vector.shape_cast %swap3A_857 : vector<16xi32> to vector<16xi32>
          %swap3A_859 = vector.shape_cast %get3A_855 : vector<16xi32> to vector<16xi32>
          tpu.vector_store %arg9[%swap3A_856], %swap3A_859 {strides = array<i32>} : memref<128xi32, #tpu.memory_space<vmem>>, vector<16xi32>,
          %swap3A_860 = arith.constant 80 : index
          %swap3A_861 = tpu.vector_load %arg9[%swap3A_860] {strides = array<i32>} : memref<128xi32, #tpu.memory_space<vmem>>, vector<16xi32>,
          %swap3A_862 = vector.shape_cast %swap3A_861 : vector<16xi32> to vector<16xi32>
          %swap3A_863 = vector.shape_cast %get3A_855 : vector<16xi32> to vector<16xi32>
          tpu.vector_store %arg9[%swap3A_860], %swap3A_863 {strides = array<i32>} : memref<128xi32, #tpu.memory_space<vmem>>, vector<16xi32>,
          %get3A_864 = arith.constant 96 : index
          %get3A_865 = tpu.vector_load %arg7[%get3A_864] {strides = array<i32>} : memref<128xi32, #tpu.memory_space<vmem>>, vector<16xi32>,
          %get3A_866 = vector.shape_cast %get3A_865 : vector<16xi32> to vector<16xi32>
          %swap3A_867 = arith.constant 32 : index
          %swap3A_868 = tpu.vector_load %arg9[%swap3A_867] {strides = array<i32>} : memref<128xi32, #tpu.memory_space<vmem>>, vector<16xi32>,
          %swap3A_869 = vector.shape_cast %swap3A_868 : vector<16xi32> to vector<16xi32>
          %swap3A_870 = vector.shape_cast %get3A_866 : vector<16xi32> to vector<16xi32>
          tpu.vector_store %arg9[%swap3A_867], %swap3A_870 {strides = array<i32>} : memref<128xi32, #tpu.memory_space<vmem>>, vector<16xi32>,
          %swap3A_871 = arith.constant 96 : index
          %swap3A_872 = tpu.vector_load %arg9[%swap3A_871] {strides = array<i32>} : memref<128xi32, #tpu.memory_space<vmem>>, vector<16xi32>,
          %swap3A_873 = vector.shape_cast %swap3A_872 : vector<16xi32> to vector<16xi32>
          %swap3A_874 = vector.shape_cast %get3A_866 : vector<16xi32> to vector<16xi32>
          tpu.vector_store %arg9[%swap3A_871], %swap3A_874 {strides = array<i32>} : memref<128xi32, #tpu.memory_space<vmem>>, vector<16xi32>,
          %get3A_875 = arith.constant 112 : index
          %get3A_876 = tpu.vector_load %arg7[%get3A_875] {strides = array<i32>} : memref<128xi32, #tpu.memory_space<vmem>>, vector<16xi32>,
          %get3A_877 = vector.shape_cast %get3A_876 : vector<16xi32> to vector<16xi32>
          %swap3A_878 = arith.constant 48 : index
          %swap3A_879 = tpu.vector_load %arg9[%swap3A_878] {strides = array<i32>} : memref<128xi32, #tpu.memory_space<vmem>>, vector<16xi32>,
          %swap3A_880 = vector.shape_cast %swap3A_879 : vector<16xi32> to vector<16xi32>
          %swap3A_881 = vector.shape_cast %get3A_877 : vector<16xi32> to vector<16xi32>
          tpu.vector_store %arg9[%swap3A_878], %swap3A_881 {strides = array<i32>} : memref<128xi32, #tpu.memory_space<vmem>>, vector<16xi32>,
          %swap3A_882 = arith.constant 112 : index
          %swap3A_883 = tpu.vector_load %arg9[%swap3A_882] {strides = array<i32>} : memref<128xi32, #tpu.memory_space<vmem>>, vector<16xi32>,
          %swap3A_884 = vector.shape_cast %swap3A_883 : vector<16xi32> to vector<16xi32>
          %swap3A_885 = vector.shape_cast %get3A_877 : vector<16xi32> to vector<16xi32>
          tpu.vector_store %arg9[%swap3A_882], %swap3A_885 {strides = array<i32>} : memref<128xi32, #tpu.memory_space<vmem>>, vector<16xi32>,
          %dma_start3A_886 = arith.constant 0 : i32
          %dma_start3A_887 = arith.constant 0 : i32
          %dma_start3A_888 = tpu.memref_slice %arg6[%dma_start3A_886, %dma_start3A_887] : memref<10240x128xf32, #tpu.memory_space<vmem_shared>> -> memref<10240x128xf32, #tpu.memory_space<vmem_shared>>
          tpu.enqueue_indirect_dma source(%arg11 : memref<128x128xf32, #tpu.memory_space<vmem>>) target(%dma_start3A_888 : memref<10240x128xf32, #tpu.memory_space<vmem_shared>>) offsets(%arg9 : memref<128xi32, #tpu.memory_space<vmem>>) semaphore(%arg18 : memref<!tpu.dma_semaphore, #tpu.memory_space<semaphore_mem>>) {add = true}
          %add3A_889 = arith.constant 2 : i32
          %add3A_890 = arith.addi %add3A_798, %add3A_889 : i32
          %lt3A_891 = arith.cmpi slt, %add3A_890, %select_n3A : i32
          %convert_element_type3A_892 = arith.extui %lt3A_891 : i1 to i32
          %cond3A_893 = arith.constant 0 : i32
          %cond3A_894 = arith.cmpi ne, %convert_element_type3A_892, %cond3A_893 : i32
          scf.if %cond3A_894 {
            %add3A_895 = arith.constant 2 : i32
            %add3A_896 = arith.addi %add3A_798, %add3A_895 : i32
            %mul3A_897 = arith.constant 32 : i32
            %mul3A_898 = arith.muli %add3A_896, %mul3A_897 : i32
            %add3A_899 = arith.addi %add3A, %mul3A_898 : i32
            %dma_start3A_900 = arith.constant 0 : i32
            %dma_start3A_901 = tpu.memref_slice %arg4[%add3A_899, %dma_start3A_900] : memref<5000x128xi32, #tpu.memory_space<hbm>> -> memref<1x128xi32, #tpu.memory_space<hbm>>
            %dma_start3A_902 = tpu.memref_squeeze %dma_start3A_901 : memref<1x128xi32, #tpu.memory_space<hbm>> -> memref<128xi32, #tpu.memory_space<hbm>>
            %dma_start3A_903 = arith.constant 0 : i32
            %dma_start3A_904 = tpu.memref_slice %arg4[%add3A_899, %dma_start3A_903] : memref<5000x128xi32, #tpu.memory_space<hbm>> -> memref<1x128xi32, #tpu.memory_space<hbm>>
            %dma_start3A_905 = tpu.memref_squeeze %dma_start3A_904 : memref<1x128xi32, #tpu.memory_space<hbm>> -> memref<128xi32, #tpu.memory_space<hbm>>
            tpu.enqueue_dma source(%dma_start3A_905 : memref<128xi32, #tpu.memory_space<hbm>>) target(%arg7 : memref<128xi32, #tpu.memory_space<vmem>>) target_semaphore(%arg14 : memref<!tpu.dma_semaphore, #tpu.memory_space<semaphore_mem>>)
          } else {
          }
        } else {
        }
        %mul3A_802 = arith.constant 2 : i32
        %mul3A_803 = arith.muli %mul3A_802, %while3A_794 : i32
        %add3A_804 = arith.constant 1 : i32
        %add3A_805 = arith.addi %mul3A_803, %add3A_804 : i32
        %lt3A_806 = arith.cmpi slt, %add3A_805, %select_n3A : i32
        %convert_element_type3A_807 = arith.extui %lt3A_806 : i1 to i32
        %cond3A_808 = arith.constant 0 : i32
        %cond3A_809 = arith.cmpi ne, %convert_element_type3A_807, %cond3A_808 : i32
        scf.if %cond3A_809 {
          %add3A_810 = arith.constant 1 : i32
          %add3A_811 = arith.addi %add3A_805, %add3A_810 : i32
          %lt3A_812 = arith.cmpi slt, %add3A_811, %select_n3A : i32
          %convert_element_type3A_813 = arith.extui %lt3A_812 : i1 to i32
          %cond3A_814 = arith.constant 0 : i32
          %cond3A_815 = arith.cmpi ne, %convert_element_type3A_813, %cond3A_814 : i32
          scf.if %cond3A_815 {
            %dma_wait3A_895 = arith.constant 0 : i32
            %dma_wait3A_896 = arith.constant 0 : i32
            %dma_wait3A_897 = tpu.memref_slice %arg4[%dma_wait3A_895, %dma_wait3A_896] : memref<5000x128xi32, #tpu.memory_space<hbm>> -> memref<1x128xi32, #tpu.memory_space<hbm>>
            %dma_wait3A_898 = tpu.memref_squeeze %dma_wait3A_897 : memref<1x128xi32, #tpu.memory_space<hbm>> -> memref<128xi32, #tpu.memory_space<hbm>>
            %dma_wait3A_899 = arith.constant 0 : i32
            %dma_wait3A_900 = tpu.memref_slice %arg4[%dma_wait3A_895, %dma_wait3A_899] : memref<5000x128xi32, #tpu.memory_space<hbm>> -> memref<1x128xi32, #tpu.memory_space<hbm>>
            %dma_wait3A_901 = tpu.memref_squeeze %dma_wait3A_900 : memref<1x128xi32, #tpu.memory_space<hbm>> -> memref<128xi32, #tpu.memory_space<hbm>>
            tpu.wait_dma2 semaphore(%arg14 : memref<!tpu.dma_semaphore, #tpu.memory_space<semaphore_mem>>) src(%dma_wait3A_901 : memref<128xi32, #tpu.memory_space<hbm>>) dst(%arg7 : memref<128xi32, #tpu.memory_space<vmem>>)
            %ge3A = arith.constant 1 : i32
            %ge3A_902 = arith.cmpi sge, %add3A_805, %ge3A : i32
            %convert_element_type3A_903 = arith.extui %ge3A_902 : i1 to i32
            %cond3A_904 = arith.constant 0 : i32
            %cond3A_905 = arith.cmpi ne, %convert_element_type3A_903, %cond3A_904 : i32
            scf.if %cond3A_905 {
              %dma_wait3A_939 = arith.constant 0 : i32
              %dma_wait3A_940 = arith.constant 0 : i32
              %dma_wait3A_941 = tpu.memref_slice %arg6[%dma_wait3A_939, %dma_wait3A_940] : memref<10240x128xf32, #tpu.memory_space<vmem_shared>> -> memref<10240x128xf32, #tpu.memory_space<vmem_shared>>
              tpu.wait_indirect_dma semaphore(%arg18 : memref<!tpu.dma_semaphore, #tpu.memory_space<semaphore_mem>>) src(%arg11 : memref<128x128xf32, #tpu.memory_space<vmem>>) dst(%dma_wait3A_941 : memref<10240x128xf32, #tpu.memory_space<vmem_shared>>)
            } else {
            }
            %add3A_906 = arith.constant 1 : i32
            %add3A_907 = arith.addi %add3A_805, %add3A_906 : i32
            %mul3A_908 = arith.constant 32 : i32
            %mul3A_909 = arith.muli %add3A_907, %mul3A_908 : i32
            %add3A_910 = arith.addi %add3A, %mul3A_909 : i32
            %mul3A_911 = arith.constant 64 : i32
            %mul3A_912 = arith.muli %add3A_910, %mul3A_911 : i32
            %dma_start3A_913 = arith.constant 0 : i32
            %dma_start3A_914 = arith.constant 0 : i32
            %dma_start3A_915 = tpu.memref_slice %arg11[%dma_start3A_913, %dma_start3A_914] : memref<128x128xf32, #tpu.memory_space<vmem>> -> memref<32x128xf32, #tpu.memory_space<vmem>>
            %dma_start3A_916 = arith.constant 0 : i32
            %dma_start3A_917 = tpu.memref_slice %arg7[%dma_start3A_916] : memref<128xi32, #tpu.memory_space<vmem>> -> memref<32xi32, #tpu.memory_space<vmem>>
            %dma_start3A_918 = arith.constant 0 : i32
            %dma_start3A_919 = arith.constant 0 : i32
            %dma_start3A_920 = tpu.memref_slice %arg2[%dma_start3A_918, %dma_start3A_919] : memref<10000x128xf32, #tpu.memory_space<hbm>> -> memref<10000x128xf32, #tpu.memory_space<hbm>>
            tpu.enqueue_indirect_dma source(%dma_start3A_920 : memref<10000x128xf32, #tpu.memory_space<hbm>>) target(%dma_start3A_915 : memref<32x128xf32, #tpu.memory_space<vmem>>) offsets(%dma_start3A_917 : memref<32xi32, #tpu.memory_space<vmem>>) semaphore(%arg16 : memref<!tpu.dma_semaphore, #tpu.memory_space<semaphore_mem>>)
            %dma_start3A_921 = arith.constant 32 : i32
            %dma_start3A_922 = arith.constant 0 : i32
            %dma_start3A_923 = tpu.memref_slice %arg11[%dma_start3A_921, %dma_start3A_922] : memref<128x128xf32, #tpu.memory_space<vmem>> -> memref<32x128xf32, #tpu.memory_space<vmem>>
            %dma_start3A_924 = arith.constant 32 : i32
            %dma_start3A_925 = tpu.memref_slice %arg7[%dma_start3A_924] : memref<128xi32, #tpu.memory_space<vmem>> -> memref<32xi32, #tpu.memory_space<vmem>>
            %dma_start3A_926 = arith.constant 0 : i32
            %dma_start3A_927 = arith.constant 0 : i32
            %dma_start3A_928 = tpu.memref_slice %arg2[%dma_start3A_926, %dma_start3A_927] : memref<10000x128xf32, #tpu.memory_space<hbm>> -> memref<10000x128xf32, #tpu.memory_space<hbm>>
            tpu.enqueue_indirect_dma source(%dma_start3A_928 : memref<10000x128xf32, #tpu.memory_space<hbm>>) target(%dma_start3A_923 : memref<32x128xf32, #tpu.memory_space<vmem>>) offsets(%dma_start3A_925 : memref<32xi32, #tpu.memory_space<vmem>>) semaphore(%arg20 : memref<!tpu.dma_semaphore, #tpu.memory_space<semaphore_mem>>)
            %dma_start3A_929 = arith.constant 64 : i32
            %dma_start3A_930 = arith.constant 0 : i32
            %dma_start3A_931 = tpu.memref_slice %arg11[%dma_start3A_929, %dma_start3A_930] : memref<128x128xf32, #tpu.memory_space<vmem>> -> memref<64x128xf32, #tpu.memory_space<vmem>>
            %dma_start3A_932 = arith.constant 0 : i32
            %dma_start3A_933 = tpu.memref_slice %arg3[%mul3A_912, %dma_start3A_932] : memref<320000x128xf32, #tpu.memory_space<hbm>> -> memref<64x128xf32, #tpu.memory_space<hbm>>
            %dma_start3A_934 = arith.constant 64 : i32
            %dma_start3A_935 = arith.constant 0 : i32
            %dma_start3A_936 = tpu.memref_slice %arg11[%dma_start3A_934, %dma_start3A_935] : memref<128x128xf32, #tpu.memory_space<vmem>> -> memref<64x128xf32, #tpu.memory_space<vmem>>
            %dma_start3A_937 = arith.constant 0 : i32
            %dma_start3A_938 = tpu.memref_slice %arg3[%mul3A_912, %dma_start3A_937] : memref<320000x128xf32, #tpu.memory_space<hbm>> -> memref<64x128xf32, #tpu.memory_space<hbm>>
            tpu.enqueue_dma source(%dma_start3A_938 : memref<64x128xf32, #tpu.memory_space<hbm>>) target(%dma_start3A_936 : memref<64x128xf32, #tpu.memory_space<vmem>>) target_semaphore(%arg16 : memref<!tpu.dma_semaphore, #tpu.memory_space<semaphore_mem>>)
          } else {
          }
          %dma_wait3A_816 = arith.constant 0 : i32
          %dma_wait3A_817 = arith.constant 0 : i32
          %dma_wait3A_818 = tpu.memref_slice %arg12[%dma_wait3A_816, %dma_wait3A_817] : memref<128x128xf32, #tpu.memory_space<vmem>> -> memref<32x128xf32, #tpu.memory_space<vmem>>
          %dma_wait3A_819 = arith.constant 0 : i32
          %dma_wait3A_820 = tpu.memref_slice %arg8[%dma_wait3A_819] : memref<128xi32, #tpu.memory_space<vmem>> -> memref<32xi32, #tpu.memory_space<vmem>>
          %dma_wait3A_821 = arith.constant 0 : i32
          %dma_wait3A_822 = arith.constant 0 : i32
          %dma_wait3A_823 = tpu.memref_slice %arg2[%dma_wait3A_821, %dma_wait3A_822] : memref<10000x128xf32, #tpu.memory_space<hbm>> -> memref<10000x128xf32, #tpu.memory_space<hbm>>
          tpu.wait_indirect_dma semaphore(%arg17 : memref<!tpu.dma_semaphore, #tpu.memory_space<semaphore_mem>>) src(%dma_wait3A_823 : memref<10000x128xf32, #tpu.memory_space<hbm>>) dst(%dma_wait3A_818 : memref<32x128xf32, #tpu.memory_space<vmem>>)
          %dma_wait3A_824 = arith.constant 32 : i32
          %dma_wait3A_825 = arith.constant 0 : i32
          %dma_wait3A_826 = tpu.memref_slice %arg12[%dma_wait3A_824, %dma_wait3A_825] : memref<128x128xf32, #tpu.memory_space<vmem>> -> memref<32x128xf32, #tpu.memory_space<vmem>>
          %dma_wait3A_827 = arith.constant 32 : i32
          %dma_wait3A_828 = tpu.memref_slice %arg8[%dma_wait3A_827] : memref<128xi32, #tpu.memory_space<vmem>> -> memref<32xi32, #tpu.memory_space<vmem>>
          %dma_wait3A_829 = arith.constant 0 : i32
          %dma_wait3A_830 = arith.constant 0 : i32
          %dma_wait3A_831 = tpu.memref_slice %arg2[%dma_wait3A_829, %dma_wait3A_830] : memref<10000x128xf32, #tpu.memory_space<hbm>> -> memref<10000x128xf32, #tpu.memory_space<hbm>>
          tpu.wait_indirect_dma semaphore(%arg21 : memref<!tpu.dma_semaphore, #tpu.memory_space<semaphore_mem>>) src(%dma_wait3A_831 : memref<10000x128xf32, #tpu.memory_space<hbm>>) dst(%dma_wait3A_826 : memref<32x128xf32, #tpu.memory_space<vmem>>)
          %dma_wait3A_832 = arith.constant 64 : i32
          %dma_wait3A_833 = arith.constant 0 : i32
          %dma_wait3A_834 = tpu.memref_slice %arg12[%dma_wait3A_832, %dma_wait3A_833] : memref<128x128xf32, #tpu.memory_space<vmem>> -> memref<64x128xf32, #tpu.memory_space<vmem>>
          %dma_wait3A_835 = arith.constant 0 : i32
          %dma_wait3A_836 = arith.constant 0 : i32
          %dma_wait3A_837 = tpu.memref_slice %arg3[%dma_wait3A_835, %dma_wait3A_836] : memref<320000x128xf32, #tpu.memory_space<hbm>> -> memref<64x128xf32, #tpu.memory_space<hbm>>
          %dma_wait3A_838 = arith.constant 64 : i32
          %dma_wait3A_839 = arith.constant 0 : i32
          %dma_wait3A_840 = tpu.memref_slice %arg12[%dma_wait3A_838, %dma_wait3A_839] : memref<128x128xf32, #tpu.memory_space<vmem>> -> memref<64x128xf32, #tpu.memory_space<vmem>>
          %dma_wait3A_841 = arith.constant 0 : i32
          %dma_wait3A_842 = arith.constant 0 : i32
          %dma_wait3A_843 = tpu.memref_slice %arg3[%dma_wait3A_841, %dma_wait3A_842] : memref<320000x128xf32, #tpu.memory_space<hbm>> -> memref<64x128xf32, #tpu.memory_space<hbm>>
          tpu.wait_dma2 semaphore(%arg17 : memref<!tpu.dma_semaphore, #tpu.memory_space<semaphore_mem>>) src(%dma_wait3A_843 : memref<64x128xf32, #tpu.memory_space<hbm>>) dst(%dma_wait3A_840 : memref<64x128xf32, #tpu.memory_space<vmem>>)
          %get3A = arith.constant 64 : index
          %get3A_844 = tpu.vector_load %arg8[%get3A] {strides = array<i32>} : memref<128xi32, #tpu.memory_space<vmem>>, vector<16xi32>,
          %get3A_845 = vector.shape_cast %get3A_844 : vector<16xi32> to vector<16xi32>
          %swap3A = arith.constant 0 : index
          %swap3A_846 = tpu.vector_load %arg10[%swap3A] {strides = array<i32>} : memref<128xi32, #tpu.memory_space<vmem>>, vector<16xi32>,
          %swap3A_847 = vector.shape_cast %swap3A_846 : vector<16xi32> to vector<16xi32>
          %swap3A_848 = vector.shape_cast %get3A_845 : vector<16xi32> to vector<16xi32>
          tpu.vector_store %arg10[%swap3A], %swap3A_848 {strides = array<i32>} : memref<128xi32, #tpu.memory_space<vmem>>, vector<16xi32>,
          %swap3A_849 = arith.constant 64 : index
          %swap3A_850 = tpu.vector_load %arg10[%swap3A_849] {strides = array<i32>} : memref<128xi32, #tpu.memory_space<vmem>>, vector<16xi32>,
          %swap3A_851 = vector.shape_cast %swap3A_850 : vector<16xi32> to vector<16xi32>
          %swap3A_852 = vector.shape_cast %get3A_845 : vector<16xi32> to vector<16xi32>
          tpu.vector_store %arg10[%swap3A_849], %swap3A_852 {strides = array<i32>} : memref<128xi32, #tpu.memory_space<vmem>>, vector<16xi32>,
          %get3A_853 = arith.constant 80 : index
          %get3A_854 = tpu.vector_load %arg8[%get3A_853] {strides = array<i32>} : memref<128xi32, #tpu.memory_space<vmem>>, vector<16xi32>,
          %get3A_855 = vector.shape_cast %get3A_854 : vector<16xi32> to vector<16xi32>
          %swap3A_856 = arith.constant 16 : index
          %swap3A_857 = tpu.vector_load %arg10[%swap3A_856] {strides = array<i32>} : memref<128xi32, #tpu.memory_space<vmem>>, vector<16xi32>,
          %swap3A_858 = vector.shape_cast %swap3A_857 : vector<16xi32> to vector<16xi32>
          %swap3A_859 = vector.shape_cast %get3A_855 : vector<16xi32> to vector<16xi32>
          tpu.vector_store %arg10[%swap3A_856], %swap3A_859 {strides = array<i32>} : memref<128xi32, #tpu.memory_space<vmem>>, vector<16xi32>,
          %swap3A_860 = arith.constant 80 : index
          %swap3A_861 = tpu.vector_load %arg10[%swap3A_860] {strides = array<i32>} : memref<128xi32, #tpu.memory_space<vmem>>, vector<16xi32>,
          %swap3A_862 = vector.shape_cast %swap3A_861 : vector<16xi32> to vector<16xi32>
          %swap3A_863 = vector.shape_cast %get3A_855 : vector<16xi32> to vector<16xi32>
          tpu.vector_store %arg10[%swap3A_860], %swap3A_863 {strides = array<i32>} : memref<128xi32, #tpu.memory_space<vmem>>, vector<16xi32>,
          %get3A_864 = arith.constant 96 : index
          %get3A_865 = tpu.vector_load %arg8[%get3A_864] {strides = array<i32>} : memref<128xi32, #tpu.memory_space<vmem>>, vector<16xi32>,
          %get3A_866 = vector.shape_cast %get3A_865 : vector<16xi32> to vector<16xi32>
          %swap3A_867 = arith.constant 32 : index
          %swap3A_868 = tpu.vector_load %arg10[%swap3A_867] {strides = array<i32>} : memref<128xi32, #tpu.memory_space<vmem>>, vector<16xi32>,
          %swap3A_869 = vector.shape_cast %swap3A_868 : vector<16xi32> to vector<16xi32>
          %swap3A_870 = vector.shape_cast %get3A_866 : vector<16xi32> to vector<16xi32>
          tpu.vector_store %arg10[%swap3A_867], %swap3A_870 {strides = array<i32>} : memref<128xi32, #tpu.memory_space<vmem>>, vector<16xi32>,
          %swap3A_871 = arith.constant 96 : index
          %swap3A_872 = tpu.vector_load %arg10[%swap3A_871] {strides = array<i32>} : memref<128xi32, #tpu.memory_space<vmem>>, vector<16xi32>,
          %swap3A_873 = vector.shape_cast %swap3A_872 : vector<16xi32> to vector<16xi32>
          %swap3A_874 = vector.shape_cast %get3A_866 : vector<16xi32> to vector<16xi32>
          tpu.vector_store %arg10[%swap3A_871], %swap3A_874 {strides = array<i32>} : memref<128xi32, #tpu.memory_space<vmem>>, vector<16xi32>,
          %get3A_875 = arith.constant 112 : index
          %get3A_876 = tpu.vector_load %arg8[%get3A_875] {strides = array<i32>} : memref<128xi32, #tpu.memory_space<vmem>>, vector<16xi32>,
          %get3A_877 = vector.shape_cast %get3A_876 : vector<16xi32> to vector<16xi32>
          %swap3A_878 = arith.constant 48 : index
          %swap3A_879 = tpu.vector_load %arg10[%swap3A_878] {strides = array<i32>} : memref<128xi32, #tpu.memory_space<vmem>>, vector<16xi32>,
          %swap3A_880 = vector.shape_cast %swap3A_879 : vector<16xi32> to vector<16xi32>
          %swap3A_881 = vector.shape_cast %get3A_877 : vector<16xi32> to vector<16xi32>
          tpu.vector_store %arg10[%swap3A_878], %swap3A_881 {strides = array<i32>} : memref<128xi32, #tpu.memory_space<vmem>>, vector<16xi32>,
          %swap3A_882 = arith.constant 112 : index
          %swap3A_883 = tpu.vector_load %arg10[%swap3A_882] {strides = array<i32>} : memref<128xi32, #tpu.memory_space<vmem>>, vector<16xi32>,
          %swap3A_884 = vector.shape_cast %swap3A_883 : vector<16xi32> to vector<16xi32>
          %swap3A_885 = vector.shape_cast %get3A_877 : vector<16xi32> to vector<16xi32>
          tpu.vector_store %arg10[%swap3A_882], %swap3A_885 {strides = array<i32>} : memref<128xi32, #tpu.memory_space<vmem>>, vector<16xi32>,
          %dma_start3A_886 = arith.constant 0 : i32
          %dma_start3A_887 = arith.constant 0 : i32
          %dma_start3A_888 = tpu.memref_slice %arg6[%dma_start3A_886, %dma_start3A_887] : memref<10240x128xf32, #tpu.memory_space<vmem_shared>> -> memref<10240x128xf32, #tpu.memory_space<vmem_shared>>
          tpu.enqueue_indirect_dma source(%arg12 : memref<128x128xf32, #tpu.memory_space<vmem>>) target(%dma_start3A_888 : memref<10240x128xf32, #tpu.memory_space<vmem_shared>>) offsets(%arg10 : memref<128xi32, #tpu.memory_space<vmem>>) semaphore(%arg19 : memref<!tpu.dma_semaphore, #tpu.memory_space<semaphore_mem>>) {add = true}
          %add3A_889 = arith.constant 2 : i32
          %add3A_890 = arith.addi %add3A_805, %add3A_889 : i32
          %lt3A_891 = arith.cmpi slt, %add3A_890, %select_n3A : i32
          %convert_element_type3A_892 = arith.extui %lt3A_891 : i1 to i32
          %cond3A_893 = arith.constant 0 : i32
          %cond3A_894 = arith.cmpi ne, %convert_element_type3A_892, %cond3A_893 : i32
          scf.if %cond3A_894 {
            %add3A_895 = arith.constant 2 : i32
            %add3A_896 = arith.addi %add3A_805, %add3A_895 : i32
            %mul3A_897 = arith.constant 32 : i32
            %mul3A_898 = arith.muli %add3A_896, %mul3A_897 : i32
            %add3A_899 = arith.addi %add3A, %mul3A_898 : i32
            %dma_start3A_900 = arith.constant 0 : i32
            %dma_start3A_901 = tpu.memref_slice %arg4[%add3A_899, %dma_start3A_900] : memref<5000x128xi32, #tpu.memory_space<hbm>> -> memref<1x128xi32, #tpu.memory_space<hbm>>
            %dma_start3A_902 = tpu.memref_squeeze %dma_start3A_901 : memref<1x128xi32, #tpu.memory_space<hbm>> -> memref<128xi32, #tpu.memory_space<hbm>>
            %dma_start3A_903 = arith.constant 0 : i32
            %dma_start3A_904 = tpu.memref_slice %arg4[%add3A_899, %dma_start3A_903] : memref<5000x128xi32, #tpu.memory_space<hbm>> -> memref<1x128xi32, #tpu.memory_space<hbm>>
            %dma_start3A_905 = tpu.memref_squeeze %dma_start3A_904 : memref<1x128xi32, #tpu.memory_space<hbm>> -> memref<128xi32, #tpu.memory_space<hbm>>
            tpu.enqueue_dma source(%dma_start3A_905 : memref<128xi32, #tpu.memory_space<hbm>>) target(%arg8 : memref<128xi32, #tpu.memory_space<vmem>>) target_semaphore(%arg15 : memref<!tpu.dma_semaphore, #tpu.memory_space<semaphore_mem>>)
          } else {
          }
        } else {
        }
      }
      %while3A_785 = arith.constant 1 : i32
      scf.for %while3A_794 = %while3A_783 to %while3A_779 step %while3A_785  : i32 {
        %mul3A_795 = arith.constant 2 : i32
        %mul3A_796 = arith.muli %mul3A_795, %while3A_794 : i32
        %add3A_797 = arith.constant 0 : i32
        %add3A_798 = arith.addi %mul3A_796, %add3A_797 : i32
        %lt3A = arith.cmpi slt, %add3A_798, %select_n3A : i32
        %convert_element_type3A_799 = arith.extui %lt3A : i1 to i32
        %cond3A_800 = arith.constant 0 : i32
        %cond3A_801 = arith.cmpi ne, %convert_element_type3A_799, %cond3A_800 : i32
        scf.if %cond3A_801 {
          %add3A_810 = arith.constant 1 : i32
          %add3A_811 = arith.addi %add3A_798, %add3A_810 : i32
          %lt3A_812 = arith.cmpi slt, %add3A_811, %select_n3A : i32
          %convert_element_type3A_813 = arith.extui %lt3A_812 : i1 to i32
          %cond3A_814 = arith.constant 0 : i32
          %cond3A_815 = arith.cmpi ne, %convert_element_type3A_813, %cond3A_814 : i32
          scf.if %cond3A_815 {
            %dma_wait3A_895 = arith.constant 0 : i32
            %dma_wait3A_896 = arith.constant 0 : i32
            %dma_wait3A_897 = tpu.memref_slice %arg4[%dma_wait3A_895, %dma_wait3A_896] : memref<5000x128xi32, #tpu.memory_space<hbm>> -> memref<1x128xi32, #tpu.memory_space<hbm>>
            %dma_wait3A_898 = tpu.memref_squeeze %dma_wait3A_897 : memref<1x128xi32, #tpu.memory_space<hbm>> -> memref<128xi32, #tpu.memory_space<hbm>>
            %dma_wait3A_899 = arith.constant 0 : i32
            %dma_wait3A_900 = tpu.memref_slice %arg4[%dma_wait3A_895, %dma_wait3A_899] : memref<5000x128xi32, #tpu.memory_space<hbm>> -> memref<1x128xi32, #tpu.memory_space<hbm>>
            %dma_wait3A_901 = tpu.memref_squeeze %dma_wait3A_900 : memref<1x128xi32, #tpu.memory_space<hbm>> -> memref<128xi32, #tpu.memory_space<hbm>>
            tpu.wait_dma2 semaphore(%arg15 : memref<!tpu.dma_semaphore, #tpu.memory_space<semaphore_mem>>) src(%dma_wait3A_901 : memref<128xi32, #tpu.memory_space<hbm>>) dst(%arg8 : memref<128xi32, #tpu.memory_space<vmem>>)
            %ge3A = arith.constant 1 : i32
            %ge3A_902 = arith.cmpi sge, %add3A_798, %ge3A : i32
            %convert_element_type3A_903 = arith.extui %ge3A_902 : i1 to i32
            %cond3A_904 = arith.constant 0 : i32
            %cond3A_905 = arith.cmpi ne, %convert_element_type3A_903, %cond3A_904 : i32
            scf.if %cond3A_905 {
              %dma_wait3A_939 = arith.constant 0 : i32
              %dma_wait3A_940 = arith.constant 0 : i32
              %dma_wait3A_941 = tpu.memref_slice %arg6[%dma_wait3A_939, %dma_wait3A_940] : memref<10240x128xf32, #tpu.memory_space<vmem_shared>> -> memref<10240x128xf32, #tpu.memory_space<vmem_shared>>
              tpu.wait_indirect_dma semaphore(%arg19 : memref<!tpu.dma_semaphore, #tpu.memory_space<semaphore_mem>>) src(%arg12 : memref<128x128xf32, #tpu.memory_space<vmem>>) dst(%dma_wait3A_941 : memref<10240x128xf32, #tpu.memory_space<vmem_shared>>)
            } else {
            }
            %add3A_906 = arith.constant 1 : i32
            %add3A_907 = arith.addi %add3A_798, %add3A_906 : i32
            %mul3A_908 = arith.constant 32 : i32
            %mul3A_909 = arith.muli %add3A_907, %mul3A_908 : i32
            %add3A_910 = arith.addi %add3A, %mul3A_909 : i32
            %mul3A_911 = arith.constant 64 : i32
            %mul3A_912 = arith.muli %add3A_910, %mul3A_911 : i32
            %dma_start3A_913 = arith.constant 0 : i32
            %dma_start3A_914 = arith.constant 0 : i32
            %dma_start3A_915 = tpu.memref_slice %arg12[%dma_start3A_913, %dma_start3A_914] : memref<128x128xf32, #tpu.memory_space<vmem>> -> memref<32x128xf32, #tpu.memory_space<vmem>>
            %dma_start3A_916 = arith.constant 0 : i32
            %dma_start3A_917 = tpu.memref_slice %arg8[%dma_start3A_916] : memref<128xi32, #tpu.memory_space<vmem>> -> memref<32xi32, #tpu.memory_space<vmem>>
            %dma_start3A_918 = arith.constant 0 : i32
            %dma_start3A_919 = arith.constant 0 : i32
            %dma_start3A_920 = tpu.memref_slice %arg2[%dma_start3A_918, %dma_start3A_919] : memref<10000x128xf32, #tpu.memory_space<hbm>> -> memref<10000x128xf32, #tpu.memory_space<hbm>>
            tpu.enqueue_indirect_dma source(%dma_start3A_920 : memref<10000x128xf32, #tpu.memory_space<hbm>>) target(%dma_start3A_915 : memref<32x128xf32, #tpu.memory_space<vmem>>) offsets(%dma_start3A_917 : memref<32xi32, #tpu.memory_space<vmem>>) semaphore(%arg17 : memref<!tpu.dma_semaphore, #tpu.memory_space<semaphore_mem>>)
            %dma_start3A_921 = arith.constant 32 : i32
            %dma_start3A_922 = arith.constant 0 : i32
            %dma_start3A_923 = tpu.memref_slice %arg12[%dma_start3A_921, %dma_start3A_922] : memref<128x128xf32, #tpu.memory_space<vmem>> -> memref<32x128xf32, #tpu.memory_space<vmem>>
            %dma_start3A_924 = arith.constant 32 : i32
            %dma_start3A_925 = tpu.memref_slice %arg8[%dma_start3A_924] : memref<128xi32, #tpu.memory_space<vmem>> -> memref<32xi32, #tpu.memory_space<vmem>>
            %dma_start3A_926 = arith.constant 0 : i32
            %dma_start3A_927 = arith.constant 0 : i32
            %dma_start3A_928 = tpu.memref_slice %arg2[%dma_start3A_926, %dma_start3A_927] : memref<10000x128xf32, #tpu.memory_space<hbm>> -> memref<10000x128xf32, #tpu.memory_space<hbm>>
            tpu.enqueue_indirect_dma source(%dma_start3A_928 : memref<10000x128xf32, #tpu.memory_space<hbm>>) target(%dma_start3A_923 : memref<32x128xf32, #tpu.memory_space<vmem>>) offsets(%dma_start3A_925 : memref<32xi32, #tpu.memory_space<vmem>>) semaphore(%arg21 : memref<!tpu.dma_semaphore, #tpu.memory_space<semaphore_mem>>)
            %dma_start3A_929 = arith.constant 64 : i32
            %dma_start3A_930 = arith.constant 0 : i32
            %dma_start3A_931 = tpu.memref_slice %arg12[%dma_start3A_929, %dma_start3A_930] : memref<128x128xf32, #tpu.memory_space<vmem>> -> memref<64x128xf32, #tpu.memory_space<vmem>>
            %dma_start3A_932 = arith.constant 0 : i32
            %dma_start3A_933 = tpu.memref_slice %arg3[%mul3A_912, %dma_start3A_932] : memref<320000x128xf32, #tpu.memory_space<hbm>> -> memref<64x128xf32, #tpu.memory_space<hbm>>
            %dma_start3A_934 = arith.constant 64 : i32
            %dma_start3A_935 = arith.constant 0 : i32
            %dma_start3A_936 = tpu.memref_slice %arg12[%dma_start3A_934, %dma_start3A_935] : memref<128x128xf32, #tpu.memory_space<vmem>> -> memref<64x128xf32, #tpu.memory_space<vmem>>
            %dma_start3A_937 = arith.constant 0 : i32
            %dma_start3A_938 = tpu.memref_slice %arg3[%mul3A_912, %dma_start3A_937] : memref<320000x128xf32, #tpu.memory_space<hbm>> -> memref<64x128xf32, #tpu.memory_space<hbm>>
            tpu.enqueue_dma source(%dma_start3A_938 : memref<64x128xf32, #tpu.memory_space<hbm>>) target(%dma_start3A_936 : memref<64x128xf32, #tpu.memory_space<vmem>>) target_semaphore(%arg17 : memref<!tpu.dma_semaphore, #tpu.memory_space<semaphore_mem>>)
          } else {
          }
          %dma_wait3A_816 = arith.constant 0 : i32
          %dma_wait3A_817 = arith.constant 0 : i32
          %dma_wait3A_818 = tpu.memref_slice %arg11[%dma_wait3A_816, %dma_wait3A_817] : memref<128x128xf32, #tpu.memory_space<vmem>> -> memref<32x128xf32, #tpu.memory_space<vmem>>
          %dma_wait3A_819 = arith.constant 0 : i32
          %dma_wait3A_820 = tpu.memref_slice %arg7[%dma_wait3A_819] : memref<128xi32, #tpu.memory_space<vmem>> -> memref<32xi32, #tpu.memory_space<vmem>>
          %dma_wait3A_821 = arith.constant 0 : i32
          %dma_wait3A_822 = arith.constant 0 : i32
          %dma_wait3A_823 = tpu.memref_slice %arg2[%dma_wait3A_821, %dma_wait3A_822] : memref<10000x128xf32, #tpu.memory_space<hbm>> -> memref<10000x128xf32, #tpu.memory_space<hbm>>
          tpu.wait_indirect_dma semaphore(%arg16 : memref<!tpu.dma_semaphore, #tpu.memory_space<semaphore_mem>>) src(%dma_wait3A_823 : memref<10000x128xf32, #tpu.memory_space<hbm>>) dst(%dma_wait3A_818 : memref<32x128xf32, #tpu.memory_space<vmem>>)
          %dma_wait3A_824 = arith.constant 32 : i32
          %dma_wait3A_825 = arith.constant 0 : i32
          %dma_wait3A_826 = tpu.memref_slice %arg11[%dma_wait3A_824, %dma_wait3A_825] : memref<128x128xf32, #tpu.memory_space<vmem>> -> memref<32x128xf32, #tpu.memory_space<vmem>>
          %dma_wait3A_827 = arith.constant 32 : i32
          %dma_wait3A_828 = tpu.memref_slice %arg7[%dma_wait3A_827] : memref<128xi32, #tpu.memory_space<vmem>> -> memref<32xi32, #tpu.memory_space<vmem>>
          %dma_wait3A_829 = arith.constant 0 : i32
          %dma_wait3A_830 = arith.constant 0 : i32
          %dma_wait3A_831 = tpu.memref_slice %arg2[%dma_wait3A_829, %dma_wait3A_830] : memref<10000x128xf32, #tpu.memory_space<hbm>> -> memref<10000x128xf32, #tpu.memory_space<hbm>>
          tpu.wait_indirect_dma semaphore(%arg20 : memref<!tpu.dma_semaphore, #tpu.memory_space<semaphore_mem>>) src(%dma_wait3A_831 : memref<10000x128xf32, #tpu.memory_space<hbm>>) dst(%dma_wait3A_826 : memref<32x128xf32, #tpu.memory_space<vmem>>)
          %dma_wait3A_832 = arith.constant 64 : i32
          %dma_wait3A_833 = arith.constant 0 : i32
          %dma_wait3A_834 = tpu.memref_slice %arg11[%dma_wait3A_832, %dma_wait3A_833] : memref<128x128xf32, #tpu.memory_space<vmem>> -> memref<64x128xf32, #tpu.memory_space<vmem>>
          %dma_wait3A_835 = arith.constant 0 : i32
          %dma_wait3A_836 = arith.constant 0 : i32
          %dma_wait3A_837 = tpu.memref_slice %arg3[%dma_wait3A_835, %dma_wait3A_836] : memref<320000x128xf32, #tpu.memory_space<hbm>> -> memref<64x128xf32, #tpu.memory_space<hbm>>
          %dma_wait3A_838 = arith.constant 64 : i32
          %dma_wait3A_839 = arith.constant 0 : i32
          %dma_wait3A_840 = tpu.memref_slice %arg11[%dma_wait3A_838, %dma_wait3A_839] : memref<128x128xf32, #tpu.memory_space<vmem>> -> memref<64x128xf32, #tpu.memory_space<vmem>>
          %dma_wait3A_841 = arith.constant 0 : i32
          %dma_wait3A_842 = arith.constant 0 : i32
          %dma_wait3A_843 = tpu.memref_slice %arg3[%dma_wait3A_841, %dma_wait3A_842] : memref<320000x128xf32, #tpu.memory_space<hbm>> -> memref<64x128xf32, #tpu.memory_space<hbm>>
          tpu.wait_dma2 semaphore(%arg16 : memref<!tpu.dma_semaphore, #tpu.memory_space<semaphore_mem>>) src(%dma_wait3A_843 : memref<64x128xf32, #tpu.memory_space<hbm>>) dst(%dma_wait3A_840 : memref<64x128xf32, #tpu.memory_space<vmem>>)
          %get3A = arith.constant 64 : index
          %get3A_844 = tpu.vector_load %arg7[%get3A] {strides = array<i32>} : memref<128xi32, #tpu.memory_space<vmem>>, vector<16xi32>,
          %get3A_845 = vector.shape_cast %get3A_844 : vector<16xi32> to vector<16xi32>
          %swap3A = arith.constant 0 : index
          %swap3A_846 = tpu.vector_load %arg9[%swap3A] {strides = array<i32>} : memref<128xi32, #tpu.memory_space<vmem>>, vector<16xi32>,
          %swap3A_847 = vector.shape_cast %swap3A_846 : vector<16xi32> to vector<16xi32>
          %swap3A_848 = vector.shape_cast %get3A_845 : vector<16xi32> to vector<16xi32>
          tpu.vector_store %arg9[%swap3A], %swap3A_848 {strides = array<i32>} : memref<128xi32, #tpu.memory_space<vmem>>, vector<16xi32>,
          %swap3A_849 = arith.constant 64 : index
          %swap3A_850 = tpu.vector_load %arg9[%swap3A_849] {strides = array<i32>} : memref<128xi32, #tpu.memory_space<vmem>>, vector<16xi32>,
          %swap3A_851 = vector.shape_cast %swap3A_850 : vector<16xi32> to vector<16xi32>
          %swap3A_852 = vector.shape_cast %get3A_845 : vector<16xi32> to vector<16xi32>
          tpu.vector_store %arg9[%swap3A_849], %swap3A_852 {strides = array<i32>} : memref<128xi32, #tpu.memory_space<vmem>>, vector<16xi32>,
          %get3A_853 = arith.constant 80 : index
          %get3A_854 = tpu.vector_load %arg7[%get3A_853] {strides = array<i32>} : memref<128xi32, #tpu.memory_space<vmem>>, vector<16xi32>,
          %get3A_855 = vector.shape_cast %get3A_854 : vector<16xi32> to vector<16xi32>
          %swap3A_856 = arith.constant 16 : index
          %swap3A_857 = tpu.vector_load %arg9[%swap3A_856] {strides = array<i32>} : memref<128xi32, #tpu.memory_space<vmem>>, vector<16xi32>,
          %swap3A_858 = vector.shape_cast %swap3A_857 : vector<16xi32> to vector<16xi32>
          %swap3A_859 = vector.shape_cast %get3A_855 : vector<16xi32> to vector<16xi32>
          tpu.vector_store %arg9[%swap3A_856], %swap3A_859 {strides = array<i32>} : memref<128xi32, #tpu.memory_space<vmem>>, vector<16xi32>,
          %swap3A_860 = arith.constant 80 : index
          %swap3A_861 = tpu.vector_load %arg9[%swap3A_860] {strides = array<i32>} : memref<128xi32, #tpu.memory_space<vmem>>, vector<16xi32>,
          %swap3A_862 = vector.shape_cast %swap3A_861 : vector<16xi32> to vector<16xi32>
          %swap3A_863 = vector.shape_cast %get3A_855 : vector<16xi32> to vector<16xi32>
          tpu.vector_store %arg9[%swap3A_860], %swap3A_863 {strides = array<i32>} : memref<128xi32, #tpu.memory_space<vmem>>, vector<16xi32>,
          %get3A_864 = arith.constant 96 : index
          %get3A_865 = tpu.vector_load %arg7[%get3A_864] {strides = array<i32>} : memref<128xi32, #tpu.memory_space<vmem>>, vector<16xi32>,
          %get3A_866 = vector.shape_cast %get3A_865 : vector<16xi32> to vector<16xi32>
          %swap3A_867 = arith.constant 32 : index
          %swap3A_868 = tpu.vector_load %arg9[%swap3A_867] {strides = array<i32>} : memref<128xi32, #tpu.memory_space<vmem>>, vector<16xi32>,
          %swap3A_869 = vector.shape_cast %swap3A_868 : vector<16xi32> to vector<16xi32>
          %swap3A_870 = vector.shape_cast %get3A_866 : vector<16xi32> to vector<16xi32>
          tpu.vector_store %arg9[%swap3A_867], %swap3A_870 {strides = array<i32>} : memref<128xi32, #tpu.memory_space<vmem>>, vector<16xi32>,
          %swap3A_871 = arith.constant 96 : index
          %swap3A_872 = tpu.vector_load %arg9[%swap3A_871] {strides = array<i32>} : memref<128xi32, #tpu.memory_space<vmem>>, vector<16xi32>,
          %swap3A_873 = vector.shape_cast %swap3A_872 : vector<16xi32> to vector<16xi32>
          %swap3A_874 = vector.shape_cast %get3A_866 : vector<16xi32> to vector<16xi32>
          tpu.vector_store %arg9[%swap3A_871], %swap3A_874 {strides = array<i32>} : memref<128xi32, #tpu.memory_space<vmem>>, vector<16xi32>,
          %get3A_875 = arith.constant 112 : index
          %get3A_876 = tpu.vector_load %arg7[%get3A_875] {strides = array<i32>} : memref<128xi32, #tpu.memory_space<vmem>>, vector<16xi32>,
          %get3A_877 = vector.shape_cast %get3A_876 : vector<16xi32> to vector<16xi32>
          %swap3A_878 = arith.constant 48 : index
          %swap3A_879 = tpu.vector_load %arg9[%swap3A_878] {strides = array<i32>} : memref<128xi32, #tpu.memory_space<vmem>>, vector<16xi32>,
          %swap3A_880 = vector.shape_cast %swap3A_879 : vector<16xi32> to vector<16xi32>
          %swap3A_881 = vector.shape_cast %get3A_877 : vector<16xi32> to vector<16xi32>
          tpu.vector_store %arg9[%swap3A_878], %swap3A_881 {strides = array<i32>} : memref<128xi32, #tpu.memory_space<vmem>>, vector<16xi32>,
          %swap3A_882 = arith.constant 112 : index
          %swap3A_883 = tpu.vector_load %arg9[%swap3A_882] {strides = array<i32>} : memref<128xi32, #tpu.memory_space<vmem>>, vector<16xi32>,
          %swap3A_884 = vector.shape_cast %swap3A_883 : vector<16xi32> to vector<16xi32>
          %swap3A_885 = vector.shape_cast %get3A_877 : vector<16xi32> to vector<16xi32>
          tpu.vector_store %arg9[%swap3A_882], %swap3A_885 {strides = array<i32>} : memref<128xi32, #tpu.memory_space<vmem>>, vector<16xi32>,
          %dma_start3A_886 = arith.constant 0 : i32
          %dma_start3A_887 = arith.constant 0 : i32
          %dma_start3A_888 = tpu.memref_slice %arg6[%dma_start3A_886, %dma_start3A_887] : memref<10240x128xf32, #tpu.memory_space<vmem_shared>> -> memref<10240x128xf32, #tpu.memory_space<vmem_shared>>
          tpu.enqueue_indirect_dma source(%arg11 : memref<128x128xf32, #tpu.memory_space<vmem>>) target(%dma_start3A_888 : memref<10240x128xf32, #tpu.memory_space<vmem_shared>>) offsets(%arg9 : memref<128xi32, #tpu.memory_space<vmem>>) semaphore(%arg18 : memref<!tpu.dma_semaphore, #tpu.memory_space<semaphore_mem>>) {add = true}
          %add3A_889 = arith.constant 2 : i32
          %add3A_890 = arith.addi %add3A_798, %add3A_889 : i32
          %lt3A_891 = arith.cmpi slt, %add3A_890, %select_n3A : i32
          %convert_element_type3A_892 = arith.extui %lt3A_891 : i1 to i32
          %cond3A_893 = arith.constant 0 : i32
          %cond3A_894 = arith.cmpi ne, %convert_element_type3A_892, %cond3A_893 : i32
          scf.if %cond3A_894 {
            %add3A_895 = arith.constant 2 : i32
            %add3A_896 = arith.addi %add3A_798, %add3A_895 : i32
            %mul3A_897 = arith.constant 32 : i32
            %mul3A_898 = arith.muli %add3A_896, %mul3A_897 : i32
            %add3A_899 = arith.addi %add3A, %mul3A_898 : i32
            %dma_start3A_900 = arith.constant 0 : i32
            %dma_start3A_901 = tpu.memref_slice %arg4[%add3A_899, %dma_start3A_900] : memref<5000x128xi32, #tpu.memory_space<hbm>> -> memref<1x128xi32, #tpu.memory_space<hbm>>
            %dma_start3A_902 = tpu.memref_squeeze %dma_start3A_901 : memref<1x128xi32, #tpu.memory_space<hbm>> -> memref<128xi32, #tpu.memory_space<hbm>>
            %dma_start3A_903 = arith.constant 0 : i32
            %dma_start3A_904 = tpu.memref_slice %arg4[%add3A_899, %dma_start3A_903] : memref<5000x128xi32, #tpu.memory_space<hbm>> -> memref<1x128xi32, #tpu.memory_space<hbm>>
            %dma_start3A_905 = tpu.memref_squeeze %dma_start3A_904 : memref<1x128xi32, #tpu.memory_space<hbm>> -> memref<128xi32, #tpu.memory_space<hbm>>
            tpu.enqueue_dma source(%dma_start3A_905 : memref<128xi32, #tpu.memory_space<hbm>>) target(%arg7 : memref<128xi32, #tpu.memory_space<vmem>>) target_semaphore(%arg14 : memref<!tpu.dma_semaphore, #tpu.memory_space<semaphore_mem>>)
          } else {
          }
        } else {
        }
        %mul3A_802 = arith.constant 2 : i32
        %mul3A_803 = arith.muli %mul3A_802, %while3A_794 : i32
        %add3A_804 = arith.constant 1 : i32
        %add3A_805 = arith.addi %mul3A_803, %add3A_804 : i32
        %lt3A_806 = arith.cmpi slt, %add3A_805, %select_n3A : i32
        %convert_element_type3A_807 = arith.extui %lt3A_806 : i1 to i32
        %cond3A_808 = arith.constant 0 : i32
        %cond3A_809 = arith.cmpi ne, %convert_element_type3A_807, %cond3A_808 : i32
        scf.if %cond3A_809 {
          %add3A_810 = arith.constant 1 : i32
          %add3A_811 = arith.addi %add3A_805, %add3A_810 : i32
          %lt3A_812 = arith.cmpi slt, %add3A_811, %select_n3A : i32
          %convert_element_type3A_813 = arith.extui %lt3A_812 : i1 to i32
          %cond3A_814 = arith.constant 0 : i32
          %cond3A_815 = arith.cmpi ne, %convert_element_type3A_813, %cond3A_814 : i32
          scf.if %cond3A_815 {
            %dma_wait3A_895 = arith.constant 0 : i32
            %dma_wait3A_896 = arith.constant 0 : i32
            %dma_wait3A_897 = tpu.memref_slice %arg4[%dma_wait3A_895, %dma_wait3A_896] : memref<5000x128xi32, #tpu.memory_space<hbm>> -> memref<1x128xi32, #tpu.memory_space<hbm>>
            %dma_wait3A_898 = tpu.memref_squeeze %dma_wait3A_897 : memref<1x128xi32, #tpu.memory_space<hbm>> -> memref<128xi32, #tpu.memory_space<hbm>>
            %dma_wait3A_899 = arith.constant 0 : i32
            %dma_wait3A_900 = tpu.memref_slice %arg4[%dma_wait3A_895, %dma_wait3A_899] : memref<5000x128xi32, #tpu.memory_space<hbm>> -> memref<1x128xi32, #tpu.memory_space<hbm>>
            %dma_wait3A_901 = tpu.memref_squeeze %dma_wait3A_900 : memref<1x128xi32, #tpu.memory_space<hbm>> -> memref<128xi32, #tpu.memory_space<hbm>>
            tpu.wait_dma2 semaphore(%arg14 : memref<!tpu.dma_semaphore, #tpu.memory_space<semaphore_mem>>) src(%dma_wait3A_901 : memref<128xi32, #tpu.memory_space<hbm>>) dst(%arg7 : memref<128xi32, #tpu.memory_space<vmem>>)
            %ge3A = arith.constant 1 : i32
            %ge3A_902 = arith.cmpi sge, %add3A_805, %ge3A : i32
            %convert_element_type3A_903 = arith.extui %ge3A_902 : i1 to i32
            %cond3A_904 = arith.constant 0 : i32
            %cond3A_905 = arith.cmpi ne, %convert_element_type3A_903, %cond3A_904 : i32
            scf.if %cond3A_905 {
              %dma_wait3A_939 = arith.constant 0 : i32
              %dma_wait3A_940 = arith.constant 0 : i32
              %dma_wait3A_941 = tpu.memref_slice %arg6[%dma_wait3A_939, %dma_wait3A_940] : memref<10240x128xf32, #tpu.memory_space<vmem_shared>> -> memref<10240x128xf32, #tpu.memory_space<vmem_shared>>
              tpu.wait_indirect_dma semaphore(%arg18 : memref<!tpu.dma_semaphore, #tpu.memory_space<semaphore_mem>>) src(%arg11 : memref<128x128xf32, #tpu.memory_space<vmem>>) dst(%dma_wait3A_941 : memref<10240x128xf32, #tpu.memory_space<vmem_shared>>)
            } else {
            }
            %add3A_906 = arith.constant 1 : i32
            %add3A_907 = arith.addi %add3A_805, %add3A_906 : i32
            %mul3A_908 = arith.constant 32 : i32
            %mul3A_909 = arith.muli %add3A_907, %mul3A_908 : i32
            %add3A_910 = arith.addi %add3A, %mul3A_909 : i32
            %mul3A_911 = arith.constant 64 : i32
            %mul3A_912 = arith.muli %add3A_910, %mul3A_911 : i32
            %dma_start3A_913 = arith.constant 0 : i32
            %dma_start3A_914 = arith.constant 0 : i32
            %dma_start3A_915 = tpu.memref_slice %arg11[%dma_start3A_913, %dma_start3A_914] : memref<128x128xf32, #tpu.memory_space<vmem>> -> memref<32x128xf32, #tpu.memory_space<vmem>>
            %dma_start3A_916 = arith.constant 0 : i32
            %dma_start3A_917 = tpu.memref_slice %arg7[%dma_start3A_916] : memref<128xi32, #tpu.memory_space<vmem>> -> memref<32xi32, #tpu.memory_space<vmem>>
            %dma_start3A_918 = arith.constant 0 : i32
            %dma_start3A_919 = arith.constant 0 : i32
            %dma_start3A_920 = tpu.memref_slice %arg2[%dma_start3A_918, %dma_start3A_919] : memref<10000x128xf32, #tpu.memory_space<hbm>> -> memref<10000x128xf32, #tpu.memory_space<hbm>>
            tpu.enqueue_indirect_dma source(%dma_start3A_920 : memref<10000x128xf32, #tpu.memory_space<hbm>>) target(%dma_start3A_915 : memref<32x128xf32, #tpu.memory_space<vmem>>) offsets(%dma_start3A_917 : memref<32xi32, #tpu.memory_space<vmem>>) semaphore(%arg16 : memref<!tpu.dma_semaphore, #tpu.memory_space<semaphore_mem>>)
            %dma_start3A_921 = arith.constant 32 : i32
            %dma_start3A_922 = arith.constant 0 : i32
            %dma_start3A_923 = tpu.memref_slice %arg11[%dma_start3A_921, %dma_start3A_922] : memref<128x128xf32, #tpu.memory_space<vmem>> -> memref<32x128xf32, #tpu.memory_space<vmem>>
            %dma_start3A_924 = arith.constant 32 : i32
            %dma_start3A_925 = tpu.memref_slice %arg7[%dma_start3A_924] : memref<128xi32, #tpu.memory_space<vmem>> -> memref<32xi32, #tpu.memory_space<vmem>>
            %dma_start3A_926 = arith.constant 0 : i32
            %dma_start3A_927 = arith.constant 0 : i32
            %dma_start3A_928 = tpu.memref_slice %arg2[%dma_start3A_926, %dma_start3A_927] : memref<10000x128xf32, #tpu.memory_space<hbm>> -> memref<10000x128xf32, #tpu.memory_space<hbm>>
            tpu.enqueue_indirect_dma source(%dma_start3A_928 : memref<10000x128xf32, #tpu.memory_space<hbm>>) target(%dma_start3A_923 : memref<32x128xf32, #tpu.memory_space<vmem>>) offsets(%dma_start3A_925 : memref<32xi32, #tpu.memory_space<vmem>>) semaphore(%arg20 : memref<!tpu.dma_semaphore, #tpu.memory_space<semaphore_mem>>)
            %dma_start3A_929 = arith.constant 64 : i32
            %dma_start3A_930 = arith.constant 0 : i32
            %dma_start3A_931 = tpu.memref_slice %arg11[%dma_start3A_929, %dma_start3A_930] : memref<128x128xf32, #tpu.memory_space<vmem>> -> memref<64x128xf32, #tpu.memory_space<vmem>>
            %dma_start3A_932 = arith.constant 0 : i32
            %dma_start3A_933 = tpu.memref_slice %arg3[%mul3A_912, %dma_start3A_932] : memref<320000x128xf32, #tpu.memory_space<hbm>> -> memref<64x128xf32, #tpu.memory_space<hbm>>
            %dma_start3A_934 = arith.constant 64 : i32
            %dma_start3A_935 = arith.constant 0 : i32
            %dma_start3A_936 = tpu.memref_slice %arg11[%dma_start3A_934, %dma_start3A_935] : memref<128x128xf32, #tpu.memory_space<vmem>> -> memref<64x128xf32, #tpu.memory_space<vmem>>
            %dma_start3A_937 = arith.constant 0 : i32
            %dma_start3A_938 = tpu.memref_slice %arg3[%mul3A_912, %dma_start3A_937] : memref<320000x128xf32, #tpu.memory_space<hbm>> -> memref<64x128xf32, #tpu.memory_space<hbm>>
            tpu.enqueue_dma source(%dma_start3A_938 : memref<64x128xf32, #tpu.memory_space<hbm>>) target(%dma_start3A_936 : memref<64x128xf32, #tpu.memory_space<vmem>>) target_semaphore(%arg16 : memref<!tpu.dma_semaphore, #tpu.memory_space<semaphore_mem>>)
          } else {
          }
          %dma_wait3A_816 = arith.constant 0 : i32
          %dma_wait3A_817 = arith.constant 0 : i32
          %dma_wait3A_818 = tpu.memref_slice %arg12[%dma_wait3A_816, %dma_wait3A_817] : memref<128x128xf32, #tpu.memory_space<vmem>> -> memref<32x128xf32, #tpu.memory_space<vmem>>
          %dma_wait3A_819 = arith.constant 0 : i32
          %dma_wait3A_820 = tpu.memref_slice %arg8[%dma_wait3A_819] : memref<128xi32, #tpu.memory_space<vmem>> -> memref<32xi32, #tpu.memory_space<vmem>>
          %dma_wait3A_821 = arith.constant 0 : i32
          %dma_wait3A_822 = arith.constant 0 : i32
          %dma_wait3A_823 = tpu.memref_slice %arg2[%dma_wait3A_821, %dma_wait3A_822] : memref<10000x128xf32, #tpu.memory_space<hbm>> -> memref<10000x128xf32, #tpu.memory_space<hbm>>
          tpu.wait_indirect_dma semaphore(%arg17 : memref<!tpu.dma_semaphore, #tpu.memory_space<semaphore_mem>>) src(%dma_wait3A_823 : memref<10000x128xf32, #tpu.memory_space<hbm>>) dst(%dma_wait3A_818 : memref<32x128xf32, #tpu.memory_space<vmem>>)
          %dma_wait3A_824 = arith.constant 32 : i32
          %dma_wait3A_825 = arith.constant 0 : i32
          %dma_wait3A_826 = tpu.memref_slice %arg12[%dma_wait3A_824, %dma_wait3A_825] : memref<128x128xf32, #tpu.memory_space<vmem>> -> memref<32x128xf32, #tpu.memory_space<vmem>>
          %dma_wait3A_827 = arith.constant 32 : i32
          %dma_wait3A_828 = tpu.memref_slice %arg8[%dma_wait3A_827] : memref<128xi32, #tpu.memory_space<vmem>> -> memref<32xi32, #tpu.memory_space<vmem>>
          %dma_wait3A_829 = arith.constant 0 : i32
          %dma_wait3A_830 = arith.constant 0 : i32
          %dma_wait3A_831 = tpu.memref_slice %arg2[%dma_wait3A_829, %dma_wait3A_830] : memref<10000x128xf32, #tpu.memory_space<hbm>> -> memref<10000x128xf32, #tpu.memory_space<hbm>>
          tpu.wait_indirect_dma semaphore(%arg21 : memref<!tpu.dma_semaphore, #tpu.memory_space<semaphore_mem>>) src(%dma_wait3A_831 : memref<10000x128xf32, #tpu.memory_space<hbm>>) dst(%dma_wait3A_826 : memref<32x128xf32, #tpu.memory_space<vmem>>)
          %dma_wait3A_832 = arith.constant 64 : i32
          %dma_wait3A_833 = arith.constant 0 : i32
          %dma_wait3A_834 = tpu.memref_slice %arg12[%dma_wait3A_832, %dma_wait3A_833] : memref<128x128xf32, #tpu.memory_space<vmem>> -> memref<64x128xf32, #tpu.memory_space<vmem>>
          %dma_wait3A_835 = arith.constant 0 : i32
          %dma_wait3A_836 = arith.constant 0 : i32
          %dma_wait3A_837 = tpu.memref_slice %arg3[%dma_wait3A_835, %dma_wait3A_836] : memref<320000x128xf32, #tpu.memory_space<hbm>> -> memref<64x128xf32, #tpu.memory_space<hbm>>
          %dma_wait3A_838 = arith.constant 64 : i32
          %dma_wait3A_839 = arith.constant 0 : i32
          %dma_wait3A_840 = tpu.memref_slice %arg12[%dma_wait3A_838, %dma_wait3A_839] : memref<128x128xf32, #tpu.memory_space<vmem>> -> memref<64x128xf32, #tpu.memory_space<vmem>>
          %dma_wait3A_841 = arith.constant 0 : i32
          %dma_wait3A_842 = arith.constant 0 : i32
          %dma_wait3A_843 = tpu.memref_slice %arg3[%dma_wait3A_841, %dma_wait3A_842] : memref<320000x128xf32, #tpu.memory_space<hbm>> -> memref<64x128xf32, #tpu.memory_space<hbm>>
          tpu.wait_dma2 semaphore(%arg17 : memref<!tpu.dma_semaphore, #tpu.memory_space<semaphore_mem>>) src(%dma_wait3A_843 : memref<64x128xf32, #tpu.memory_space<hbm>>) dst(%dma_wait3A_840 : memref<64x128xf32, #tpu.memory_space<vmem>>)
          %get3A = arith.constant 64 : index
          %get3A_844 = tpu.vector_load %arg8[%get3A] {strides = array<i32>} : memref<128xi32, #tpu.memory_space<vmem>>, vector<16xi32>,
          %get3A_845 = vector.shape_cast %get3A_844 : vector<16xi32> to vector<16xi32>
          %swap3A = arith.constant 0 : index
          %swap3A_846 = tpu.vector_load %arg10[%swap3A] {strides = array<i32>} : memref<128xi32, #tpu.memory_space<vmem>>, vector<16xi32>,
          %swap3A_847 = vector.shape_cast %swap3A_846 : vector<16xi32> to vector<16xi32>
          %swap3A_848 = vector.shape_cast %get3A_845 : vector<16xi32> to vector<16xi32>
          tpu.vector_store %arg10[%swap3A], %swap3A_848 {strides = array<i32>} : memref<128xi32, #tpu.memory_space<vmem>>, vector<16xi32>,
          %swap3A_849 = arith.constant 64 : index
          %swap3A_850 = tpu.vector_load %arg10[%swap3A_849] {strides = array<i32>} : memref<128xi32, #tpu.memory_space<vmem>>, vector<16xi32>,
          %swap3A_851 = vector.shape_cast %swap3A_850 : vector<16xi32> to vector<16xi32>
          %swap3A_852 = vector.shape_cast %get3A_845 : vector<16xi32> to vector<16xi32>
          tpu.vector_store %arg10[%swap3A_849], %swap3A_852 {strides = array<i32>} : memref<128xi32, #tpu.memory_space<vmem>>, vector<16xi32>,
          %get3A_853 = arith.constant 80 : index
          %get3A_854 = tpu.vector_load %arg8[%get3A_853] {strides = array<i32>} : memref<128xi32, #tpu.memory_space<vmem>>, vector<16xi32>,
          %get3A_855 = vector.shape_cast %get3A_854 : vector<16xi32> to vector<16xi32>
          %swap3A_856 = arith.constant 16 : index
          %swap3A_857 = tpu.vector_load %arg10[%swap3A_856] {strides = array<i32>} : memref<128xi32, #tpu.memory_space<vmem>>, vector<16xi32>,
          %swap3A_858 = vector.shape_cast %swap3A_857 : vector<16xi32> to vector<16xi32>
          %swap3A_859 = vector.shape_cast %get3A_855 : vector<16xi32> to vector<16xi32>
          tpu.vector_store %arg10[%swap3A_856], %swap3A_859 {strides = array<i32>} : memref<128xi32, #tpu.memory_space<vmem>>, vector<16xi32>,
          %swap3A_860 = arith.constant 80 : index
          %swap3A_861 = tpu.vector_load %arg10[%swap3A_860] {strides = array<i32>} : memref<128xi32, #tpu.memory_space<vmem>>, vector<16xi32>,
          %swap3A_862 = vector.shape_cast %swap3A_861 : vector<16xi32> to vector<16xi32>
          %swap3A_863 = vector.shape_cast %get3A_855 : vector<16xi32> to vector<16xi32>
          tpu.vector_store %arg10[%swap3A_860], %swap3A_863 {strides = array<i32>} : memref<128xi32, #tpu.memory_space<vmem>>, vector<16xi32>,
          %get3A_864 = arith.constant 96 : index
          %get3A_865 = tpu.vector_load %arg8[%get3A_864] {strides = array<i32>} : memref<128xi32, #tpu.memory_space<vmem>>, vector<16xi32>,
          %get3A_866 = vector.shape_cast %get3A_865 : vector<16xi32> to vector<16xi32>
          %swap3A_867 = arith.constant 32 : index
          %swap3A_868 = tpu.vector_load %arg10[%swap3A_867] {strides = array<i32>} : memref<128xi32, #tpu.memory_space<vmem>>, vector<16xi32>,
          %swap3A_869 = vector.shape_cast %swap3A_868 : vector<16xi32> to vector<16xi32>
          %swap3A_870 = vector.shape_cast %get3A_866 : vector<16xi32> to vector<16xi32>
          tpu.vector_store %arg10[%swap3A_867], %swap3A_870 {strides = array<i32>} : memref<128xi32, #tpu.memory_space<vmem>>, vector<16xi32>,
          %swap3A_871 = arith.constant 96 : index
          %swap3A_872 = tpu.vector_load %arg10[%swap3A_871] {strides = array<i32>} : memref<128xi32, #tpu.memory_space<vmem>>, vector<16xi32>,
          %swap3A_873 = vector.shape_cast %swap3A_872 : vector<16xi32> to vector<16xi32>
          %swap3A_874 = vector.shape_cast %get3A_866 : vector<16xi32> to vector<16xi32>
          tpu.vector_store %arg10[%swap3A_871], %swap3A_874 {strides = array<i32>} : memref<128xi32, #tpu.memory_space<vmem>>, vector<16xi32>,
          %get3A_875 = arith.constant 112 : index
          %get3A_876 = tpu.vector_load %arg8[%get3A_875] {strides = array<i32>} : memref<128xi32, #tpu.memory_space<vmem>>, vector<16xi32>,
          %get3A_877 = vector.shape_cast %get3A_876 : vector<16xi32> to vector<16xi32>
          %swap3A_878 = arith.constant 48 : index
          %swap3A_879 = tpu.vector_load %arg10[%swap3A_878] {strides = array<i32>} : memref<128xi32, #tpu.memory_space<vmem>>, vector<16xi32>,
          %swap3A_880 = vector.shape_cast %swap3A_879 : vector<16xi32> to vector<16xi32>
          %swap3A_881 = vector.shape_cast %get3A_877 : vector<16xi32> to vector<16xi32>
          tpu.vector_store %arg10[%swap3A_878], %swap3A_881 {strides = array<i32>} : memref<128xi32, #tpu.memory_space<vmem>>, vector<16xi32>,
          %swap3A_882 = arith.constant 112 : index
          %swap3A_883 = tpu.vector_load %arg10[%swap3A_882] {strides = array<i32>} : memref<128xi32, #tpu.memory_space<vmem>>, vector<16xi32>,
          %swap3A_884 = vector.shape_cast %swap3A_883 : vector<16xi32> to vector<16xi32>
          %swap3A_885 = vector.shape_cast %get3A_877 : vector<16xi32> to vector<16xi32>
          tpu.vector_store %arg10[%swap3A_882], %swap3A_885 {strides = array<i32>} : memref<128xi32, #tpu.memory_space<vmem>>, vector<16xi32>,
          %dma_start3A_886 = arith.constant 0 : i32
          %dma_start3A_887 = arith.constant 0 : i32
          %dma_start3A_888 = tpu.memref_slice %arg6[%dma_start3A_886, %dma_start3A_887] : memref<10240x128xf32, #tpu.memory_space<vmem_shared>> -> memref<10240x128xf32, #tpu.memory_space<vmem_shared>>
          tpu.enqueue_indirect_dma source(%arg12 : memref<128x128xf32, #tpu.memory_space<vmem>>) target(%dma_start3A_888 : memref<10240x128xf32, #tpu.memory_space<vmem_shared>>) offsets(%arg10 : memref<128xi32, #tpu.memory_space<vmem>>) semaphore(%arg19 : memref<!tpu.dma_semaphore, #tpu.memory_space<semaphore_mem>>) {add = true}
          %add3A_889 = arith.constant 2 : i32
          %add3A_890 = arith.addi %add3A_805, %add3A_889 : i32
          %lt3A_891 = arith.cmpi slt, %add3A_890, %select_n3A : i32
          %convert_element_type3A_892 = arith.extui %lt3A_891 : i1 to i32
          %cond3A_893 = arith.constant 0 : i32
          %cond3A_894 = arith.cmpi ne, %convert_element_type3A_892, %cond3A_893 : i32
          scf.if %cond3A_894 {
            %add3A_895 = arith.constant 2 : i32
            %add3A_896 = arith.addi %add3A_805, %add3A_895 : i32
            %mul3A_897 = arith.constant 32 : i32
            %mul3A_898 = arith.muli %add3A_896, %mul3A_897 : i32
            %add3A_899 = arith.addi %add3A, %mul3A_898 : i32
            %dma_start3A_900 = arith.constant 0 : i32
            %dma_start3A_901 = tpu.memref_slice %arg4[%add3A_899, %dma_start3A_900] : memref<5000x128xi32, #tpu.memory_space<hbm>> -> memref<1x128xi32, #tpu.memory_space<hbm>>
            %dma_start3A_902 = tpu.memref_squeeze %dma_start3A_901 : memref<1x128xi32, #tpu.memory_space<hbm>> -> memref<128xi32, #tpu.memory_space<hbm>>
            %dma_start3A_903 = arith.constant 0 : i32
            %dma_start3A_904 = tpu.memref_slice %arg4[%add3A_899, %dma_start3A_903] : memref<5000x128xi32, #tpu.memory_space<hbm>> -> memref<1x128xi32, #tpu.memory_space<hbm>>
            %dma_start3A_905 = tpu.memref_squeeze %dma_start3A_904 : memref<1x128xi32, #tpu.memory_space<hbm>> -> memref<128xi32, #tpu.memory_space<hbm>>
            tpu.enqueue_dma source(%dma_start3A_905 : memref<128xi32, #tpu.memory_space<hbm>>) target(%arg8 : memref<128xi32, #tpu.memory_space<vmem>>) target_semaphore(%arg15 : memref<!tpu.dma_semaphore, #tpu.memory_space<semaphore_mem>>)
          } else {
          }
        } else {
        }
      }
      %dma_wait3A_786 = arith.constant 0 : i32
      %dma_wait3A_787 = arith.constant 0 : i32
      %dma_wait3A_788 = tpu.memref_slice %arg6[%dma_wait3A_786, %dma_wait3A_787] : memref<10240x128xf32, #tpu.memory_space<vmem_shared>> -> memref<10240x128xf32, #tpu.memory_space<vmem_shared>>
      tpu.wait_indirect_dma semaphore(%arg18 : memref<!tpu.dma_semaphore, #tpu.memory_space<semaphore_mem>>) src(%arg11 : memref<128x128xf32, #tpu.memory_space<vmem>>) dst(%dma_wait3A_788 : memref<10240x128xf32, #tpu.memory_space<vmem_shared>>)
      %gt3A_789 = arith.constant 1 : i32
      %gt3A_790 = arith.cmpi sgt, %select_n3A, %gt3A_789 : i32
      %convert_element_type3A_791 = arith.extui %gt3A_790 : i1 to i32
      %cond3A_792 = arith.constant 0 : i32
      %cond3A_793 = arith.cmpi ne, %convert_element_type3A_791, %cond3A_792 : i32
      scf.if %cond3A_793 {
        %dma_wait3A_794 = arith.constant 0 : i32
        %dma_wait3A_795 = arith.constant 0 : i32
        %dma_wait3A_796 = tpu.memref_slice %arg6[%dma_wait3A_794, %dma_wait3A_795] : memref<10240x128xf32, #tpu.memory_space<vmem_shared>> -> memref<10240x128xf32, #tpu.memory_space<vmem_shared>>
        tpu.wait_indirect_dma semaphore(%arg19 : memref<!tpu.dma_semaphore, #tpu.memory_space<semaphore_mem>>) src(%arg12 : memref<128x128xf32, #tpu.memory_space<vmem>>) dst(%dma_wait3A_796 : memref<10240x128xf32, #tpu.memory_space<vmem_shared>>)
      } else {
      }
    } else {
    }
    %barrier3A_46 = arith.constant 0 : index
    tpu.barrier barrier_id(%barrier3A_46)
    %mul3A_47 = arith.constant 624 : i32
    %mul3A_48 = arith.muli %arg1, %mul3A_47 : i32
    %add3A_49 = arith.constant 0 : i32
    %add3A_50 = arith.addi %mul3A_48, %add3A_49 : i32
    %dma_start3A = arith.constant 0 : i32
    %dma_start3A_51 = arith.constant 0 : i32
    %dma_start3A_52 = tpu.memref_slice %arg11[%dma_start3A, %dma_start3A_51] : memref<128x128xf32, #tpu.memory_space<vmem>> -> memref<48x128xf32, #tpu.memory_space<vmem>>
    %dma_start3A_53 = arith.constant 0 : i32
    %dma_start3A_54 = tpu.memref_slice %arg6[%add3A_50, %dma_start3A_53] : memref<10240x128xf32, #tpu.memory_space<vmem_shared>> -> memref<48x128xf32, #tpu.memory_space<vmem_shared>>
    %dma_start3A_55 = arith.constant 0 : i32
    %dma_start3A_56 = arith.constant 0 : i32
    %dma_start3A_57 = tpu.memref_slice %arg11[%dma_start3A_55, %dma_start3A_56] : memref<128x128xf32, #tpu.memory_space<vmem>> -> memref<48x128xf32, #tpu.memory_space<vmem>>
    %dma_start3A_58 = arith.constant 0 : i32
    %dma_start3A_59 = tpu.memref_slice %arg6[%add3A_50, %dma_start3A_58] : memref<10240x128xf32, #tpu.memory_space<vmem_shared>> -> memref<48x128xf32, #tpu.memory_space<vmem_shared>>
    tpu.enqueue_dma source(%dma_start3A_59 : memref<48x128xf32, #tpu.memory_space<vmem_shared>>) target(%dma_start3A_57 : memref<48x128xf32, #tpu.memory_space<vmem>>) target_semaphore(%arg16 : memref<!tpu.dma_semaphore, #tpu.memory_space<semaphore_mem>>)
    %dma_wait3A = arith.constant 0 : i32
    %dma_wait3A_60 = arith.constant 0 : i32
    %dma_wait3A_61 = tpu.memref_slice %arg11[%dma_wait3A, %dma_wait3A_60] : memref<128x128xf32, #tpu.memory_space<vmem>> -> memref<48x128xf32, #tpu.memory_space<vmem>>
    %dma_wait3A_62 = arith.constant 0 : i32
    %dma_wait3A_63 = arith.constant 0 : i32
    %dma_wait3A_64 = tpu.memref_slice %arg6[%dma_wait3A_62, %dma_wait3A_63] : memref<10240x128xf32, #tpu.memory_space<vmem_shared>> -> memref<48x128xf32, #tpu.memory_space<vmem_shared>>
    %dma_wait3A_65 = arith.constant 0 : i32
    %dma_wait3A_66 = arith.constant 0 : i32
    %dma_wait3A_67 = tpu.memref_slice %arg11[%dma_wait3A_65, %dma_wait3A_66] : memref<128x128xf32, #tpu.memory_space<vmem>> -> memref<48x128xf32, #tpu.memory_space<vmem>>
    %dma_wait3A_68 = arith.constant 0 : i32
    %dma_wait3A_69 = arith.constant 0 : i32
    %dma_wait3A_70 = tpu.memref_slice %arg6[%dma_wait3A_68, %dma_wait3A_69] : memref<10240x128xf32, #tpu.memory_space<vmem_shared>> -> memref<48x128xf32, #tpu.memory_space<vmem_shared>>
    tpu.wait_dma2 semaphore(%arg16 : memref<!tpu.dma_semaphore, #tpu.memory_space<semaphore_mem>>) src(%dma_wait3A_70 : memref<48x128xf32, #tpu.memory_space<vmem_shared>>) dst(%dma_wait3A_67 : memref<48x128xf32, #tpu.memory_space<vmem>>)
    %add3A_71 = arith.constant 48 : i32
    %add3A_72 = arith.addi %mul3A_48, %add3A_71 : i32
    %dma_start3A_73 = arith.constant 0 : i32
    %dma_start3A_74 = arith.constant 0 : i32
    %dma_start3A_75 = tpu.memref_slice %arg12[%dma_start3A_73, %dma_start3A_74] : memref<128x128xf32, #tpu.memory_space<vmem>> -> memref<48x128xf32, #tpu.memory_space<vmem>>
    %dma_start3A_76 = arith.constant 0 : i32
    %dma_start3A_77 = tpu.memref_slice %arg6[%add3A_72, %dma_start3A_76] : memref<10240x128xf32, #tpu.memory_space<vmem_shared>> -> memref<48x128xf32, #tpu.memory_space<vmem_shared>>
    %dma_start3A_78 = arith.constant 0 : i32
    %dma_start3A_79 = arith.constant 0 : i32
    %dma_start3A_80 = tpu.memref_slice %arg12[%dma_start3A_78, %dma_start3A_79] : memref<128x128xf32, #tpu.memory_space<vmem>> -> memref<48x128xf32, #tpu.memory_space<vmem>>
    %dma_start3A_81 = arith.constant 0 : i32
    %dma_start3A_82 = tpu.memref_slice %arg6[%add3A_72, %dma_start3A_81] : memref<10240x128xf32, #tpu.memory_space<vmem_shared>> -> memref<48x128xf32, #tpu.memory_space<vmem_shared>>
    tpu.enqueue_dma source(%dma_start3A_82 : memref<48x128xf32, #tpu.memory_space<vmem_shared>>) target(%dma_start3A_80 : memref<48x128xf32, #tpu.memory_space<vmem>>) target_semaphore(%arg17 : memref<!tpu.dma_semaphore, #tpu.memory_space<semaphore_mem>>)
    %add3A_83 = arith.constant 0 : i32
    %add3A_84 = arith.addi %mul3A_48, %add3A_83 : i32
    %dma_start3A_85 = arith.constant 0 : i32
    %dma_start3A_86 = arith.constant 0 : i32
    %dma_start3A_87 = tpu.memref_slice %arg11[%dma_start3A_85, %dma_start3A_86] : memref<128x128xf32, #tpu.memory_space<vmem>> -> memref<48x128xf32, #tpu.memory_space<vmem>>
    %dma_start3A_88 = arith.constant 0 : i32
    %dma_start3A_89 = tpu.memref_slice %arg5[%arg0, %add3A_84, %dma_start3A_88] : memref<2x10000x128xf32, #tpu.memory_space<hbm>> -> memref<1x48x128xf32, #tpu.memory_space<hbm>>
    %dma_start3A_90 = tpu.memref_squeeze %dma_start3A_89 : memref<1x48x128xf32, #tpu.memory_space<hbm>> -> memref<48x128xf32, #tpu.memory_space<hbm>>
    %dma_start3A_91 = arith.constant 0 : i32
    %dma_start3A_92 = tpu.memref_slice %arg5[%arg0, %add3A_84, %dma_start3A_91] : memref<2x10000x128xf32, #tpu.memory_space<hbm>> -> memref<1x48x128xf32, #tpu.memory_space<hbm>>
    %dma_start3A_93 = tpu.memref_squeeze %dma_start3A_92 : memref<1x48x128xf32, #tpu.memory_space<hbm>> -> memref<48x128xf32, #tpu.memory_space<hbm>>
    %dma_start3A_94 = arith.constant 0 : i32
    %dma_start3A_95 = arith.constant 0 : i32
    %dma_start3A_96 = tpu.memref_slice %arg11[%dma_start3A_94, %dma_start3A_95] : memref<128x128xf32, #tpu.memory_space<vmem>> -> memref<48x128xf32, #tpu.memory_space<vmem>>
    tpu.enqueue_dma source(%dma_start3A_96 : memref<48x128xf32, #tpu.memory_space<vmem>>) target(%dma_start3A_93 : memref<48x128xf32, #tpu.memory_space<hbm>>) target_semaphore(%arg18 : memref<!tpu.dma_semaphore, #tpu.memory_space<semaphore_mem>>)
    %dma_wait3A_97 = arith.constant 0 : i32
    %dma_wait3A_98 = arith.constant 0 : i32
    %dma_wait3A_99 = tpu.memref_slice %arg12[%dma_wait3A_97, %dma_wait3A_98] : memref<128x128xf32, #tpu.memory_space<vmem>> -> memref<48x128xf32, #tpu.memory_space<vmem>>
    %dma_wait3A_100 = arith.constant 0 : i32
    %dma_wait3A_101 = arith.constant 0 : i32
    %dma_wait3A_102 = tpu.memref_slice %arg6[%dma_wait3A_100, %dma_wait3A_101] : memref<10240x128xf32, #tpu.memory_space<vmem_shared>> -> memref<48x128xf32, #tpu.memory_space<vmem_shared>>
    %dma_wait3A_103 = arith.constant 0 : i32
    %dma_wait3A_104 = arith.constant 0 : i32
    %dma_wait3A_105 = tpu.memref_slice %arg12[%dma_wait3A_103, %dma_wait3A_104] : memref<128x128xf32, #tpu.memory_space<vmem>> -> memref<48x128xf32, #tpu.memory_space<vmem>>
    %dma_wait3A_106 = arith.constant 0 : i32
    %dma_wait3A_107 = arith.constant 0 : i32
    %dma_wait3A_108 = tpu.memref_slice %arg6[%dma_wait3A_106, %dma_wait3A_107] : memref<10240x128xf32, #tpu.memory_space<vmem_shared>> -> memref<48x128xf32, #tpu.memory_space<vmem_shared>>
    tpu.wait_dma2 semaphore(%arg17 : memref<!tpu.dma_semaphore, #tpu.memory_space<semaphore_mem>>) src(%dma_wait3A_108 : memref<48x128xf32, #tpu.memory_space<vmem_shared>>) dst(%dma_wait3A_105 : memref<48x128xf32, #tpu.memory_space<vmem>>)
    %dma_wait3A_109 = arith.constant 0 : i32
    %dma_wait3A_110 = arith.constant 0 : i32
    %dma_wait3A_111 = tpu.memref_slice %arg11[%dma_wait3A_109, %dma_wait3A_110] : memref<128x128xf32, #tpu.memory_space<vmem>> -> memref<48x128xf32, #tpu.memory_space<vmem>>
    %dma_wait3A_112 = arith.constant 0 : i32
    %dma_wait3A_113 = tpu.memref_slice %arg5[%arg0, %mul3A_48, %dma_wait3A_112] : memref<2x10000x128xf32, #tpu.memory_space<hbm>> -> memref<1x48x128xf32, #tpu.memory_space<hbm>>
    %dma_wait3A_114 = tpu.memref_squeeze %dma_wait3A_113 : memref<1x48x128xf32, #tpu.memory_space<hbm>> -> memref<48x128xf32, #tpu.memory_space<hbm>>
    %dma_wait3A_115 = arith.constant 0 : i32
    %dma_wait3A_116 = tpu.memref_slice %arg5[%arg0, %mul3A_48, %dma_wait3A_115] : memref<2x10000x128xf32, #tpu.memory_space<hbm>> -> memref<1x48x128xf32, #tpu.memory_space<hbm>>
    %dma_wait3A_117 = tpu.memref_squeeze %dma_wait3A_116 : memref<1x48x128xf32, #tpu.memory_space<hbm>> -> memref<48x128xf32, #tpu.memory_space<hbm>>
    %dma_wait3A_118 = arith.constant 0 : i32
    %dma_wait3A_119 = arith.constant 0 : i32
    %dma_wait3A_120 = tpu.memref_slice %arg11[%dma_wait3A_118, %dma_wait3A_119] : memref<128x128xf32, #tpu.memory_space<vmem>> -> memref<48x128xf32, #tpu.memory_space<vmem>>
    tpu.wait_dma2 semaphore(%arg18 : memref<!tpu.dma_semaphore, #tpu.memory_space<semaphore_mem>>) src(%dma_wait3A_120 : memref<48x128xf32, #tpu.memory_space<vmem>>) dst(%dma_wait3A_117 : memref<48x128xf32, #tpu.memory_space<hbm>>)
    %add3A_121 = arith.constant 96 : i32
    %add3A_122 = arith.addi %mul3A_48, %add3A_121 : i32
    %dma_start3A_123 = arith.constant 0 : i32
    %dma_start3A_124 = arith.constant 0 : i32
    %dma_start3A_125 = tpu.memref_slice %arg11[%dma_start3A_123, %dma_start3A_124] : memref<128x128xf32, #tpu.memory_space<vmem>> -> memref<48x128xf32, #tpu.memory_space<vmem>>
    %dma_start3A_126 = arith.constant 0 : i32
    %dma_start3A_127 = tpu.memref_slice %arg6[%add3A_122, %dma_start3A_126] : memref<10240x128xf32, #tpu.memory_space<vmem_shared>> -> memref<48x128xf32, #tpu.memory_space<vmem_shared>>
    %dma_start3A_128 = arith.constant 0 : i32
    %dma_start3A_129 = arith.constant 0 : i32
    %dma_start3A_130 = tpu.memref_slice %arg11[%dma_start3A_128, %dma_start3A_129] : memref<128x128xf32, #tpu.memory_space<vmem>> -> memref<48x128xf32, #tpu.memory_space<vmem>>
    %dma_start3A_131 = arith.constant 0 : i32
    %dma_start3A_132 = tpu.memref_slice %arg6[%add3A_122, %dma_start3A_131] : memref<10240x128xf32, #tpu.memory_space<vmem_shared>> -> memref<48x128xf32, #tpu.memory_space<vmem_shared>>
    tpu.enqueue_dma source(%dma_start3A_132 : memref<48x128xf32, #tpu.memory_space<vmem_shared>>) target(%dma_start3A_130 : memref<48x128xf32, #tpu.memory_space<vmem>>) target_semaphore(%arg16 : memref<!tpu.dma_semaphore, #tpu.memory_space<semaphore_mem>>)
    %add3A_133 = arith.constant 48 : i32
    %add3A_134 = arith.addi %mul3A_48, %add3A_133 : i32
    %dma_start3A_135 = arith.constant 0 : i32
    %dma_start3A_136 = arith.constant 0 : i32
    %dma_start3A_137 = tpu.memref_slice %arg12[%dma_start3A_135, %dma_start3A_136] : memref<128x128xf32, #tpu.memory_space<vmem>> -> memref<48x128xf32, #tpu.memory_space<vmem>>
    %dma_start3A_138 = arith.constant 0 : i32
    %dma_start3A_139 = tpu.memref_slice %arg5[%arg0, %add3A_134, %dma_start3A_138] : memref<2x10000x128xf32, #tpu.memory_space<hbm>> -> memref<1x48x128xf32, #tpu.memory_space<hbm>>
    %dma_start3A_140 = tpu.memref_squeeze %dma_start3A_139 : memref<1x48x128xf32, #tpu.memory_space<hbm>> -> memref<48x128xf32, #tpu.memory_space<hbm>>
    %dma_start3A_141 = arith.constant 0 : i32
    %dma_start3A_142 = tpu.memref_slice %arg5[%arg0, %add3A_134, %dma_start3A_141] : memref<2x10000x128xf32, #tpu.memory_space<hbm>> -> memref<1x48x128xf32, #tpu.memory_space<hbm>>
    %dma_start3A_143 = tpu.memref_squeeze %dma_start3A_142 : memref<1x48x128xf32, #tpu.memory_space<hbm>> -> memref<48x128xf32, #tpu.memory_space<hbm>>
    %dma_start3A_144 = arith.constant 0 : i32
    %dma_start3A_145 = arith.constant 0 : i32
    %dma_start3A_146 = tpu.memref_slice %arg12[%dma_start3A_144, %dma_start3A_145] : memref<128x128xf32, #tpu.memory_space<vmem>> -> memref<48x128xf32, #tpu.memory_space<vmem>>
    tpu.enqueue_dma source(%dma_start3A_146 : memref<48x128xf32, #tpu.memory_space<vmem>>) target(%dma_start3A_143 : memref<48x128xf32, #tpu.memory_space<hbm>>) target_semaphore(%arg19 : memref<!tpu.dma_semaphore, #tpu.memory_space<semaphore_mem>>)
    %dma_wait3A_147 = arith.constant 0 : i32
    %dma_wait3A_148 = arith.constant 0 : i32
    %dma_wait3A_149 = tpu.memref_slice %arg11[%dma_wait3A_147, %dma_wait3A_148] : memref<128x128xf32, #tpu.memory_space<vmem>> -> memref<48x128xf32, #tpu.memory_space<vmem>>
    %dma_wait3A_150 = arith.constant 0 : i32
    %dma_wait3A_151 = arith.constant 0 : i32
    %dma_wait3A_152 = tpu.memref_slice %arg6[%dma_wait3A_150, %dma_wait3A_151] : memref<10240x128xf32, #tpu.memory_space<vmem_shared>> -> memref<48x128xf32, #tpu.memory_space<vmem_shared>>
    %dma_wait3A_153 = arith.constant 0 : i32
    %dma_wait3A_154 = arith.constant 0 : i32
    %dma_wait3A_155 = tpu.memref_slice %arg11[%dma_wait3A_153, %dma_wait3A_154] : memref<128x128xf32, #tpu.memory_space<vmem>> -> memref<48x128xf32, #tpu.memory_space<vmem>>
    %dma_wait3A_156 = arith.constant 0 : i32
    %dma_wait3A_157 = arith.constant 0 : i32
    %dma_wait3A_158 = tpu.memref_slice %arg6[%dma_wait3A_156, %dma_wait3A_157] : memref<10240x128xf32, #tpu.memory_space<vmem_shared>> -> memref<48x128xf32, #tpu.memory_space<vmem_shared>>
    tpu.wait_dma2 semaphore(%arg16 : memref<!tpu.dma_semaphore, #tpu.memory_space<semaphore_mem>>) src(%dma_wait3A_158 : memref<48x128xf32, #tpu.memory_space<vmem_shared>>) dst(%dma_wait3A_155 : memref<48x128xf32, #tpu.memory_space<vmem>>)
    %dma_wait3A_159 = arith.constant 0 : i32
    %dma_wait3A_160 = arith.constant 0 : i32
    %dma_wait3A_161 = tpu.memref_slice %arg12[%dma_wait3A_159, %dma_wait3A_160] : memref<128x128xf32, #tpu.memory_space<vmem>> -> memref<48x128xf32, #tpu.memory_space<vmem>>
    %dma_wait3A_162 = arith.constant 0 : i32
    %dma_wait3A_163 = tpu.memref_slice %arg5[%arg0, %mul3A_48, %dma_wait3A_162] : memref<2x10000x128xf32, #tpu.memory_space<hbm>> -> memref<1x48x128xf32, #tpu.memory_space<hbm>>
    %dma_wait3A_164 = tpu.memref_squeeze %dma_wait3A_163 : memref<1x48x128xf32, #tpu.memory_space<hbm>> -> memref<48x128xf32, #tpu.memory_space<hbm>>
    %dma_wait3A_165 = arith.constant 0 : i32
    %dma_wait3A_166 = tpu.memref_slice %arg5[%arg0, %mul3A_48, %dma_wait3A_165] : memref<2x10000x128xf32, #tpu.memory_space<hbm>> -> memref<1x48x128xf32, #tpu.memory_space<hbm>>
    %dma_wait3A_167 = tpu.memref_squeeze %dma_wait3A_166 : memref<1x48x128xf32, #tpu.memory_space<hbm>> -> memref<48x128xf32, #tpu.memory_space<hbm>>
    %dma_wait3A_168 = arith.constant 0 : i32
    %dma_wait3A_169 = arith.constant 0 : i32
    %dma_wait3A_170 = tpu.memref_slice %arg12[%dma_wait3A_168, %dma_wait3A_169] : memref<128x128xf32, #tpu.memory_space<vmem>> -> memref<48x128xf32, #tpu.memory_space<vmem>>
    tpu.wait_dma2 semaphore(%arg19 : memref<!tpu.dma_semaphore, #tpu.memory_space<semaphore_mem>>) src(%dma_wait3A_170 : memref<48x128xf32, #tpu.memory_space<vmem>>) dst(%dma_wait3A_167 : memref<48x128xf32, #tpu.memory_space<hbm>>)
    %add3A_171 = arith.constant 144 : i32
    %add3A_172 = arith.addi %mul3A_48, %add3A_171 : i32
    %dma_start3A_173 = arith.constant 0 : i32
    %dma_start3A_174 = arith.constant 0 : i32
    %dma_start3A_175 = tpu.memref_slice %arg12[%dma_start3A_173, %dma_start3A_174] : memref<128x128xf32, #tpu.memory_space<vmem>> -> memref<48x128xf32, #tpu.memory_space<vmem>>
    %dma_start3A_176 = arith.constant 0 : i32
    %dma_start3A_177 = tpu.memref_slice %arg6[%add3A_172, %dma_start3A_176] : memref<10240x128xf32, #tpu.memory_space<vmem_shared>> -> memref<48x128xf32, #tpu.memory_space<vmem_shared>>
    %dma_start3A_178 = arith.constant 0 : i32
    %dma_start3A_179 = arith.constant 0 : i32
    %dma_start3A_180 = tpu.memref_slice %arg12[%dma_start3A_178, %dma_start3A_179] : memref<128x128xf32, #tpu.memory_space<vmem>> -> memref<48x128xf32, #tpu.memory_space<vmem>>
    %dma_start3A_181 = arith.constant 0 : i32
    %dma_start3A_182 = tpu.memref_slice %arg6[%add3A_172, %dma_start3A_181] : memref<10240x128xf32, #tpu.memory_space<vmem_shared>> -> memref<48x128xf32, #tpu.memory_space<vmem_shared>>
    tpu.enqueue_dma source(%dma_start3A_182 : memref<48x128xf32, #tpu.memory_space<vmem_shared>>) target(%dma_start3A_180 : memref<48x128xf32, #tpu.memory_space<vmem>>) target_semaphore(%arg17 : memref<!tpu.dma_semaphore, #tpu.memory_space<semaphore_mem>>)
    %add3A_183 = arith.constant 96 : i32
    %add3A_184 = arith.addi %mul3A_48, %add3A_183 : i32
    %dma_start3A_185 = arith.constant 0 : i32
    %dma_start3A_186 = arith.constant 0 : i32
    %dma_start3A_187 = tpu.memref_slice %arg11[%dma_start3A_185, %dma_start3A_186] : memref<128x128xf32, #tpu.memory_space<vmem>> -> memref<48x128xf32, #tpu.memory_space<vmem>>
    %dma_start3A_188 = arith.constant 0 : i32
    %dma_start3A_189 = tpu.memref_slice %arg5[%arg0, %add3A_184, %dma_start3A_188] : memref<2x10000x128xf32, #tpu.memory_space<hbm>> -> memref<1x48x128xf32, #tpu.memory_space<hbm>>
    %dma_start3A_190 = tpu.memref_squeeze %dma_start3A_189 : memref<1x48x128xf32, #tpu.memory_space<hbm>> -> memref<48x128xf32, #tpu.memory_space<hbm>>
    %dma_start3A_191 = arith.constant 0 : i32
    %dma_start3A_192 = tpu.memref_slice %arg5[%arg0, %add3A_184, %dma_start3A_191] : memref<2x10000x128xf32, #tpu.memory_space<hbm>> -> memref<1x48x128xf32, #tpu.memory_space<hbm>>
    %dma_start3A_193 = tpu.memref_squeeze %dma_start3A_192 : memref<1x48x128xf32, #tpu.memory_space<hbm>> -> memref<48x128xf32, #tpu.memory_space<hbm>>
    %dma_start3A_194 = arith.constant 0 : i32
    %dma_start3A_195 = arith.constant 0 : i32
    %dma_start3A_196 = tpu.memref_slice %arg11[%dma_start3A_194, %dma_start3A_195] : memref<128x128xf32, #tpu.memory_space<vmem>> -> memref<48x128xf32, #tpu.memory_space<vmem>>
    tpu.enqueue_dma source(%dma_start3A_196 : memref<48x128xf32, #tpu.memory_space<vmem>>) target(%dma_start3A_193 : memref<48x128xf32, #tpu.memory_space<hbm>>) target_semaphore(%arg18 : memref<!tpu.dma_semaphore, #tpu.memory_space<semaphore_mem>>)
    %dma_wait3A_197 = arith.constant 0 : i32
    %dma_wait3A_198 = arith.constant 0 : i32
    %dma_wait3A_199 = tpu.memref_slice %arg12[%dma_wait3A_197, %dma_wait3A_198] : memref<128x128xf32, #tpu.memory_space<vmem>> -> memref<48x128xf32, #tpu.memory_space<vmem>>
    %dma_wait3A_200 = arith.constant 0 : i32
    %dma_wait3A_201 = arith.constant 0 : i32
    %dma_wait3A_202 = tpu.memref_slice %arg6[%dma_wait3A_200, %dma_wait3A_201] : memref<10240x128xf32, #tpu.memory_space<vmem_shared>> -> memref<48x128xf32, #tpu.memory_space<vmem_shared>>
    %dma_wait3A_203 = arith.constant 0 : i32
    %dma_wait3A_204 = arith.constant 0 : i32
    %dma_wait3A_205 = tpu.memref_slice %arg12[%dma_wait3A_203, %dma_wait3A_204] : memref<128x128xf32, #tpu.memory_space<vmem>> -> memref<48x128xf32, #tpu.memory_space<vmem>>
    %dma_wait3A_206 = arith.constant 0 : i32
    %dma_wait3A_207 = arith.constant 0 : i32
    %dma_wait3A_208 = tpu.memref_slice %arg6[%dma_wait3A_206, %dma_wait3A_207] : memref<10240x128xf32, #tpu.memory_space<vmem_shared>> -> memref<48x128xf32, #tpu.memory_space<vmem_shared>>
    tpu.wait_dma2 semaphore(%arg17 : memref<!tpu.dma_semaphore, #tpu.memory_space<semaphore_mem>>) src(%dma_wait3A_208 : memref<48x128xf32, #tpu.memory_space<vmem_shared>>) dst(%dma_wait3A_205 : memref<48x128xf32, #tpu.memory_space<vmem>>)
    %dma_wait3A_209 = arith.constant 0 : i32
    %dma_wait3A_210 = arith.constant 0 : i32
    %dma_wait3A_211 = tpu.memref_slice %arg11[%dma_wait3A_209, %dma_wait3A_210] : memref<128x128xf32, #tpu.memory_space<vmem>> -> memref<48x128xf32, #tpu.memory_space<vmem>>
    %dma_wait3A_212 = arith.constant 0 : i32
    %dma_wait3A_213 = tpu.memref_slice %arg5[%arg0, %mul3A_48, %dma_wait3A_212] : memref<2x10000x128xf32, #tpu.memory_space<hbm>> -> memref<1x48x128xf32, #tpu.memory_space<hbm>>
    %dma_wait3A_214 = tpu.memref_squeeze %dma_wait3A_213 : memref<1x48x128xf32, #tpu.memory_space<hbm>> -> memref<48x128xf32, #tpu.memory_space<hbm>>
    %dma_wait3A_215 = arith.constant 0 : i32
    %dma_wait3A_216 = tpu.memref_slice %arg5[%arg0, %mul3A_48, %dma_wait3A_215] : memref<2x10000x128xf32, #tpu.memory_space<hbm>> -> memref<1x48x128xf32, #tpu.memory_space<hbm>>
    %dma_wait3A_217 = tpu.memref_squeeze %dma_wait3A_216 : memref<1x48x128xf32, #tpu.memory_space<hbm>> -> memref<48x128xf32, #tpu.memory_space<hbm>>
    %dma_wait3A_218 = arith.constant 0 : i32
    %dma_wait3A_219 = arith.constant 0 : i32
    %dma_wait3A_220 = tpu.memref_slice %arg11[%dma_wait3A_218, %dma_wait3A_219] : memref<128x128xf32, #tpu.memory_space<vmem>> -> memref<48x128xf32, #tpu.memory_space<vmem>>
    tpu.wait_dma2 semaphore(%arg18 : memref<!tpu.dma_semaphore, #tpu.memory_space<semaphore_mem>>) src(%dma_wait3A_220 : memref<48x128xf32, #tpu.memory_space<vmem>>) dst(%dma_wait3A_217 : memref<48x128xf32, #tpu.memory_space<hbm>>)
    %add3A_221 = arith.constant 192 : i32
    %add3A_222 = arith.addi %mul3A_48, %add3A_221 : i32
    %dma_start3A_223 = arith.constant 0 : i32
    %dma_start3A_224 = arith.constant 0 : i32
    %dma_start3A_225 = tpu.memref_slice %arg11[%dma_start3A_223, %dma_start3A_224] : memref<128x128xf32, #tpu.memory_space<vmem>> -> memref<48x128xf32, #tpu.memory_space<vmem>>
    %dma_start3A_226 = arith.constant 0 : i32
    %dma_start3A_227 = tpu.memref_slice %arg6[%add3A_222, %dma_start3A_226] : memref<10240x128xf32, #tpu.memory_space<vmem_shared>> -> memref<48x128xf32, #tpu.memory_space<vmem_shared>>
    %dma_start3A_228 = arith.constant 0 : i32
    %dma_start3A_229 = arith.constant 0 : i32
    %dma_start3A_230 = tpu.memref_slice %arg11[%dma_start3A_228, %dma_start3A_229] : memref<128x128xf32, #tpu.memory_space<vmem>> -> memref<48x128xf32, #tpu.memory_space<vmem>>
    %dma_start3A_231 = arith.constant 0 : i32
    %dma_start3A_232 = tpu.memref_slice %arg6[%add3A_222, %dma_start3A_231] : memref<10240x128xf32, #tpu.memory_space<vmem_shared>> -> memref<48x128xf32, #tpu.memory_space<vmem_shared>>
    tpu.enqueue_dma source(%dma_start3A_232 : memref<48x128xf32, #tpu.memory_space<vmem_shared>>) target(%dma_start3A_230 : memref<48x128xf32, #tpu.memory_space<vmem>>) target_semaphore(%arg16 : memref<!tpu.dma_semaphore, #tpu.memory_space<semaphore_mem>>)
    %add3A_233 = arith.constant 144 : i32
    %add3A_234 = arith.addi %mul3A_48, %add3A_233 : i32
    %dma_start3A_235 = arith.constant 0 : i32
    %dma_start3A_236 = arith.constant 0 : i32
    %dma_start3A_237 = tpu.memref_slice %arg12[%dma_start3A_235, %dma_start3A_236] : memref<128x128xf32, #tpu.memory_space<vmem>> -> memref<48x128xf32, #tpu.memory_space<vmem>>
    %dma_start3A_238 = arith.constant 0 : i32
    %dma_start3A_239 = tpu.memref_slice %arg5[%arg0, %add3A_234, %dma_start3A_238] : memref<2x10000x128xf32, #tpu.memory_space<hbm>> -> memref<1x48x128xf32, #tpu.memory_space<hbm>>
    %dma_start3A_240 = tpu.memref_squeeze %dma_start3A_239 : memref<1x48x128xf32, #tpu.memory_space<hbm>> -> memref<48x128xf32, #tpu.memory_space<hbm>>
    %dma_start3A_241 = arith.constant 0 : i32
    %dma_start3A_242 = tpu.memref_slice %arg5[%arg0, %add3A_234, %dma_start3A_241] : memref<2x10000x128xf32, #tpu.memory_space<hbm>> -> memref<1x48x128xf32, #tpu.memory_space<hbm>>
    %dma_start3A_243 = tpu.memref_squeeze %dma_start3A_242 : memref<1x48x128xf32, #tpu.memory_space<hbm>> -> memref<48x128xf32, #tpu.memory_space<hbm>>
    %dma_start3A_244 = arith.constant 0 : i32
    %dma_start3A_245 = arith.constant 0 : i32
    %dma_start3A_246 = tpu.memref_slice %arg12[%dma_start3A_244, %dma_start3A_245] : memref<128x128xf32, #tpu.memory_space<vmem>> -> memref<48x128xf32, #tpu.memory_space<vmem>>
    tpu.enqueue_dma source(%dma_start3A_246 : memref<48x128xf32, #tpu.memory_space<vmem>>) target(%dma_start3A_243 : memref<48x128xf32, #tpu.memory_space<hbm>>) target_semaphore(%arg19 : memref<!tpu.dma_semaphore, #tpu.memory_space<semaphore_mem>>)
    %dma_wait3A_247 = arith.constant 0 : i32
    %dma_wait3A_248 = arith.constant 0 : i32
    %dma_wait3A_249 = tpu.memref_slice %arg11[%dma_wait3A_247, %dma_wait3A_248] : memref<128x128xf32, #tpu.memory_space<vmem>> -> memref<48x128xf32, #tpu.memory_space<vmem>>
    %dma_wait3A_250 = arith.constant 0 : i32
    %dma_wait3A_251 = arith.constant 0 : i32
    %dma_wait3A_252 = tpu.memref_slice %arg6[%dma_wait3A_250, %dma_wait3A_251] : memref<10240x128xf32, #tpu.memory_space<vmem_shared>> -> memref<48x128xf32, #tpu.memory_space<vmem_shared>>
    %dma_wait3A_253 = arith.constant 0 : i32
    %dma_wait3A_254 = arith.constant 0 : i32
    %dma_wait3A_255 = tpu.memref_slice %arg11[%dma_wait3A_253, %dma_wait3A_254] : memref<128x128xf32, #tpu.memory_space<vmem>> -> memref<48x128xf32, #tpu.memory_space<vmem>>
    %dma_wait3A_256 = arith.constant 0 : i32
    %dma_wait3A_257 = arith.constant 0 : i32
    %dma_wait3A_258 = tpu.memref_slice %arg6[%dma_wait3A_256, %dma_wait3A_257] : memref<10240x128xf32, #tpu.memory_space<vmem_shared>> -> memref<48x128xf32, #tpu.memory_space<vmem_shared>>
    tpu.wait_dma2 semaphore(%arg16 : memref<!tpu.dma_semaphore, #tpu.memory_space<semaphore_mem>>) src(%dma_wait3A_258 : memref<48x128xf32, #tpu.memory_space<vmem_shared>>) dst(%dma_wait3A_255 : memref<48x128xf32, #tpu.memory_space<vmem>>)
    %dma_wait3A_259 = arith.constant 0 : i32
    %dma_wait3A_260 = arith.constant 0 : i32
    %dma_wait3A_261 = tpu.memref_slice %arg12[%dma_wait3A_259, %dma_wait3A_260] : memref<128x128xf32, #tpu.memory_space<vmem>> -> memref<48x128xf32, #tpu.memory_space<vmem>>
    %dma_wait3A_262 = arith.constant 0 : i32
    %dma_wait3A_263 = tpu.memref_slice %arg5[%arg0, %mul3A_48, %dma_wait3A_262] : memref<2x10000x128xf32, #tpu.memory_space<hbm>> -> memref<1x48x128xf32, #tpu.memory_space<hbm>>
    %dma_wait3A_264 = tpu.memref_squeeze %dma_wait3A_263 : memref<1x48x128xf32, #tpu.memory_space<hbm>> -> memref<48x128xf32, #tpu.memory_space<hbm>>
    %dma_wait3A_265 = arith.constant 0 : i32
    %dma_wait3A_266 = tpu.memref_slice %arg5[%arg0, %mul3A_48, %dma_wait3A_265] : memref<2x10000x128xf32, #tpu.memory_space<hbm>> -> memref<1x48x128xf32, #tpu.memory_space<hbm>>
    %dma_wait3A_267 = tpu.memref_squeeze %dma_wait3A_266 : memref<1x48x128xf32, #tpu.memory_space<hbm>> -> memref<48x128xf32, #tpu.memory_space<hbm>>
    %dma_wait3A_268 = arith.constant 0 : i32
    %dma_wait3A_269 = arith.constant 0 : i32
    %dma_wait3A_270 = tpu.memref_slice %arg12[%dma_wait3A_268, %dma_wait3A_269] : memref<128x128xf32, #tpu.memory_space<vmem>> -> memref<48x128xf32, #tpu.memory_space<vmem>>
    tpu.wait_dma2 semaphore(%arg19 : memref<!tpu.dma_semaphore, #tpu.memory_space<semaphore_mem>>) src(%dma_wait3A_270 : memref<48x128xf32, #tpu.memory_space<vmem>>) dst(%dma_wait3A_267 : memref<48x128xf32, #tpu.memory_space<hbm>>)
    %add3A_271 = arith.constant 240 : i32
    %add3A_272 = arith.addi %mul3A_48, %add3A_271 : i32
    %dma_start3A_273 = arith.constant 0 : i32
    %dma_start3A_274 = arith.constant 0 : i32
    %dma_start3A_275 = tpu.memref_slice %arg12[%dma_start3A_273, %dma_start3A_274] : memref<128x128xf32, #tpu.memory_space<vmem>> -> memref<48x128xf32, #tpu.memory_space<vmem>>
    %dma_start3A_276 = arith.constant 0 : i32
    %dma_start3A_277 = tpu.memref_slice %arg6[%add3A_272, %dma_start3A_276] : memref<10240x128xf32, #tpu.memory_space<vmem_shared>> -> memref<48x128xf32, #tpu.memory_space<vmem_shared>>
    %dma_start3A_278 = arith.constant 0 : i32
    %dma_start3A_279 = arith.constant 0 : i32
    %dma_start3A_280 = tpu.memref_slice %arg12[%dma_start3A_278, %dma_start3A_279] : memref<128x128xf32, #tpu.memory_space<vmem>> -> memref<48x128xf32, #tpu.memory_space<vmem>>
    %dma_start3A_281 = arith.constant 0 : i32
    %dma_start3A_282 = tpu.memref_slice %arg6[%add3A_272, %dma_start3A_281] : memref<10240x128xf32, #tpu.memory_space<vmem_shared>> -> memref<48x128xf32, #tpu.memory_space<vmem_shared>>
    tpu.enqueue_dma source(%dma_start3A_282 : memref<48x128xf32, #tpu.memory_space<vmem_shared>>) target(%dma_start3A_280 : memref<48x128xf32, #tpu.memory_space<vmem>>) target_semaphore(%arg17 : memref<!tpu.dma_semaphore, #tpu.memory_space<semaphore_mem>>)
    %add3A_283 = arith.constant 192 : i32
    %add3A_284 = arith.addi %mul3A_48, %add3A_283 : i32
    %dma_start3A_285 = arith.constant 0 : i32
    %dma_start3A_286 = arith.constant 0 : i32
    %dma_start3A_287 = tpu.memref_slice %arg11[%dma_start3A_285, %dma_start3A_286] : memref<128x128xf32, #tpu.memory_space<vmem>> -> memref<48x128xf32, #tpu.memory_space<vmem>>
    %dma_start3A_288 = arith.constant 0 : i32
    %dma_start3A_289 = tpu.memref_slice %arg5[%arg0, %add3A_284, %dma_start3A_288] : memref<2x10000x128xf32, #tpu.memory_space<hbm>> -> memref<1x48x128xf32, #tpu.memory_space<hbm>>
    %dma_start3A_290 = tpu.memref_squeeze %dma_start3A_289 : memref<1x48x128xf32, #tpu.memory_space<hbm>> -> memref<48x128xf32, #tpu.memory_space<hbm>>
    %dma_start3A_291 = arith.constant 0 : i32
    %dma_start3A_292 = tpu.memref_slice %arg5[%arg0, %add3A_284, %dma_start3A_291] : memref<2x10000x128xf32, #tpu.memory_space<hbm>> -> memref<1x48x128xf32, #tpu.memory_space<hbm>>
    %dma_start3A_293 = tpu.memref_squeeze %dma_start3A_292 : memref<1x48x128xf32, #tpu.memory_space<hbm>> -> memref<48x128xf32, #tpu.memory_space<hbm>>
    %dma_start3A_294 = arith.constant 0 : i32
    %dma_start3A_295 = arith.constant 0 : i32
    %dma_start3A_296 = tpu.memref_slice %arg11[%dma_start3A_294, %dma_start3A_295] : memref<128x128xf32, #tpu.memory_space<vmem>> -> memref<48x128xf32, #tpu.memory_space<vmem>>
    tpu.enqueue_dma source(%dma_start3A_296 : memref<48x128xf32, #tpu.memory_space<vmem>>) target(%dma_start3A_293 : memref<48x128xf32, #tpu.memory_space<hbm>>) target_semaphore(%arg18 : memref<!tpu.dma_semaphore, #tpu.memory_space<semaphore_mem>>)
    %dma_wait3A_297 = arith.constant 0 : i32
    %dma_wait3A_298 = arith.constant 0 : i32
    %dma_wait3A_299 = tpu.memref_slice %arg12[%dma_wait3A_297, %dma_wait3A_298] : memref<128x128xf32, #tpu.memory_space<vmem>> -> memref<48x128xf32, #tpu.memory_space<vmem>>
    %dma_wait3A_300 = arith.constant 0 : i32
    %dma_wait3A_301 = arith.constant 0 : i32
    %dma_wait3A_302 = tpu.memref_slice %arg6[%dma_wait3A_300, %dma_wait3A_301] : memref<10240x128xf32, #tpu.memory_space<vmem_shared>> -> memref<48x128xf32, #tpu.memory_space<vmem_shared>>
    %dma_wait3A_303 = arith.constant 0 : i32
    %dma_wait3A_304 = arith.constant 0 : i32
    %dma_wait3A_305 = tpu.memref_slice %arg12[%dma_wait3A_303, %dma_wait3A_304] : memref<128x128xf32, #tpu.memory_space<vmem>> -> memref<48x128xf32, #tpu.memory_space<vmem>>
    %dma_wait3A_306 = arith.constant 0 : i32
    %dma_wait3A_307 = arith.constant 0 : i32
    %dma_wait3A_308 = tpu.memref_slice %arg6[%dma_wait3A_306, %dma_wait3A_307] : memref<10240x128xf32, #tpu.memory_space<vmem_shared>> -> memref<48x128xf32, #tpu.memory_space<vmem_shared>>
    tpu.wait_dma2 semaphore(%arg17 : memref<!tpu.dma_semaphore, #tpu.memory_space<semaphore_mem>>) src(%dma_wait3A_308 : memref<48x128xf32, #tpu.memory_space<vmem_shared>>) dst(%dma_wait3A_305 : memref<48x128xf32, #tpu.memory_space<vmem>>)
    %dma_wait3A_309 = arith.constant 0 : i32
    %dma_wait3A_310 = arith.constant 0 : i32
    %dma_wait3A_311 = tpu.memref_slice %arg11[%dma_wait3A_309, %dma_wait3A_310] : memref<128x128xf32, #tpu.memory_space<vmem>> -> memref<48x128xf32, #tpu.memory_space<vmem>>
    %dma_wait3A_312 = arith.constant 0 : i32
    %dma_wait3A_313 = tpu.memref_slice %arg5[%arg0, %mul3A_48, %dma_wait3A_312] : memref<2x10000x128xf32, #tpu.memory_space<hbm>> -> memref<1x48x128xf32, #tpu.memory_space<hbm>>
    %dma_wait3A_314 = tpu.memref_squeeze %dma_wait3A_313 : memref<1x48x128xf32, #tpu.memory_space<hbm>> -> memref<48x128xf32, #tpu.memory_space<hbm>>
    %dma_wait3A_315 = arith.constant 0 : i32
    %dma_wait3A_316 = tpu.memref_slice %arg5[%arg0, %mul3A_48, %dma_wait3A_315] : memref<2x10000x128xf32, #tpu.memory_space<hbm>> -> memref<1x48x128xf32, #tpu.memory_space<hbm>>
    %dma_wait3A_317 = tpu.memref_squeeze %dma_wait3A_316 : memref<1x48x128xf32, #tpu.memory_space<hbm>> -> memref<48x128xf32, #tpu.memory_space<hbm>>
    %dma_wait3A_318 = arith.constant 0 : i32
    %dma_wait3A_319 = arith.constant 0 : i32
    %dma_wait3A_320 = tpu.memref_slice %arg11[%dma_wait3A_318, %dma_wait3A_319] : memref<128x128xf32, #tpu.memory_space<vmem>> -> memref<48x128xf32, #tpu.memory_space<vmem>>
    tpu.wait_dma2 semaphore(%arg18 : memref<!tpu.dma_semaphore, #tpu.memory_space<semaphore_mem>>) src(%dma_wait3A_320 : memref<48x128xf32, #tpu.memory_space<vmem>>) dst(%dma_wait3A_317 : memref<48x128xf32, #tpu.memory_space<hbm>>)
    %add3A_321 = arith.constant 288 : i32
    %add3A_322 = arith.addi %mul3A_48, %add3A_321 : i32
    %dma_start3A_323 = arith.constant 0 : i32
    %dma_start3A_324 = arith.constant 0 : i32
    %dma_start3A_325 = tpu.memref_slice %arg11[%dma_start3A_323, %dma_start3A_324] : memref<128x128xf32, #tpu.memory_space<vmem>> -> memref<48x128xf32, #tpu.memory_space<vmem>>
    %dma_start3A_326 = arith.constant 0 : i32
    %dma_start3A_327 = tpu.memref_slice %arg6[%add3A_322, %dma_start3A_326] : memref<10240x128xf32, #tpu.memory_space<vmem_shared>> -> memref<48x128xf32, #tpu.memory_space<vmem_shared>>
    %dma_start3A_328 = arith.constant 0 : i32
    %dma_start3A_329 = arith.constant 0 : i32
    %dma_start3A_330 = tpu.memref_slice %arg11[%dma_start3A_328, %dma_start3A_329] : memref<128x128xf32, #tpu.memory_space<vmem>> -> memref<48x128xf32, #tpu.memory_space<vmem>>
    %dma_start3A_331 = arith.constant 0 : i32
    %dma_start3A_332 = tpu.memref_slice %arg6[%add3A_322, %dma_start3A_331] : memref<10240x128xf32, #tpu.memory_space<vmem_shared>> -> memref<48x128xf32, #tpu.memory_space<vmem_shared>>
    tpu.enqueue_dma source(%dma_start3A_332 : memref<48x128xf32, #tpu.memory_space<vmem_shared>>) target(%dma_start3A_330 : memref<48x128xf32, #tpu.memory_space<vmem>>) target_semaphore(%arg16 : memref<!tpu.dma_semaphore, #tpu.memory_space<semaphore_mem>>)
    %add3A_333 = arith.constant 240 : i32
    %add3A_334 = arith.addi %mul3A_48, %add3A_333 : i32
    %dma_start3A_335 = arith.constant 0 : i32
    %dma_start3A_336 = arith.constant 0 : i32
    %dma_start3A_337 = tpu.memref_slice %arg12[%dma_start3A_335, %dma_start3A_336] : memref<128x128xf32, #tpu.memory_space<vmem>> -> memref<48x128xf32, #tpu.memory_space<vmem>>
    %dma_start3A_338 = arith.constant 0 : i32
    %dma_start3A_339 = tpu.memref_slice %arg5[%arg0, %add3A_334, %dma_start3A_338] : memref<2x10000x128xf32, #tpu.memory_space<hbm>> -> memref<1x48x128xf32, #tpu.memory_space<hbm>>
    %dma_start3A_340 = tpu.memref_squeeze %dma_start3A_339 : memref<1x48x128xf32, #tpu.memory_space<hbm>> -> memref<48x128xf32, #tpu.memory_space<hbm>>
    %dma_start3A_341 = arith.constant 0 : i32
    %dma_start3A_342 = tpu.memref_slice %arg5[%arg0, %add3A_334, %dma_start3A_341] : memref<2x10000x128xf32, #tpu.memory_space<hbm>> -> memref<1x48x128xf32, #tpu.memory_space<hbm>>
    %dma_start3A_343 = tpu.memref_squeeze %dma_start3A_342 : memref<1x48x128xf32, #tpu.memory_space<hbm>> -> memref<48x128xf32, #tpu.memory_space<hbm>>
    %dma_start3A_344 = arith.constant 0 : i32
    %dma_start3A_345 = arith.constant 0 : i32
    %dma_start3A_346 = tpu.memref_slice %arg12[%dma_start3A_344, %dma_start3A_345] : memref<128x128xf32, #tpu.memory_space<vmem>> -> memref<48x128xf32, #tpu.memory_space<vmem>>
    tpu.enqueue_dma source(%dma_start3A_346 : memref<48x128xf32, #tpu.memory_space<vmem>>) target(%dma_start3A_343 : memref<48x128xf32, #tpu.memory_space<hbm>>) target_semaphore(%arg19 : memref<!tpu.dma_semaphore, #tpu.memory_space<semaphore_mem>>)
    %dma_wait3A_347 = arith.constant 0 : i32
    %dma_wait3A_348 = arith.constant 0 : i32
    %dma_wait3A_349 = tpu.memref_slice %arg11[%dma_wait3A_347, %dma_wait3A_348] : memref<128x128xf32, #tpu.memory_space<vmem>> -> memref<48x128xf32, #tpu.memory_space<vmem>>
    %dma_wait3A_350 = arith.constant 0 : i32
    %dma_wait3A_351 = arith.constant 0 : i32
    %dma_wait3A_352 = tpu.memref_slice %arg6[%dma_wait3A_350, %dma_wait3A_351] : memref<10240x128xf32, #tpu.memory_space<vmem_shared>> -> memref<48x128xf32, #tpu.memory_space<vmem_shared>>
    %dma_wait3A_353 = arith.constant 0 : i32
    %dma_wait3A_354 = arith.constant 0 : i32
    %dma_wait3A_355 = tpu.memref_slice %arg11[%dma_wait3A_353, %dma_wait3A_354] : memref<128x128xf32, #tpu.memory_space<vmem>> -> memref<48x128xf32, #tpu.memory_space<vmem>>
    %dma_wait3A_356 = arith.constant 0 : i32
    %dma_wait3A_357 = arith.constant 0 : i32
    %dma_wait3A_358 = tpu.memref_slice %arg6[%dma_wait3A_356, %dma_wait3A_357] : memref<10240x128xf32, #tpu.memory_space<vmem_shared>> -> memref<48x128xf32, #tpu.memory_space<vmem_shared>>
    tpu.wait_dma2 semaphore(%arg16 : memref<!tpu.dma_semaphore, #tpu.memory_space<semaphore_mem>>) src(%dma_wait3A_358 : memref<48x128xf32, #tpu.memory_space<vmem_shared>>) dst(%dma_wait3A_355 : memref<48x128xf32, #tpu.memory_space<vmem>>)
    %dma_wait3A_359 = arith.constant 0 : i32
    %dma_wait3A_360 = arith.constant 0 : i32
    %dma_wait3A_361 = tpu.memref_slice %arg12[%dma_wait3A_359, %dma_wait3A_360] : memref<128x128xf32, #tpu.memory_space<vmem>> -> memref<48x128xf32, #tpu.memory_space<vmem>>
    %dma_wait3A_362 = arith.constant 0 : i32
    %dma_wait3A_363 = tpu.memref_slice %arg5[%arg0, %mul3A_48, %dma_wait3A_362] : memref<2x10000x128xf32, #tpu.memory_space<hbm>> -> memref<1x48x128xf32, #tpu.memory_space<hbm>>
    %dma_wait3A_364 = tpu.memref_squeeze %dma_wait3A_363 : memref<1x48x128xf32, #tpu.memory_space<hbm>> -> memref<48x128xf32, #tpu.memory_space<hbm>>
    %dma_wait3A_365 = arith.constant 0 : i32
    %dma_wait3A_366 = tpu.memref_slice %arg5[%arg0, %mul3A_48, %dma_wait3A_365] : memref<2x10000x128xf32, #tpu.memory_space<hbm>> -> memref<1x48x128xf32, #tpu.memory_space<hbm>>
    %dma_wait3A_367 = tpu.memref_squeeze %dma_wait3A_366 : memref<1x48x128xf32, #tpu.memory_space<hbm>> -> memref<48x128xf32, #tpu.memory_space<hbm>>
    %dma_wait3A_368 = arith.constant 0 : i32
    %dma_wait3A_369 = arith.constant 0 : i32
    %dma_wait3A_370 = tpu.memref_slice %arg12[%dma_wait3A_368, %dma_wait3A_369] : memref<128x128xf32, #tpu.memory_space<vmem>> -> memref<48x128xf32, #tpu.memory_space<vmem>>
    tpu.wait_dma2 semaphore(%arg19 : memref<!tpu.dma_semaphore, #tpu.memory_space<semaphore_mem>>) src(%dma_wait3A_370 : memref<48x128xf32, #tpu.memory_space<vmem>>) dst(%dma_wait3A_367 : memref<48x128xf32, #tpu.memory_space<hbm>>)
    %add3A_371 = arith.constant 336 : i32
    %add3A_372 = arith.addi %mul3A_48, %add3A_371 : i32
    %dma_start3A_373 = arith.constant 0 : i32
    %dma_start3A_374 = arith.constant 0 : i32
    %dma_start3A_375 = tpu.memref_slice %arg12[%dma_start3A_373, %dma_start3A_374] : memref<128x128xf32, #tpu.memory_space<vmem>> -> memref<48x128xf32, #tpu.memory_space<vmem>>
    %dma_start3A_376 = arith.constant 0 : i32
    %dma_start3A_377 = tpu.memref_slice %arg6[%add3A_372, %dma_start3A_376] : memref<10240x128xf32, #tpu.memory_space<vmem_shared>> -> memref<48x128xf32, #tpu.memory_space<vmem_shared>>
    %dma_start3A_378 = arith.constant 0 : i32
    %dma_start3A_379 = arith.constant 0 : i32
    %dma_start3A_380 = tpu.memref_slice %arg12[%dma_start3A_378, %dma_start3A_379] : memref<128x128xf32, #tpu.memory_space<vmem>> -> memref<48x128xf32, #tpu.memory_space<vmem>>
    %dma_start3A_381 = arith.constant 0 : i32
    %dma_start3A_382 = tpu.memref_slice %arg6[%add3A_372, %dma_start3A_381] : memref<10240x128xf32, #tpu.memory_space<vmem_shared>> -> memref<48x128xf32, #tpu.memory_space<vmem_shared>>
    tpu.enqueue_dma source(%dma_start3A_382 : memref<48x128xf32, #tpu.memory_space<vmem_shared>>) target(%dma_start3A_380 : memref<48x128xf32, #tpu.memory_space<vmem>>) target_semaphore(%arg17 : memref<!tpu.dma_semaphore, #tpu.memory_space<semaphore_mem>>)
    %add3A_383 = arith.constant 288 : i32
    %add3A_384 = arith.addi %mul3A_48, %add3A_383 : i32
    %dma_start3A_385 = arith.constant 0 : i32
    %dma_start3A_386 = arith.constant 0 : i32
    %dma_start3A_387 = tpu.memref_slice %arg11[%dma_start3A_385, %dma_start3A_386] : memref<128x128xf32, #tpu.memory_space<vmem>> -> memref<48x128xf32, #tpu.memory_space<vmem>>
    %dma_start3A_388 = arith.constant 0 : i32
    %dma_start3A_389 = tpu.memref_slice %arg5[%arg0, %add3A_384, %dma_start3A_388] : memref<2x10000x128xf32, #tpu.memory_space<hbm>> -> memref<1x48x128xf32, #tpu.memory_space<hbm>>
    %dma_start3A_390 = tpu.memref_squeeze %dma_start3A_389 : memref<1x48x128xf32, #tpu.memory_space<hbm>> -> memref<48x128xf32, #tpu.memory_space<hbm>>
    %dma_start3A_391 = arith.constant 0 : i32
    %dma_start3A_392 = tpu.memref_slice %arg5[%arg0, %add3A_384, %dma_start3A_391] : memref<2x10000x128xf32, #tpu.memory_space<hbm>> -> memref<1x48x128xf32, #tpu.memory_space<hbm>>
    %dma_start3A_393 = tpu.memref_squeeze %dma_start3A_392 : memref<1x48x128xf32, #tpu.memory_space<hbm>> -> memref<48x128xf32, #tpu.memory_space<hbm>>
    %dma_start3A_394 = arith.constant 0 : i32
    %dma_start3A_395 = arith.constant 0 : i32
    %dma_start3A_396 = tpu.memref_slice %arg11[%dma_start3A_394, %dma_start3A_395] : memref<128x128xf32, #tpu.memory_space<vmem>> -> memref<48x128xf32, #tpu.memory_space<vmem>>
    tpu.enqueue_dma source(%dma_start3A_396 : memref<48x128xf32, #tpu.memory_space<vmem>>) target(%dma_start3A_393 : memref<48x128xf32, #tpu.memory_space<hbm>>) target_semaphore(%arg18 : memref<!tpu.dma_semaphore, #tpu.memory_space<semaphore_mem>>)
    %dma_wait3A_397 = arith.constant 0 : i32
    %dma_wait3A_398 = arith.constant 0 : i32
    %dma_wait3A_399 = tpu.memref_slice %arg12[%dma_wait3A_397, %dma_wait3A_398] : memref<128x128xf32, #tpu.memory_space<vmem>> -> memref<48x128xf32, #tpu.memory_space<vmem>>
    %dma_wait3A_400 = arith.constant 0 : i32
    %dma_wait3A_401 = arith.constant 0 : i32
    %dma_wait3A_402 = tpu.memref_slice %arg6[%dma_wait3A_400, %dma_wait3A_401] : memref<10240x128xf32, #tpu.memory_space<vmem_shared>> -> memref<48x128xf32, #tpu.memory_space<vmem_shared>>
    %dma_wait3A_403 = arith.constant 0 : i32
    %dma_wait3A_404 = arith.constant 0 : i32
    %dma_wait3A_405 = tpu.memref_slice %arg12[%dma_wait3A_403, %dma_wait3A_404] : memref<128x128xf32, #tpu.memory_space<vmem>> -> memref<48x128xf32, #tpu.memory_space<vmem>>
    %dma_wait3A_406 = arith.constant 0 : i32
    %dma_wait3A_407 = arith.constant 0 : i32
    %dma_wait3A_408 = tpu.memref_slice %arg6[%dma_wait3A_406, %dma_wait3A_407] : memref<10240x128xf32, #tpu.memory_space<vmem_shared>> -> memref<48x128xf32, #tpu.memory_space<vmem_shared>>
    tpu.wait_dma2 semaphore(%arg17 : memref<!tpu.dma_semaphore, #tpu.memory_space<semaphore_mem>>) src(%dma_wait3A_408 : memref<48x128xf32, #tpu.memory_space<vmem_shared>>) dst(%dma_wait3A_405 : memref<48x128xf32, #tpu.memory_space<vmem>>)
    %dma_wait3A_409 = arith.constant 0 : i32
    %dma_wait3A_410 = arith.constant 0 : i32
    %dma_wait3A_411 = tpu.memref_slice %arg11[%dma_wait3A_409, %dma_wait3A_410] : memref<128x128xf32, #tpu.memory_space<vmem>> -> memref<48x128xf32, #tpu.memory_space<vmem>>
    %dma_wait3A_412 = arith.constant 0 : i32
    %dma_wait3A_413 = tpu.memref_slice %arg5[%arg0, %mul3A_48, %dma_wait3A_412] : memref<2x10000x128xf32, #tpu.memory_space<hbm>> -> memref<1x48x128xf32, #tpu.memory_space<hbm>>
    %dma_wait3A_414 = tpu.memref_squeeze %dma_wait3A_413 : memref<1x48x128xf32, #tpu.memory_space<hbm>> -> memref<48x128xf32, #tpu.memory_space<hbm>>
    %dma_wait3A_415 = arith.constant 0 : i32
    %dma_wait3A_416 = tpu.memref_slice %arg5[%arg0, %mul3A_48, %dma_wait3A_415] : memref<2x10000x128xf32, #tpu.memory_space<hbm>> -> memref<1x48x128xf32, #tpu.memory_space<hbm>>
    %dma_wait3A_417 = tpu.memref_squeeze %dma_wait3A_416 : memref<1x48x128xf32, #tpu.memory_space<hbm>> -> memref<48x128xf32, #tpu.memory_space<hbm>>
    %dma_wait3A_418 = arith.constant 0 : i32
    %dma_wait3A_419 = arith.constant 0 : i32
    %dma_wait3A_420 = tpu.memref_slice %arg11[%dma_wait3A_418, %dma_wait3A_419] : memref<128x128xf32, #tpu.memory_space<vmem>> -> memref<48x128xf32, #tpu.memory_space<vmem>>
    tpu.wait_dma2 semaphore(%arg18 : memref<!tpu.dma_semaphore, #tpu.memory_space<semaphore_mem>>) src(%dma_wait3A_420 : memref<48x128xf32, #tpu.memory_space<vmem>>) dst(%dma_wait3A_417 : memref<48x128xf32, #tpu.memory_space<hbm>>)
    %add3A_421 = arith.constant 384 : i32
    %add3A_422 = arith.addi %mul3A_48, %add3A_421 : i32
    %dma_start3A_423 = arith.constant 0 : i32
    %dma_start3A_424 = arith.constant 0 : i32
    %dma_start3A_425 = tpu.memref_slice %arg11[%dma_start3A_423, %dma_start3A_424] : memref<128x128xf32, #tpu.memory_space<vmem>> -> memref<48x128xf32, #tpu.memory_space<vmem>>
    %dma_start3A_426 = arith.constant 0 : i32
    %dma_start3A_427 = tpu.memref_slice %arg6[%add3A_422, %dma_start3A_426] : memref<10240x128xf32, #tpu.memory_space<vmem_shared>> -> memref<48x128xf32, #tpu.memory_space<vmem_shared>>
    %dma_start3A_428 = arith.constant 0 : i32
    %dma_start3A_429 = arith.constant 0 : i32
    %dma_start3A_430 = tpu.memref_slice %arg11[%dma_start3A_428, %dma_start3A_429] : memref<128x128xf32, #tpu.memory_space<vmem>> -> memref<48x128xf32, #tpu.memory_space<vmem>>
    %dma_start3A_431 = arith.constant 0 : i32
    %dma_start3A_432 = tpu.memref_slice %arg6[%add3A_422, %dma_start3A_431] : memref<10240x128xf32, #tpu.memory_space<vmem_shared>> -> memref<48x128xf32, #tpu.memory_space<vmem_shared>>
    tpu.enqueue_dma source(%dma_start3A_432 : memref<48x128xf32, #tpu.memory_space<vmem_shared>>) target(%dma_start3A_430 : memref<48x128xf32, #tpu.memory_space<vmem>>) target_semaphore(%arg16 : memref<!tpu.dma_semaphore, #tpu.memory_space<semaphore_mem>>)
    %add3A_433 = arith.constant 336 : i32
    %add3A_434 = arith.addi %mul3A_48, %add3A_433 : i32
    %dma_start3A_435 = arith.constant 0 : i32
    %dma_start3A_436 = arith.constant 0 : i32
    %dma_start3A_437 = tpu.memref_slice %arg12[%dma_start3A_435, %dma_start3A_436] : memref<128x128xf32, #tpu.memory_space<vmem>> -> memref<48x128xf32, #tpu.memory_space<vmem>>
    %dma_start3A_438 = arith.constant 0 : i32
    %dma_start3A_439 = tpu.memref_slice %arg5[%arg0, %add3A_434, %dma_start3A_438] : memref<2x10000x128xf32, #tpu.memory_space<hbm>> -> memref<1x48x128xf32, #tpu.memory_space<hbm>>
    %dma_start3A_440 = tpu.memref_squeeze %dma_start3A_439 : memref<1x48x128xf32, #tpu.memory_space<hbm>> -> memref<48x128xf32, #tpu.memory_space<hbm>>
    %dma_start3A_441 = arith.constant 0 : i32
    %dma_start3A_442 = tpu.memref_slice %arg5[%arg0, %add3A_434, %dma_start3A_441] : memref<2x10000x128xf32, #tpu.memory_space<hbm>> -> memref<1x48x128xf32, #tpu.memory_space<hbm>>
    %dma_start3A_443 = tpu.memref_squeeze %dma_start3A_442 : memref<1x48x128xf32, #tpu.memory_space<hbm>> -> memref<48x128xf32, #tpu.memory_space<hbm>>
    %dma_start3A_444 = arith.constant 0 : i32
    %dma_start3A_445 = arith.constant 0 : i32
    %dma_start3A_446 = tpu.memref_slice %arg12[%dma_start3A_444, %dma_start3A_445] : memref<128x128xf32, #tpu.memory_space<vmem>> -> memref<48x128xf32, #tpu.memory_space<vmem>>
    tpu.enqueue_dma source(%dma_start3A_446 : memref<48x128xf32, #tpu.memory_space<vmem>>) target(%dma_start3A_443 : memref<48x128xf32, #tpu.memory_space<hbm>>) target_semaphore(%arg19 : memref<!tpu.dma_semaphore, #tpu.memory_space<semaphore_mem>>)
    %dma_wait3A_447 = arith.constant 0 : i32
    %dma_wait3A_448 = arith.constant 0 : i32
    %dma_wait3A_449 = tpu.memref_slice %arg11[%dma_wait3A_447, %dma_wait3A_448] : memref<128x128xf32, #tpu.memory_space<vmem>> -> memref<48x128xf32, #tpu.memory_space<vmem>>
    %dma_wait3A_450 = arith.constant 0 : i32
    %dma_wait3A_451 = arith.constant 0 : i32
    %dma_wait3A_452 = tpu.memref_slice %arg6[%dma_wait3A_450, %dma_wait3A_451] : memref<10240x128xf32, #tpu.memory_space<vmem_shared>> -> memref<48x128xf32, #tpu.memory_space<vmem_shared>>
    %dma_wait3A_453 = arith.constant 0 : i32
    %dma_wait3A_454 = arith.constant 0 : i32
    %dma_wait3A_455 = tpu.memref_slice %arg11[%dma_wait3A_453, %dma_wait3A_454] : memref<128x128xf32, #tpu.memory_space<vmem>> -> memref<48x128xf32, #tpu.memory_space<vmem>>
    %dma_wait3A_456 = arith.constant 0 : i32
    %dma_wait3A_457 = arith.constant 0 : i32
    %dma_wait3A_458 = tpu.memref_slice %arg6[%dma_wait3A_456, %dma_wait3A_457] : memref<10240x128xf32, #tpu.memory_space<vmem_shared>> -> memref<48x128xf32, #tpu.memory_space<vmem_shared>>
    tpu.wait_dma2 semaphore(%arg16 : memref<!tpu.dma_semaphore, #tpu.memory_space<semaphore_mem>>) src(%dma_wait3A_458 : memref<48x128xf32, #tpu.memory_space<vmem_shared>>) dst(%dma_wait3A_455 : memref<48x128xf32, #tpu.memory_space<vmem>>)
    %dma_wait3A_459 = arith.constant 0 : i32
    %dma_wait3A_460 = arith.constant 0 : i32
    %dma_wait3A_461 = tpu.memref_slice %arg12[%dma_wait3A_459, %dma_wait3A_460] : memref<128x128xf32, #tpu.memory_space<vmem>> -> memref<48x128xf32, #tpu.memory_space<vmem>>
    %dma_wait3A_462 = arith.constant 0 : i32
    %dma_wait3A_463 = tpu.memref_slice %arg5[%arg0, %mul3A_48, %dma_wait3A_462] : memref<2x10000x128xf32, #tpu.memory_space<hbm>> -> memref<1x48x128xf32, #tpu.memory_space<hbm>>
    %dma_wait3A_464 = tpu.memref_squeeze %dma_wait3A_463 : memref<1x48x128xf32, #tpu.memory_space<hbm>> -> memref<48x128xf32, #tpu.memory_space<hbm>>
    %dma_wait3A_465 = arith.constant 0 : i32
    %dma_wait3A_466 = tpu.memref_slice %arg5[%arg0, %mul3A_48, %dma_wait3A_465] : memref<2x10000x128xf32, #tpu.memory_space<hbm>> -> memref<1x48x128xf32, #tpu.memory_space<hbm>>
    %dma_wait3A_467 = tpu.memref_squeeze %dma_wait3A_466 : memref<1x48x128xf32, #tpu.memory_space<hbm>> -> memref<48x128xf32, #tpu.memory_space<hbm>>
    %dma_wait3A_468 = arith.constant 0 : i32
    %dma_wait3A_469 = arith.constant 0 : i32
    %dma_wait3A_470 = tpu.memref_slice %arg12[%dma_wait3A_468, %dma_wait3A_469] : memref<128x128xf32, #tpu.memory_space<vmem>> -> memref<48x128xf32, #tpu.memory_space<vmem>>
    tpu.wait_dma2 semaphore(%arg19 : memref<!tpu.dma_semaphore, #tpu.memory_space<semaphore_mem>>) src(%dma_wait3A_470 : memref<48x128xf32, #tpu.memory_space<vmem>>) dst(%dma_wait3A_467 : memref<48x128xf32, #tpu.memory_space<hbm>>)
    %add3A_471 = arith.constant 432 : i32
    %add3A_472 = arith.addi %mul3A_48, %add3A_471 : i32
    %dma_start3A_473 = arith.constant 0 : i32
    %dma_start3A_474 = arith.constant 0 : i32
    %dma_start3A_475 = tpu.memref_slice %arg12[%dma_start3A_473, %dma_start3A_474] : memref<128x128xf32, #tpu.memory_space<vmem>> -> memref<48x128xf32, #tpu.memory_space<vmem>>
    %dma_start3A_476 = arith.constant 0 : i32
    %dma_start3A_477 = tpu.memref_slice %arg6[%add3A_472, %dma_start3A_476] : memref<10240x128xf32, #tpu.memory_space<vmem_shared>> -> memref<48x128xf32, #tpu.memory_space<vmem_shared>>
    %dma_start3A_478 = arith.constant 0 : i32
    %dma_start3A_479 = arith.constant 0 : i32
    %dma_start3A_480 = tpu.memref_slice %arg12[%dma_start3A_478, %dma_start3A_479] : memref<128x128xf32, #tpu.memory_space<vmem>> -> memref<48x128xf32, #tpu.memory_space<vmem>>
    %dma_start3A_481 = arith.constant 0 : i32
    %dma_start3A_482 = tpu.memref_slice %arg6[%add3A_472, %dma_start3A_481] : memref<10240x128xf32, #tpu.memory_space<vmem_shared>> -> memref<48x128xf32, #tpu.memory_space<vmem_shared>>
    tpu.enqueue_dma source(%dma_start3A_482 : memref<48x128xf32, #tpu.memory_space<vmem_shared>>) target(%dma_start3A_480 : memref<48x128xf32, #tpu.memory_space<vmem>>) target_semaphore(%arg17 : memref<!tpu.dma_semaphore, #tpu.memory_space<semaphore_mem>>)
    %add3A_483 = arith.constant 384 : i32
    %add3A_484 = arith.addi %mul3A_48, %add3A_483 : i32
    %dma_start3A_485 = arith.constant 0 : i32
    %dma_start3A_486 = arith.constant 0 : i32
    %dma_start3A_487 = tpu.memref_slice %arg11[%dma_start3A_485, %dma_start3A_486] : memref<128x128xf32, #tpu.memory_space<vmem>> -> memref<48x128xf32, #tpu.memory_space<vmem>>
    %dma_start3A_488 = arith.constant 0 : i32
    %dma_start3A_489 = tpu.memref_slice %arg5[%arg0, %add3A_484, %dma_start3A_488] : memref<2x10000x128xf32, #tpu.memory_space<hbm>> -> memref<1x48x128xf32, #tpu.memory_space<hbm>>
    %dma_start3A_490 = tpu.memref_squeeze %dma_start3A_489 : memref<1x48x128xf32, #tpu.memory_space<hbm>> -> memref<48x128xf32, #tpu.memory_space<hbm>>
    %dma_start3A_491 = arith.constant 0 : i32
    %dma_start3A_492 = tpu.memref_slice %arg5[%arg0, %add3A_484, %dma_start3A_491] : memref<2x10000x128xf32, #tpu.memory_space<hbm>> -> memref<1x48x128xf32, #tpu.memory_space<hbm>>
    %dma_start3A_493 = tpu.memref_squeeze %dma_start3A_492 : memref<1x48x128xf32, #tpu.memory_space<hbm>> -> memref<48x128xf32, #tpu.memory_space<hbm>>
    %dma_start3A_494 = arith.constant 0 : i32
    %dma_start3A_495 = arith.constant 0 : i32
    %dma_start3A_496 = tpu.memref_slice %arg11[%dma_start3A_494, %dma_start3A_495] : memref<128x128xf32, #tpu.memory_space<vmem>> -> memref<48x128xf32, #tpu.memory_space<vmem>>
    tpu.enqueue_dma source(%dma_start3A_496 : memref<48x128xf32, #tpu.memory_space<vmem>>) target(%dma_start3A_493 : memref<48x128xf32, #tpu.memory_space<hbm>>) target_semaphore(%arg18 : memref<!tpu.dma_semaphore, #tpu.memory_space<semaphore_mem>>)
    %dma_wait3A_497 = arith.constant 0 : i32
    %dma_wait3A_498 = arith.constant 0 : i32
    %dma_wait3A_499 = tpu.memref_slice %arg12[%dma_wait3A_497, %dma_wait3A_498] : memref<128x128xf32, #tpu.memory_space<vmem>> -> memref<48x128xf32, #tpu.memory_space<vmem>>
    %dma_wait3A_500 = arith.constant 0 : i32
    %dma_wait3A_501 = arith.constant 0 : i32
    %dma_wait3A_502 = tpu.memref_slice %arg6[%dma_wait3A_500, %dma_wait3A_501] : memref<10240x128xf32, #tpu.memory_space<vmem_shared>> -> memref<48x128xf32, #tpu.memory_space<vmem_shared>>
    %dma_wait3A_503 = arith.constant 0 : i32
    %dma_wait3A_504 = arith.constant 0 : i32
    %dma_wait3A_505 = tpu.memref_slice %arg12[%dma_wait3A_503, %dma_wait3A_504] : memref<128x128xf32, #tpu.memory_space<vmem>> -> memref<48x128xf32, #tpu.memory_space<vmem>>
    %dma_wait3A_506 = arith.constant 0 : i32
    %dma_wait3A_507 = arith.constant 0 : i32
    %dma_wait3A_508 = tpu.memref_slice %arg6[%dma_wait3A_506, %dma_wait3A_507] : memref<10240x128xf32, #tpu.memory_space<vmem_shared>> -> memref<48x128xf32, #tpu.memory_space<vmem_shared>>
    tpu.wait_dma2 semaphore(%arg17 : memref<!tpu.dma_semaphore, #tpu.memory_space<semaphore_mem>>) src(%dma_wait3A_508 : memref<48x128xf32, #tpu.memory_space<vmem_shared>>) dst(%dma_wait3A_505 : memref<48x128xf32, #tpu.memory_space<vmem>>)
    %dma_wait3A_509 = arith.constant 0 : i32
    %dma_wait3A_510 = arith.constant 0 : i32
    %dma_wait3A_511 = tpu.memref_slice %arg11[%dma_wait3A_509, %dma_wait3A_510] : memref<128x128xf32, #tpu.memory_space<vmem>> -> memref<48x128xf32, #tpu.memory_space<vmem>>
    %dma_wait3A_512 = arith.constant 0 : i32
    %dma_wait3A_513 = tpu.memref_slice %arg5[%arg0, %mul3A_48, %dma_wait3A_512] : memref<2x10000x128xf32, #tpu.memory_space<hbm>> -> memref<1x48x128xf32, #tpu.memory_space<hbm>>
    %dma_wait3A_514 = tpu.memref_squeeze %dma_wait3A_513 : memref<1x48x128xf32, #tpu.memory_space<hbm>> -> memref<48x128xf32, #tpu.memory_space<hbm>>
    %dma_wait3A_515 = arith.constant 0 : i32
    %dma_wait3A_516 = tpu.memref_slice %arg5[%arg0, %mul3A_48, %dma_wait3A_515] : memref<2x10000x128xf32, #tpu.memory_space<hbm>> -> memref<1x48x128xf32, #tpu.memory_space<hbm>>
    %dma_wait3A_517 = tpu.memref_squeeze %dma_wait3A_516 : memref<1x48x128xf32, #tpu.memory_space<hbm>> -> memref<48x128xf32, #tpu.memory_space<hbm>>
    %dma_wait3A_518 = arith.constant 0 : i32
    %dma_wait3A_519 = arith.constant 0 : i32
    %dma_wait3A_520 = tpu.memref_slice %arg11[%dma_wait3A_518, %dma_wait3A_519] : memref<128x128xf32, #tpu.memory_space<vmem>> -> memref<48x128xf32, #tpu.memory_space<vmem>>
    tpu.wait_dma2 semaphore(%arg18 : memref<!tpu.dma_semaphore, #tpu.memory_space<semaphore_mem>>) src(%dma_wait3A_520 : memref<48x128xf32, #tpu.memory_space<vmem>>) dst(%dma_wait3A_517 : memref<48x128xf32, #tpu.memory_space<hbm>>)
    %add3A_521 = arith.constant 480 : i32
    %add3A_522 = arith.addi %mul3A_48, %add3A_521 : i32
    %dma_start3A_523 = arith.constant 0 : i32
    %dma_start3A_524 = arith.constant 0 : i32
    %dma_start3A_525 = tpu.memref_slice %arg11[%dma_start3A_523, %dma_start3A_524] : memref<128x128xf32, #tpu.memory_space<vmem>> -> memref<48x128xf32, #tpu.memory_space<vmem>>
    %dma_start3A_526 = arith.constant 0 : i32
    %dma_start3A_527 = tpu.memref_slice %arg6[%add3A_522, %dma_start3A_526] : memref<10240x128xf32, #tpu.memory_space<vmem_shared>> -> memref<48x128xf32, #tpu.memory_space<vmem_shared>>
    %dma_start3A_528 = arith.constant 0 : i32
    %dma_start3A_529 = arith.constant 0 : i32
    %dma_start3A_530 = tpu.memref_slice %arg11[%dma_start3A_528, %dma_start3A_529] : memref<128x128xf32, #tpu.memory_space<vmem>> -> memref<48x128xf32, #tpu.memory_space<vmem>>
    %dma_start3A_531 = arith.constant 0 : i32
    %dma_start3A_532 = tpu.memref_slice %arg6[%add3A_522, %dma_start3A_531] : memref<10240x128xf32, #tpu.memory_space<vmem_shared>> -> memref<48x128xf32, #tpu.memory_space<vmem_shared>>
    tpu.enqueue_dma source(%dma_start3A_532 : memref<48x128xf32, #tpu.memory_space<vmem_shared>>) target(%dma_start3A_530 : memref<48x128xf32, #tpu.memory_space<vmem>>) target_semaphore(%arg16 : memref<!tpu.dma_semaphore, #tpu.memory_space<semaphore_mem>>)
    %add3A_533 = arith.constant 432 : i32
    %add3A_534 = arith.addi %mul3A_48, %add3A_533 : i32
    %dma_start3A_535 = arith.constant 0 : i32
    %dma_start3A_536 = arith.constant 0 : i32
    %dma_start3A_537 = tpu.memref_slice %arg12[%dma_start3A_535, %dma_start3A_536] : memref<128x128xf32, #tpu.memory_space<vmem>> -> memref<48x128xf32, #tpu.memory_space<vmem>>
    %dma_start3A_538 = arith.constant 0 : i32
    %dma_start3A_539 = tpu.memref_slice %arg5[%arg0, %add3A_534, %dma_start3A_538] : memref<2x10000x128xf32, #tpu.memory_space<hbm>> -> memref<1x48x128xf32, #tpu.memory_space<hbm>>
    %dma_start3A_540 = tpu.memref_squeeze %dma_start3A_539 : memref<1x48x128xf32, #tpu.memory_space<hbm>> -> memref<48x128xf32, #tpu.memory_space<hbm>>
    %dma_start3A_541 = arith.constant 0 : i32
    %dma_start3A_542 = tpu.memref_slice %arg5[%arg0, %add3A_534, %dma_start3A_541] : memref<2x10000x128xf32, #tpu.memory_space<hbm>> -> memref<1x48x128xf32, #tpu.memory_space<hbm>>
    %dma_start3A_543 = tpu.memref_squeeze %dma_start3A_542 : memref<1x48x128xf32, #tpu.memory_space<hbm>> -> memref<48x128xf32, #tpu.memory_space<hbm>>
    %dma_start3A_544 = arith.constant 0 : i32
    %dma_start3A_545 = arith.constant 0 : i32
    %dma_start3A_546 = tpu.memref_slice %arg12[%dma_start3A_544, %dma_start3A_545] : memref<128x128xf32, #tpu.memory_space<vmem>> -> memref<48x128xf32, #tpu.memory_space<vmem>>
    tpu.enqueue_dma source(%dma_start3A_546 : memref<48x128xf32, #tpu.memory_space<vmem>>) target(%dma_start3A_543 : memref<48x128xf32, #tpu.memory_space<hbm>>) target_semaphore(%arg19 : memref<!tpu.dma_semaphore, #tpu.memory_space<semaphore_mem>>)
    %dma_wait3A_547 = arith.constant 0 : i32
    %dma_wait3A_548 = arith.constant 0 : i32
    %dma_wait3A_549 = tpu.memref_slice %arg11[%dma_wait3A_547, %dma_wait3A_548] : memref<128x128xf32, #tpu.memory_space<vmem>> -> memref<48x128xf32, #tpu.memory_space<vmem>>
    %dma_wait3A_550 = arith.constant 0 : i32
    %dma_wait3A_551 = arith.constant 0 : i32
    %dma_wait3A_552 = tpu.memref_slice %arg6[%dma_wait3A_550, %dma_wait3A_551] : memref<10240x128xf32, #tpu.memory_space<vmem_shared>> -> memref<48x128xf32, #tpu.memory_space<vmem_shared>>
    %dma_wait3A_553 = arith.constant 0 : i32
    %dma_wait3A_554 = arith.constant 0 : i32
    %dma_wait3A_555 = tpu.memref_slice %arg11[%dma_wait3A_553, %dma_wait3A_554] : memref<128x128xf32, #tpu.memory_space<vmem>> -> memref<48x128xf32, #tpu.memory_space<vmem>>
    %dma_wait3A_556 = arith.constant 0 : i32
    %dma_wait3A_557 = arith.constant 0 : i32
    %dma_wait3A_558 = tpu.memref_slice %arg6[%dma_wait3A_556, %dma_wait3A_557] : memref<10240x128xf32, #tpu.memory_space<vmem_shared>> -> memref<48x128xf32, #tpu.memory_space<vmem_shared>>
    tpu.wait_dma2 semaphore(%arg16 : memref<!tpu.dma_semaphore, #tpu.memory_space<semaphore_mem>>) src(%dma_wait3A_558 : memref<48x128xf32, #tpu.memory_space<vmem_shared>>) dst(%dma_wait3A_555 : memref<48x128xf32, #tpu.memory_space<vmem>>)
    %dma_wait3A_559 = arith.constant 0 : i32
    %dma_wait3A_560 = arith.constant 0 : i32
    %dma_wait3A_561 = tpu.memref_slice %arg12[%dma_wait3A_559, %dma_wait3A_560] : memref<128x128xf32, #tpu.memory_space<vmem>> -> memref<48x128xf32, #tpu.memory_space<vmem>>
    %dma_wait3A_562 = arith.constant 0 : i32
    %dma_wait3A_563 = tpu.memref_slice %arg5[%arg0, %mul3A_48, %dma_wait3A_562] : memref<2x10000x128xf32, #tpu.memory_space<hbm>> -> memref<1x48x128xf32, #tpu.memory_space<hbm>>
    %dma_wait3A_564 = tpu.memref_squeeze %dma_wait3A_563 : memref<1x48x128xf32, #tpu.memory_space<hbm>> -> memref<48x128xf32, #tpu.memory_space<hbm>>
    %dma_wait3A_565 = arith.constant 0 : i32
    %dma_wait3A_566 = tpu.memref_slice %arg5[%arg0, %mul3A_48, %dma_wait3A_565] : memref<2x10000x128xf32, #tpu.memory_space<hbm>> -> memref<1x48x128xf32, #tpu.memory_space<hbm>>
    %dma_wait3A_567 = tpu.memref_squeeze %dma_wait3A_566 : memref<1x48x128xf32, #tpu.memory_space<hbm>> -> memref<48x128xf32, #tpu.memory_space<hbm>>
    %dma_wait3A_568 = arith.constant 0 : i32
    %dma_wait3A_569 = arith.constant 0 : i32
    %dma_wait3A_570 = tpu.memref_slice %arg12[%dma_wait3A_568, %dma_wait3A_569] : memref<128x128xf32, #tpu.memory_space<vmem>> -> memref<48x128xf32, #tpu.memory_space<vmem>>
    tpu.wait_dma2 semaphore(%arg19 : memref<!tpu.dma_semaphore, #tpu.memory_space<semaphore_mem>>) src(%dma_wait3A_570 : memref<48x128xf32, #tpu.memory_space<vmem>>) dst(%dma_wait3A_567 : memref<48x128xf32, #tpu.memory_space<hbm>>)
    %add3A_571 = arith.constant 528 : i32
    %add3A_572 = arith.addi %mul3A_48, %add3A_571 : i32
    %dma_start3A_573 = arith.constant 0 : i32
    %dma_start3A_574 = arith.constant 0 : i32
    %dma_start3A_575 = tpu.memref_slice %arg12[%dma_start3A_573, %dma_start3A_574] : memref<128x128xf32, #tpu.memory_space<vmem>> -> memref<48x128xf32, #tpu.memory_space<vmem>>
    %dma_start3A_576 = arith.constant 0 : i32
    %dma_start3A_577 = tpu.memref_slice %arg6[%add3A_572, %dma_start3A_576] : memref<10240x128xf32, #tpu.memory_space<vmem_shared>> -> memref<48x128xf32, #tpu.memory_space<vmem_shared>>
    %dma_start3A_578 = arith.constant 0 : i32
    %dma_start3A_579 = arith.constant 0 : i32
    %dma_start3A_580 = tpu.memref_slice %arg12[%dma_start3A_578, %dma_start3A_579] : memref<128x128xf32, #tpu.memory_space<vmem>> -> memref<48x128xf32, #tpu.memory_space<vmem>>
    %dma_start3A_581 = arith.constant 0 : i32
    %dma_start3A_582 = tpu.memref_slice %arg6[%add3A_572, %dma_start3A_581] : memref<10240x128xf32, #tpu.memory_space<vmem_shared>> -> memref<48x128xf32, #tpu.memory_space<vmem_shared>>
    tpu.enqueue_dma source(%dma_start3A_582 : memref<48x128xf32, #tpu.memory_space<vmem_shared>>) target(%dma_start3A_580 : memref<48x128xf32, #tpu.memory_space<vmem>>) target_semaphore(%arg17 : memref<!tpu.dma_semaphore, #tpu.memory_space<semaphore_mem>>)
    %add3A_583 = arith.constant 480 : i32
    %add3A_584 = arith.addi %mul3A_48, %add3A_583 : i32
    %dma_start3A_585 = arith.constant 0 : i32
    %dma_start3A_586 = arith.constant 0 : i32
    %dma_start3A_587 = tpu.memref_slice %arg11[%dma_start3A_585, %dma_start3A_586] : memref<128x128xf32, #tpu.memory_space<vmem>> -> memref<48x128xf32, #tpu.memory_space<vmem>>
    %dma_start3A_588 = arith.constant 0 : i32
    %dma_start3A_589 = tpu.memref_slice %arg5[%arg0, %add3A_584, %dma_start3A_588] : memref<2x10000x128xf32, #tpu.memory_space<hbm>> -> memref<1x48x128xf32, #tpu.memory_space<hbm>>
    %dma_start3A_590 = tpu.memref_squeeze %dma_start3A_589 : memref<1x48x128xf32, #tpu.memory_space<hbm>> -> memref<48x128xf32, #tpu.memory_space<hbm>>
    %dma_start3A_591 = arith.constant 0 : i32
    %dma_start3A_592 = tpu.memref_slice %arg5[%arg0, %add3A_584, %dma_start3A_591] : memref<2x10000x128xf32, #tpu.memory_space<hbm>> -> memref<1x48x128xf32, #tpu.memory_space<hbm>>
    %dma_start3A_593 = tpu.memref_squeeze %dma_start3A_592 : memref<1x48x128xf32, #tpu.memory_space<hbm>> -> memref<48x128xf32, #tpu.memory_space<hbm>>
    %dma_start3A_594 = arith.constant 0 : i32
    %dma_start3A_595 = arith.constant 0 : i32
    %dma_start3A_596 = tpu.memref_slice %arg11[%dma_start3A_594, %dma_start3A_595] : memref<128x128xf32, #tpu.memory_space<vmem>> -> memref<48x128xf32, #tpu.memory_space<vmem>>
    tpu.enqueue_dma source(%dma_start3A_596 : memref<48x128xf32, #tpu.memory_space<vmem>>) target(%dma_start3A_593 : memref<48x128xf32, #tpu.memory_space<hbm>>) target_semaphore(%arg18 : memref<!tpu.dma_semaphore, #tpu.memory_space<semaphore_mem>>)
    %dma_wait3A_597 = arith.constant 0 : i32
    %dma_wait3A_598 = arith.constant 0 : i32
    %dma_wait3A_599 = tpu.memref_slice %arg12[%dma_wait3A_597, %dma_wait3A_598] : memref<128x128xf32, #tpu.memory_space<vmem>> -> memref<48x128xf32, #tpu.memory_space<vmem>>
    %dma_wait3A_600 = arith.constant 0 : i32
    %dma_wait3A_601 = arith.constant 0 : i32
    %dma_wait3A_602 = tpu.memref_slice %arg6[%dma_wait3A_600, %dma_wait3A_601] : memref<10240x128xf32, #tpu.memory_space<vmem_shared>> -> memref<48x128xf32, #tpu.memory_space<vmem_shared>>
    %dma_wait3A_603 = arith.constant 0 : i32
    %dma_wait3A_604 = arith.constant 0 : i32
    %dma_wait3A_605 = tpu.memref_slice %arg12[%dma_wait3A_603, %dma_wait3A_604] : memref<128x128xf32, #tpu.memory_space<vmem>> -> memref<48x128xf32, #tpu.memory_space<vmem>>
    %dma_wait3A_606 = arith.constant 0 : i32
    %dma_wait3A_607 = arith.constant 0 : i32
    %dma_wait3A_608 = tpu.memref_slice %arg6[%dma_wait3A_606, %dma_wait3A_607] : memref<10240x128xf32, #tpu.memory_space<vmem_shared>> -> memref<48x128xf32, #tpu.memory_space<vmem_shared>>
    tpu.wait_dma2 semaphore(%arg17 : memref<!tpu.dma_semaphore, #tpu.memory_space<semaphore_mem>>) src(%dma_wait3A_608 : memref<48x128xf32, #tpu.memory_space<vmem_shared>>) dst(%dma_wait3A_605 : memref<48x128xf32, #tpu.memory_space<vmem>>)
    %dma_wait3A_609 = arith.constant 0 : i32
    %dma_wait3A_610 = arith.constant 0 : i32
    %dma_wait3A_611 = tpu.memref_slice %arg11[%dma_wait3A_609, %dma_wait3A_610] : memref<128x128xf32, #tpu.memory_space<vmem>> -> memref<48x128xf32, #tpu.memory_space<vmem>>
    %dma_wait3A_612 = arith.constant 0 : i32
    %dma_wait3A_613 = tpu.memref_slice %arg5[%arg0, %mul3A_48, %dma_wait3A_612] : memref<2x10000x128xf32, #tpu.memory_space<hbm>> -> memref<1x48x128xf32, #tpu.memory_space<hbm>>
    %dma_wait3A_614 = tpu.memref_squeeze %dma_wait3A_613 : memref<1x48x128xf32, #tpu.memory_space<hbm>> -> memref<48x128xf32, #tpu.memory_space<hbm>>
    %dma_wait3A_615 = arith.constant 0 : i32
    %dma_wait3A_616 = tpu.memref_slice %arg5[%arg0, %mul3A_48, %dma_wait3A_615] : memref<2x10000x128xf32, #tpu.memory_space<hbm>> -> memref<1x48x128xf32, #tpu.memory_space<hbm>>
    %dma_wait3A_617 = tpu.memref_squeeze %dma_wait3A_616 : memref<1x48x128xf32, #tpu.memory_space<hbm>> -> memref<48x128xf32, #tpu.memory_space<hbm>>
    %dma_wait3A_618 = arith.constant 0 : i32
    %dma_wait3A_619 = arith.constant 0 : i32
    %dma_wait3A_620 = tpu.memref_slice %arg11[%dma_wait3A_618, %dma_wait3A_619] : memref<128x128xf32, #tpu.memory_space<vmem>> -> memref<48x128xf32, #tpu.memory_space<vmem>>
    tpu.wait_dma2 semaphore(%arg18 : memref<!tpu.dma_semaphore, #tpu.memory_space<semaphore_mem>>) src(%dma_wait3A_620 : memref<48x128xf32, #tpu.memory_space<vmem>>) dst(%dma_wait3A_617 : memref<48x128xf32, #tpu.memory_space<hbm>>)
    %add3A_621 = arith.constant 576 : i32
    %add3A_622 = arith.addi %mul3A_48, %add3A_621 : i32
    %dma_start3A_623 = arith.constant 0 : i32
    %dma_start3A_624 = arith.constant 0 : i32
    %dma_start3A_625 = tpu.memref_slice %arg11[%dma_start3A_623, %dma_start3A_624] : memref<128x128xf32, #tpu.memory_space<vmem>> -> memref<48x128xf32, #tpu.memory_space<vmem>>
    %dma_start3A_626 = arith.constant 0 : i32
    %dma_start3A_627 = tpu.memref_slice %arg6[%add3A_622, %dma_start3A_626] : memref<10240x128xf32, #tpu.memory_space<vmem_shared>> -> memref<48x128xf32, #tpu.memory_space<vmem_shared>>
    %dma_start3A_628 = arith.constant 0 : i32
    %dma_start3A_629 = arith.constant 0 : i32
    %dma_start3A_630 = tpu.memref_slice %arg11[%dma_start3A_628, %dma_start3A_629] : memref<128x128xf32, #tpu.memory_space<vmem>> -> memref<48x128xf32, #tpu.memory_space<vmem>>
    %dma_start3A_631 = arith.constant 0 : i32
    %dma_start3A_632 = tpu.memref_slice %arg6[%add3A_622, %dma_start3A_631] : memref<10240x128xf32, #tpu.memory_space<vmem_shared>> -> memref<48x128xf32, #tpu.memory_space<vmem_shared>>
    tpu.enqueue_dma source(%dma_start3A_632 : memref<48x128xf32, #tpu.memory_space<vmem_shared>>) target(%dma_start3A_630 : memref<48x128xf32, #tpu.memory_space<vmem>>) target_semaphore(%arg16 : memref<!tpu.dma_semaphore, #tpu.memory_space<semaphore_mem>>)
    %add3A_633 = arith.constant 528 : i32
    %add3A_634 = arith.addi %mul3A_48, %add3A_633 : i32
    %dma_start3A_635 = arith.constant 0 : i32
    %dma_start3A_636 = arith.constant 0 : i32
    %dma_start3A_637 = tpu.memref_slice %arg12[%dma_start3A_635, %dma_start3A_636] : memref<128x128xf32, #tpu.memory_space<vmem>> -> memref<48x128xf32, #tpu.memory_space<vmem>>
    %dma_start3A_638 = arith.constant 0 : i32
    %dma_start3A_639 = tpu.memref_slice %arg5[%arg0, %add3A_634, %dma_start3A_638] : memref<2x10000x128xf32, #tpu.memory_space<hbm>> -> memref<1x48x128xf32, #tpu.memory_space<hbm>>
    %dma_start3A_640 = tpu.memref_squeeze %dma_start3A_639 : memref<1x48x128xf32, #tpu.memory_space<hbm>> -> memref<48x128xf32, #tpu.memory_space<hbm>>
    %dma_start3A_641 = arith.constant 0 : i32
    %dma_start3A_642 = tpu.memref_slice %arg5[%arg0, %add3A_634, %dma_start3A_641] : memref<2x10000x128xf32, #tpu.memory_space<hbm>> -> memref<1x48x128xf32, #tpu.memory_space<hbm>>
    %dma_start3A_643 = tpu.memref_squeeze %dma_start3A_642 : memref<1x48x128xf32, #tpu.memory_space<hbm>> -> memref<48x128xf32, #tpu.memory_space<hbm>>
    %dma_start3A_644 = arith.constant 0 : i32
    %dma_start3A_645 = arith.constant 0 : i32
    %dma_start3A_646 = tpu.memref_slice %arg12[%dma_start3A_644, %dma_start3A_645] : memref<128x128xf32, #tpu.memory_space<vmem>> -> memref<48x128xf32, #tpu.memory_space<vmem>>
    tpu.enqueue_dma source(%dma_start3A_646 : memref<48x128xf32, #tpu.memory_space<vmem>>) target(%dma_start3A_643 : memref<48x128xf32, #tpu.memory_space<hbm>>) target_semaphore(%arg19 : memref<!tpu.dma_semaphore, #tpu.memory_space<semaphore_mem>>)
    %dma_wait3A_647 = arith.constant 0 : i32
    %dma_wait3A_648 = arith.constant 0 : i32
    %dma_wait3A_649 = tpu.memref_slice %arg11[%dma_wait3A_647, %dma_wait3A_648] : memref<128x128xf32, #tpu.memory_space<vmem>> -> memref<48x128xf32, #tpu.memory_space<vmem>>
    %dma_wait3A_650 = arith.constant 0 : i32
    %dma_wait3A_651 = arith.constant 0 : i32
    %dma_wait3A_652 = tpu.memref_slice %arg6[%dma_wait3A_650, %dma_wait3A_651] : memref<10240x128xf32, #tpu.memory_space<vmem_shared>> -> memref<48x128xf32, #tpu.memory_space<vmem_shared>>
    %dma_wait3A_653 = arith.constant 0 : i32
    %dma_wait3A_654 = arith.constant 0 : i32
    %dma_wait3A_655 = tpu.memref_slice %arg11[%dma_wait3A_653, %dma_wait3A_654] : memref<128x128xf32, #tpu.memory_space<vmem>> -> memref<48x128xf32, #tpu.memory_space<vmem>>
    %dma_wait3A_656 = arith.constant 0 : i32
    %dma_wait3A_657 = arith.constant 0 : i32
    %dma_wait3A_658 = tpu.memref_slice %arg6[%dma_wait3A_656, %dma_wait3A_657] : memref<10240x128xf32, #tpu.memory_space<vmem_shared>> -> memref<48x128xf32, #tpu.memory_space<vmem_shared>>
    tpu.wait_dma2 semaphore(%arg16 : memref<!tpu.dma_semaphore, #tpu.memory_space<semaphore_mem>>) src(%dma_wait3A_658 : memref<48x128xf32, #tpu.memory_space<vmem_shared>>) dst(%dma_wait3A_655 : memref<48x128xf32, #tpu.memory_space<vmem>>)
    %add3A_659 = arith.constant 576 : i32
    %add3A_660 = arith.addi %mul3A_48, %add3A_659 : i32
    %dma_start3A_661 = arith.constant 0 : i32
    %dma_start3A_662 = arith.constant 0 : i32
    %dma_start3A_663 = tpu.memref_slice %arg11[%dma_start3A_661, %dma_start3A_662] : memref<128x128xf32, #tpu.memory_space<vmem>> -> memref<48x128xf32, #tpu.memory_space<vmem>>
    %dma_start3A_664 = arith.constant 0 : i32
    %dma_start3A_665 = tpu.memref_slice %arg5[%arg0, %add3A_660, %dma_start3A_664] : memref<2x10000x128xf32, #tpu.memory_space<hbm>> -> memref<1x48x128xf32, #tpu.memory_space<hbm>>
    %dma_start3A_666 = tpu.memref_squeeze %dma_start3A_665 : memref<1x48x128xf32, #tpu.memory_space<hbm>> -> memref<48x128xf32, #tpu.memory_space<hbm>>
    %dma_start3A_667 = arith.constant 0 : i32
    %dma_start3A_668 = tpu.memref_slice %arg5[%arg0, %add3A_660, %dma_start3A_667] : memref<2x10000x128xf32, #tpu.memory_space<hbm>> -> memref<1x48x128xf32, #tpu.memory_space<hbm>>
    %dma_start3A_669 = tpu.memref_squeeze %dma_start3A_668 : memref<1x48x128xf32, #tpu.memory_space<hbm>> -> memref<48x128xf32, #tpu.memory_space<hbm>>
    %dma_start3A_670 = arith.constant 0 : i32
    %dma_start3A_671 = arith.constant 0 : i32
    %dma_start3A_672 = tpu.memref_slice %arg11[%dma_start3A_670, %dma_start3A_671] : memref<128x128xf32, #tpu.memory_space<vmem>> -> memref<48x128xf32, #tpu.memory_space<vmem>>
    tpu.enqueue_dma source(%dma_start3A_672 : memref<48x128xf32, #tpu.memory_space<vmem>>) target(%dma_start3A_669 : memref<48x128xf32, #tpu.memory_space<hbm>>) target_semaphore(%arg18 : memref<!tpu.dma_semaphore, #tpu.memory_space<semaphore_mem>>)
    %dma_wait3A_673 = arith.constant 0 : i32
    %dma_wait3A_674 = arith.constant 0 : i32
    %dma_wait3A_675 = tpu.memref_slice %arg12[%dma_wait3A_673, %dma_wait3A_674] : memref<128x128xf32, #tpu.memory_space<vmem>> -> memref<48x128xf32, #tpu.memory_space<vmem>>
    %dma_wait3A_676 = arith.constant 0 : i32
    %dma_wait3A_677 = tpu.memref_slice %arg5[%arg0, %mul3A_48, %dma_wait3A_676] : memref<2x10000x128xf32, #tpu.memory_space<hbm>> -> memref<1x48x128xf32, #tpu.memory_space<hbm>>
    %dma_wait3A_678 = tpu.memref_squeeze %dma_wait3A_677 : memref<1x48x128xf32, #tpu.memory_space<hbm>> -> memref<48x128xf32, #tpu.memory_space<hbm>>
    %dma_wait3A_679 = arith.constant 0 : i32
    %dma_wait3A_680 = tpu.memref_slice %arg5[%arg0, %mul3A_48, %dma_wait3A_679] : memref<2x10000x128xf32, #tpu.memory_space<hbm>> -> memref<1x48x128xf32, #tpu.memory_space<hbm>>
    %dma_wait3A_681 = tpu.memref_squeeze %dma_wait3A_680 : memref<1x48x128xf32, #tpu.memory_space<hbm>> -> memref<48x128xf32, #tpu.memory_space<hbm>>
    %dma_wait3A_682 = arith.constant 0 : i32
    %dma_wait3A_683 = arith.constant 0 : i32
    %dma_wait3A_684 = tpu.memref_slice %arg12[%dma_wait3A_682, %dma_wait3A_683] : memref<128x128xf32, #tpu.memory_space<vmem>> -> memref<48x128xf32, #tpu.memory_space<vmem>>
    tpu.wait_dma2 semaphore(%arg19 : memref<!tpu.dma_semaphore, #tpu.memory_space<semaphore_mem>>) src(%dma_wait3A_684 : memref<48x128xf32, #tpu.memory_space<vmem>>) dst(%dma_wait3A_681 : memref<48x128xf32, #tpu.memory_space<hbm>>)
    %dma_wait3A_685 = arith.constant 0 : i32
    %dma_wait3A_686 = arith.constant 0 : i32
    %dma_wait3A_687 = tpu.memref_slice %arg11[%dma_wait3A_685, %dma_wait3A_686] : memref<128x128xf32, #tpu.memory_space<vmem>> -> memref<48x128xf32, #tpu.memory_space<vmem>>
    %dma_wait3A_688 = arith.constant 0 : i32
    %dma_wait3A_689 = tpu.memref_slice %arg5[%arg0, %mul3A_48, %dma_wait3A_688] : memref<2x10000x128xf32, #tpu.memory_space<hbm>> -> memref<1x48x128xf32, #tpu.memory_space<hbm>>
    %dma_wait3A_690 = tpu.memref_squeeze %dma_wait3A_689 : memref<1x48x128xf32, #tpu.memory_space<hbm>> -> memref<48x128xf32, #tpu.memory_space<hbm>>
    %dma_wait3A_691 = arith.constant 0 : i32
    %dma_wait3A_692 = tpu.memref_slice %arg5[%arg0, %mul3A_48, %dma_wait3A_691] : memref<2x10000x128xf32, #tpu.memory_space<hbm>> -> memref<1x48x128xf32, #tpu.memory_space<hbm>>
    %dma_wait3A_693 = tpu.memref_squeeze %dma_wait3A_692 : memref<1x48x128xf32, #tpu.memory_space<hbm>> -> memref<48x128xf32, #tpu.memory_space<hbm>>
    %dma_wait3A_694 = arith.constant 0 : i32
    %dma_wait3A_695 = arith.constant 0 : i32
    %dma_wait3A_696 = tpu.memref_slice %arg11[%dma_wait3A_694, %dma_wait3A_695] : memref<128x128xf32, #tpu.memory_space<vmem>> -> memref<48x128xf32, #tpu.memory_space<vmem>>
    tpu.wait_dma2 semaphore(%arg18 : memref<!tpu.dma_semaphore, #tpu.memory_space<semaphore_mem>>) src(%dma_wait3A_696 : memref<48x128xf32, #tpu.memory_space<vmem>>) dst(%dma_wait3A_693 : memref<48x128xf32, #tpu.memory_space<hbm>>)
    %eq3A = arith.constant 15 : i32
    %eq3A_697 = arith.cmpi eq, %arg1, %eq3A : i32
    %convert_element_type3A_698 = arith.extui %eq3A_697 : i1 to i32
    %cond3A_699 = arith.constant 0 : i32
    %cond3A_700 = arith.cmpi ne, %convert_element_type3A_698, %cond3A_699 : i32
    scf.if %cond3A_700 {
      "tpu.region"() ({
        %run_scoped3A = tpu.sem_alloc : memref<!tpu.dma_semaphore, #tpu.memory_space<semaphore_mem>>
        %dma_start3A_701 = arith.constant 0 : i32
        %dma_start3A_702 = arith.constant 0 : i32
        %dma_start3A_703 = tpu.memref_slice %arg12[%dma_start3A_701, %dma_start3A_702] : memref<128x128xf32, #tpu.memory_space<vmem>> -> memref<16x128xf32, #tpu.memory_space<vmem>>
        %dma_start3A_704 = arith.constant 9984 : i32
        %dma_start3A_705 = arith.constant 0 : i32
        %dma_start3A_706 = tpu.memref_slice %arg6[%dma_start3A_704, %dma_start3A_705] : memref<10240x128xf32, #tpu.memory_space<vmem_shared>> -> memref<16x128xf32, #tpu.memory_space<vmem_shared>>
        %dma_start3A_707 = arith.constant 0 : i32
        %dma_start3A_708 = arith.constant 0 : i32
        %dma_start3A_709 = tpu.memref_slice %arg12[%dma_start3A_707, %dma_start3A_708] : memref<128x128xf32, #tpu.memory_space<vmem>> -> memref<16x128xf32, #tpu.memory_space<vmem>>
        %dma_start3A_710 = arith.constant 9984 : i32
        %dma_start3A_711 = arith.constant 0 : i32
        %dma_start3A_712 = tpu.memref_slice %arg6[%dma_start3A_710, %dma_start3A_711] : memref<10240x128xf32, #tpu.memory_space<vmem_shared>> -> memref<16x128xf32, #tpu.memory_space<vmem_shared>>
        tpu.enqueue_dma source(%dma_start3A_712 : memref<16x128xf32, #tpu.memory_space<vmem_shared>>) target(%dma_start3A_709 : memref<16x128xf32, #tpu.memory_space<vmem>>) target_semaphore(%run_scoped3A : memref<!tpu.dma_semaphore, #tpu.memory_space<semaphore_mem>>)
        %dma_wait3A_713 = arith.constant 0 : i32
        %dma_wait3A_714 = arith.constant 0 : i32
        %dma_wait3A_715 = tpu.memref_slice %arg12[%dma_wait3A_713, %dma_wait3A_714] : memref<128x128xf32, #tpu.memory_space<vmem>> -> memref<16x128xf32, #tpu.memory_space<vmem>>
        %dma_wait3A_716 = arith.constant 9984 : i32
        %dma_wait3A_717 = arith.constant 0 : i32
        %dma_wait3A_718 = tpu.memref_slice %arg6[%dma_wait3A_716, %dma_wait3A_717] : memref<10240x128xf32, #tpu.memory_space<vmem_shared>> -> memref<16x128xf32, #tpu.memory_space<vmem_shared>>
        %dma_wait3A_719 = arith.constant 0 : i32
        %dma_wait3A_720 = arith.constant 0 : i32
        %dma_wait3A_721 = tpu.memref_slice %arg12[%dma_wait3A_719, %dma_wait3A_720] : memref<128x128xf32, #tpu.memory_space<vmem>> -> memref<16x128xf32, #tpu.memory_space<vmem>>
        %dma_wait3A_722 = arith.constant 9984 : i32
        %dma_wait3A_723 = arith.constant 0 : i32
        %dma_wait3A_724 = tpu.memref_slice %arg6[%dma_wait3A_722, %dma_wait3A_723] : memref<10240x128xf32, #tpu.memory_space<vmem_shared>> -> memref<16x128xf32, #tpu.memory_space<vmem_shared>>
        tpu.wait_dma2 semaphore(%run_scoped3A : memref<!tpu.dma_semaphore, #tpu.memory_space<semaphore_mem>>) src(%dma_wait3A_724 : memref<16x128xf32, #tpu.memory_space<vmem_shared>>) dst(%dma_wait3A_721 : memref<16x128xf32, #tpu.memory_space<vmem>>)
        tpu.yield
      }) : () -> ()
      "tpu.region"() ({
        %run_scoped3A = tpu.sem_alloc : memref<!tpu.dma_semaphore, #tpu.memory_space<semaphore_mem>>
        %dma_start3A_701 = arith.constant 0 : i32
        %dma_start3A_702 = arith.constant 0 : i32
        %dma_start3A_703 = tpu.memref_slice %arg12[%dma_start3A_701, %dma_start3A_702] : memref<128x128xf32, #tpu.memory_space<vmem>> -> memref<16x128xf32, #tpu.memory_space<vmem>>
        %dma_start3A_704 = arith.constant 9984 : i32
        %dma_start3A_705 = arith.constant 0 : i32
        %dma_start3A_706 = tpu.memref_slice %arg5[%arg0, %dma_start3A_704, %dma_start3A_705] : memref<2x10000x128xf32, #tpu.memory_space<hbm>> -> memref<1x16x128xf32, #tpu.memory_space<hbm>>
        %dma_start3A_707 = tpu.memref_squeeze %dma_start3A_706 : memref<1x16x128xf32, #tpu.memory_space<hbm>> -> memref<16x128xf32, #tpu.memory_space<hbm>>
        %dma_start3A_708 = arith.constant 9984 : i32
        %dma_start3A_709 = arith.constant 0 : i32
        %dma_start3A_710 = tpu.memref_slice %arg5[%arg0, %dma_start3A_708, %dma_start3A_709] : memref<2x10000x128xf32, #tpu.memory_space<hbm>> -> memref<1x16x128xf32, #tpu.memory_space<hbm>>
        %dma_start3A_711 = tpu.memref_squeeze %dma_start3A_710 : memref<1x16x128xf32, #tpu.memory_space<hbm>> -> memref<16x128xf32, #tpu.memory_space<hbm>>
        %dma_start3A_712 = arith.constant 0 : i32
        %dma_start3A_713 = arith.constant 0 : i32
        %dma_start3A_714 = tpu.memref_slice %arg12[%dma_start3A_712, %dma_start3A_713] : memref<128x128xf32, #tpu.memory_space<vmem>> -> memref<16x128xf32, #tpu.memory_space<vmem>>
        tpu.enqueue_dma source(%dma_start3A_714 : memref<16x128xf32, #tpu.memory_space<vmem>>) target(%dma_start3A_711 : memref<16x128xf32, #tpu.memory_space<hbm>>) target_semaphore(%run_scoped3A : memref<!tpu.dma_semaphore, #tpu.memory_space<semaphore_mem>>)
        %dma_wait3A_715 = arith.constant 0 : i32
        %dma_wait3A_716 = arith.constant 0 : i32
        %dma_wait3A_717 = tpu.memref_slice %arg12[%dma_wait3A_715, %dma_wait3A_716] : memref<128x128xf32, #tpu.memory_space<vmem>> -> memref<16x128xf32, #tpu.memory_space<vmem>>
        %dma_wait3A_718 = arith.constant 9984 : i32
        %dma_wait3A_719 = arith.constant 0 : i32
        %dma_wait3A_720 = tpu.memref_slice %arg5[%arg0, %dma_wait3A_718, %dma_wait3A_719] : memref<2x10000x128xf32, #tpu.memory_space<hbm>> -> memref<1x16x128xf32, #tpu.memory_space<hbm>>
        %dma_wait3A_721 = tpu.memref_squeeze %dma_wait3A_720 : memref<1x16x128xf32, #tpu.memory_space<hbm>> -> memref<16x128xf32, #tpu.memory_space<hbm>>
        %dma_wait3A_722 = arith.constant 9984 : i32
        %dma_wait3A_723 = arith.constant 0 : i32
        %dma_wait3A_724 = tpu.memref_slice %arg5[%arg0, %dma_wait3A_722, %dma_wait3A_723] : memref<2x10000x128xf32, #tpu.memory_space<hbm>> -> memref<1x16x128xf32, #tpu.memory_space<hbm>>
        %dma_wait3A_725 = tpu.memref_squeeze %dma_wait3A_724 : memref<1x16x128xf32, #tpu.memory_space<hbm>> -> memref<16x128xf32, #tpu.memory_space<hbm>>
        %dma_wait3A_726 = arith.constant 0 : i32
        %dma_wait3A_727 = arith.constant 0 : i32
        %dma_wait3A_728 = tpu.memref_slice %arg12[%dma_wait3A_726, %dma_wait3A_727] : memref<128x128xf32, #tpu.memory_space<vmem>> -> memref<16x128xf32, #tpu.memory_space<vmem>>
        tpu.wait_dma2 semaphore(%run_scoped3A : memref<!tpu.dma_semaphore, #tpu.memory_space<semaphore_mem>>) src(%dma_wait3A_728 : memref<16x128xf32, #tpu.memory_space<vmem>>) dst(%dma_wait3A_725 : memref<16x128xf32, #tpu.memory_space<hbm>>)
        tpu.yield
      }) : () -> ()
    } else {
    }
    return
  }
}

module attributes {stable_mosaic.version = 14 : i64} {
  func.func @body(%arg0: i32, %arg1: memref<1000x128xf32, #tpu.memory_space<vmem>>, %arg2: memref<128x128xf32, #tpu.memory_space<vmem>>, %arg3: memref<1000x128xf32, #tpu.memory_space<vmem>>) attributes {dimension_semantics = [#tpu.dimension_semantics<arbitrary>], iteration_bounds = array<i64: 10>, scalar_prefetch = 0 : i64, scratch_operands = 0 : i64, tpu.core_type = #tpu.core_type<tc>, window_params = [{transform_indices = @transform_0, window_bounds = array<i64: 1000, 128>}, {pipeline_mode = #tpu.pipeline_mode<synchronous>, transform_indices = @transform_1, window_bounds = array<i64: 128, 128>}, {transform_indices = @transform_2, window_bounds = array<i64: 1000, 128>}]} {
    %get3A = arith.constant 0 : index
    %get3A_0 = arith.constant 0 : index
    %get3A_1 = vector.load %arg1[%get3A, %get3A_0] : memref<1000x128xf32, #tpu.memory_space<vmem>>, vector<1000x128xf32>
    %get3A_2 = arith.constant 0 : index
    %get3A_3 = arith.constant 0 : index
    %get3A_4 = vector.load %arg2[%get3A_2, %get3A_3] : memref<128x128xf32, #tpu.memory_space<vmem>>, vector<128x128xf32>
    %dot_general3A = arith.constant dense<0.000000e+00> : vector<1000x128xf32>
    %dot_general3A_5 = tpu.matmul %get3A_1, %get3A_4, %dot_general3A {dimension_numbers = #tpu.dot_dimension_numbers<[1], [0], [0], [1], [0, 0, 1, 1], [], []>, transpose_lhs_hint = false} : vector<1000x128xf32>, vector<128x128xf32>, vector<1000x128xf32> -> vector<1000x128xf32>
    %swap3A = arith.constant 0 : index
    %swap3A_6 = arith.constant 0 : index
    %swap3A_7 = vector.load %arg3[%swap3A, %swap3A_6] : memref<1000x128xf32, #tpu.memory_space<vmem>>, vector<1000x128xf32>
    tpu.vector_store %arg3[%swap3A, %swap3A_6], %dot_general3A_5 {strides = array<i32>} : memref<1000x128xf32, #tpu.memory_space<vmem>>, vector<1000x128xf32>,
    return
  }
  func.func @transform_0(%arg0: i32) -> (i32, i32) {
    %c0_i32 = arith.constant 0 : i32
    %c0_i32_0 = arith.constant 0 : i32
    return %arg0, %c0_i32 : i32, i32
  }
  func.func @transform_1(%arg0: i32) -> (i32, i32) {
    %c0_i32 = arith.constant 0 : i32
    %c0_i32_0 = arith.constant 0 : i32
    %c0_i32_1 = arith.constant 0 : i32
    return %c0_i32, %c0_i32_0 : i32, i32
  }
  func.func @transform_2(%arg0: i32) -> (i32, i32) {
    %c0_i32 = arith.constant 0 : i32
    %c0_i32_0 = arith.constant 0 : i32
    return %arg0, %c0_i32 : i32, i32
  }
}

module attributes {stable_mosaic.version = 14 : i64} {
  func.func @body(%arg0: i32, %arg1: memref<16000x16xf32, #tpu.memory_space<vmem>>, %arg2: memref<16x128xf32, #tpu.memory_space<vmem>>, %arg3: memref<16000x128xf32, #tpu.memory_space<vmem>>) attributes {dimension_semantics = [#tpu.dimension_semantics<arbitrary>], iteration_bounds = array<i64: 20>, scalar_prefetch = 0 : i64, scratch_operands = 0 : i64, tpu.core_type = #tpu.core_type<tc>, window_params = [{transform_indices = @transform_0, window_bounds = array<i64: 16000, 16>}, {pipeline_mode = #tpu.pipeline_mode<synchronous>, transform_indices = @transform_1, window_bounds = array<i64: 16, 128>}, {transform_indices = @transform_2, window_bounds = array<i64: 16000, 128>}]} {
    %get3A = arith.constant 0 : index
    %get3A_0 = arith.constant 0 : index
    %get3A_1 = vector.load %arg1[%get3A, %get3A_0] : memref<16000x16xf32, #tpu.memory_space<vmem>>, vector<16000x16xf32>
    %get3A_2 = arith.constant 0 : index
    %get3A_3 = arith.constant 0 : index
    %get3A_4 = vector.load %arg2[%get3A_2, %get3A_3] : memref<16x128xf32, #tpu.memory_space<vmem>>, vector<16x128xf32>
    %convert_element_type3A = arith.truncf %get3A_1 : vector<16000x16xf32> to vector<16000x16xbf16>
    %convert_element_type3A_5 = arith.truncf %get3A_4 : vector<16x128xf32> to vector<16x128xbf16>
    %dot_general3A = arith.constant dense<0.000000e+00> : vector<16000x128xf32>
    %dot_general3A_6 = tpu.matmul %convert_element_type3A, %convert_element_type3A_5, %dot_general3A {dimension_numbers = #tpu.dot_dimension_numbers<[1], [0], [0], [1], [0, 0, 1, 1], [], []>, transpose_lhs_hint = false} : vector<16000x16xbf16>, vector<16x128xbf16>, vector<16000x128xf32> -> vector<16000x128xf32>
    %swap3A = arith.constant 0 : index
    %swap3A_7 = arith.constant 0 : index
    %swap3A_8 = vector.load %arg3[%swap3A, %swap3A_7] : memref<16000x128xf32, #tpu.memory_space<vmem>>, vector<16000x128xf32>
    tpu.vector_store %arg3[%swap3A, %swap3A_7], %dot_general3A_6 {strides = array<i32>} : memref<16000x128xf32, #tpu.memory_space<vmem>>, vector<16000x128xf32>,
    return
  }
  func.func @transform_0(%arg0: i32) -> (i32, i32) {
    %c0_i32 = arith.constant 0 : i32
    %c0_i32_0 = arith.constant 0 : i32
    return %arg0, %c0_i32 : i32, i32
  }
  func.func @transform_1(%arg0: i32) -> (i32, i32) {
    %c0_i32 = arith.constant 0 : i32
    %c0_i32_0 = arith.constant 0 : i32
    %c0_i32_1 = arith.constant 0 : i32
    return %c0_i32, %c0_i32_0 : i32, i32
  }
  func.func @transform_2(%arg0: i32) -> (i32, i32) {
    %c0_i32 = arith.constant 0 : i32
    %c0_i32_0 = arith.constant 0 : i32
    return %arg0, %c0_i32 : i32, i32
  }
}

module attributes {stable_mosaic.version = 14 : i64} {
  func.func @body(%arg0: i32, %arg1: memref<1000x128xf32, #tpu.memory_space<vmem>>, %arg2: memref<1000x128xf32, #tpu.memory_space<vmem>>, %arg3: memref<1000x128xf32, #tpu.memory_space<vmem>>, %arg4: memref<128x128xf32, #tpu.memory_space<vmem>>, %arg5: memref<1x128xf32, #tpu.memory_space<vmem>>, %arg6: memref<1000x128xf32, #tpu.memory_space<vmem>>) attributes {dimension_semantics = [#tpu.dimension_semantics<arbitrary>], iteration_bounds = array<i64: 10>, scalar_prefetch = 0 : i64, scratch_operands = 0 : i64, tpu.core_type = #tpu.core_type<tc>, window_params = [{transform_indices = @transform_0, window_bounds = array<i64: 1000, 128>}, {transform_indices = @transform_1, window_bounds = array<i64: 1000, 128>}, {transform_indices = @transform_2, window_bounds = array<i64: 1000, 128>}, {pipeline_mode = #tpu.pipeline_mode<synchronous>, transform_indices = @transform_3, window_bounds = array<i64: 128, 128>}, {pipeline_mode = #tpu.pipeline_mode<synchronous>, transform_indices = @transform_4, window_bounds = array<i64: 1, 128>}, {transform_indices = @transform_5, window_bounds = array<i64: 1000, 128>}]} {
    %get3A = arith.constant 0 : index
    %get3A_0 = arith.constant 0 : index
    %get3A_1 = vector.load %arg1[%get3A, %get3A_0] : memref<1000x128xf32, #tpu.memory_space<vmem>>, vector<1000x128xf32>
    %get3A_2 = arith.constant 0 : index
    %get3A_3 = arith.constant 0 : index
    %get3A_4 = vector.load %arg4[%get3A_2, %get3A_3] : memref<128x128xf32, #tpu.memory_space<vmem>>, vector<128x128xf32>
    %dot_general3A = arith.constant dense<0.000000e+00> : vector<1000x128xf32>
    %dot_general3A_5 = tpu.matmul %get3A_1, %get3A_4, %dot_general3A {dimension_numbers = #tpu.dot_dimension_numbers<[1], [0], [0], [1], [0, 0, 1, 1], [], []>, transpose_lhs_hint = false} : vector<1000x128xf32>, vector<128x128xf32>, vector<1000x128xf32> -> vector<1000x128xf32>
    %get3A_6 = arith.constant 0 : index
    %get3A_7 = arith.constant 0 : index
    %get3A_8 = vector.load %arg2[%get3A_6, %get3A_7] : memref<1000x128xf32, #tpu.memory_space<vmem>>, vector<1000x128xf32>
    %add3A = arith.addf %dot_general3A_5, %get3A_8 : vector<1000x128xf32>
    %get3A_9 = arith.constant 0 : index
    %get3A_10 = arith.constant 0 : index
    %get3A_11 = vector.load %arg3[%get3A_9, %get3A_10] : memref<1000x128xf32, #tpu.memory_space<vmem>>, vector<1000x128xf32>
    %add3A_12 = arith.addf %add3A, %get3A_11 : vector<1000x128xf32>
    %get3A_13 = arith.constant 0 : index
    %get3A_14 = arith.constant 0 : index
    %get3A_15 = vector.load %arg5[%get3A_13, %get3A_14] : memref<1x128xf32, #tpu.memory_space<vmem>>, vector<1x128xf32>
    %add3A_16 = vector.broadcast %get3A_15 : vector<1x128xf32> to vector<1000x128xf32>
    %add3A_17 = arith.addf %add3A_12, %add3A_16 : vector<1000x128xf32>
    %swap3A = arith.constant 0 : index
    %swap3A_18 = arith.constant 0 : index
    %swap3A_19 = vector.load %arg6[%swap3A, %swap3A_18] : memref<1000x128xf32, #tpu.memory_space<vmem>>, vector<1000x128xf32>
    tpu.vector_store %arg6[%swap3A, %swap3A_18], %add3A_17 {strides = array<i32>} : memref<1000x128xf32, #tpu.memory_space<vmem>>, vector<1000x128xf32>,
    return
  }
  func.func @transform_0(%arg0: i32) -> (i32, i32) {
    %c0_i32 = arith.constant 0 : i32
    %c0_i32_0 = arith.constant 0 : i32
    return %arg0, %c0_i32 : i32, i32
  }
  func.func @transform_1(%arg0: i32) -> (i32, i32) {
    %c0_i32 = arith.constant 0 : i32
    %c0_i32_0 = arith.constant 0 : i32
    return %arg0, %c0_i32 : i32, i32
  }
  func.func @transform_2(%arg0: i32) -> (i32, i32) {
    %c0_i32 = arith.constant 0 : i32
    %c0_i32_0 = arith.constant 0 : i32
    return %arg0, %c0_i32 : i32, i32
  }
  func.func @transform_3(%arg0: i32) -> (i32, i32) {
    %c0_i32 = arith.constant 0 : i32
    %c0_i32_0 = arith.constant 0 : i32
    %c0_i32_1 = arith.constant 0 : i32
    return %c0_i32, %c0_i32_0 : i32, i32
  }
  func.func @transform_4(%arg0: i32) -> (i32, i32) {
    %c0_i32 = arith.constant 0 : i32
    %c0_i32_0 = arith.constant 0 : i32
    %c0_i32_1 = arith.constant 0 : i32
    return %c0_i32, %c0_i32_0 : i32, i32
  }
  func.func @transform_5(%arg0: i32) -> (i32, i32) {
    %c0_i32 = arith.constant 0 : i32
    %c0_i32_0 = arith.constant 0 : i32
    return %arg0, %c0_i32 : i32, i32
  }
}

</mosaic_0001>

<sc_bundles>
// kernel: kernel.6.cloned.1.call-start
scs
__scs_entry_jumppad:
0x0: {  	(pc) =	sbr.rel $0x88, $3  }
0x1: {  	(tag) =	ssettag $0x0;
	lr =	simm.s32 $0x1  }
0x2: {  	[smem:$0x3F9C] =	sst lr;
	_ =	strace $0xD0000000  }
0x3: {  	_ = 	snop  }
0x4: {  	_ = 	snop  }
0x5: {  	_ = 	snop  }
0x6: {  	_ = 	snop  }
0x7: {  	_ = 	snop  }
__scs_overlays_trampoline_lowered:
0x8: {  	[smem:$0x3FAB] =	sst s0  }
0x9: {  	[smem:$0x3FAC] =	sst s1  }
0xa: {  	[smem:$0x3FAD] =	sst s2  }
0xb: {  	[smem:$0x3FAE] =	sst s3  }
0xc: {  	[smem:$0x3FAF] =	sst s4  }
0xd: {  	[smem:$0x3FB0] =	sst s5  }
0xe: {  	[smem:$0x3FB1] =	sst s6  }
0xf: {  	[smem:$0x3FB2] =	sst s7  }
0x10: {  	[smem:$0x3FB3] =	sst s8  }
0x11: {  	[smem:$0x3FB4] =	sst s9;
	s0 =	simm.s32 @!p0 $0x0  }
0x12: {  	s1 =	sld [smem:$0x3F9A];
	s0 =	simm.s32 @p0 $0x1  }
0x13: {  	[smem:$0x3FB5] =	sst s0;
	s0 =	simm.s32 @!p1 $0x0  }
0x14: {  	s2 =	sld [smem:$0x3F99];
	s0 =	simm.s32 @p1 $0x1  }
0x15: {  	[smem:$0x3FB6] =	sst s0;
	s0 =	simm.s32 @!p2 $0x0  }
0x16: {  	s3 =	sld [smem:$0x3FDB];
	s0 =	simm.s32 @p2 $0x1  }
0x17: {  	s4 =	simm.s32 $0x1BF5;
	[smem:$0x3FB8] =	sst s0  }
0x18: {  	s0 =	sld [smem:$0x3F9B];
	_ =	swait.ge [sflag:s4], $0x0  }
0x19: {  	s7 =	sld [smem:$0x3F9C]  }
0x1a: {  	s8 =	sadd.s32 $0xFFFFE003, lr  }
0x1b: {  	s9 =	sadd.s32 $0xFFFFFEF7, lr;
	s5 =	simm.s32 $0xFFFFFFFF;
	p2 =	slt.u32 s8, $0xFFFFF086  }
0x1c: {  	p1 =	slt.u32 s9, $0xF7A;
	s5 =	simm.s32 @!p2 $0x0  }
0x1d: {  	s5 =	simm.s32 @p1 $0x1;
	p0 =	seq.s32 s7, s2  }
0x1e: {  	s7 =	smul.u32 @!p0 $0xF7A, s2;
	p2 =	seq.s32 @!p0 s5, $0x0  }
0x1f: {  	s9 =	smul.u32 $0xF7A, s1;
	s8 =	simm.s32 @!p0 $0x1BF5;
	p2 =	por !p2, p0  }
0x20: {  	[sflag:s8] =	ssyncset.s32 @!p0 $0xFFFFF086;
	s6 =	sadd.s32 @!p0 s3, s7;
	s7 =	simm.s32 @!p0 $0x108  }
0x21: {  	s3 =	sadd.s32 s3, s9;
	s6 =	sadd.s32 @!p0 $0x88, s6;
	s7 =	simm.s32 @p2 $0x1082  }
0x22: {  	[simem:s7], [sflag:s8] =	dma.local @!p0 [hbm:s6], $0xF7A  }
0x23: {  	s9 =	sor.u32 $0xD0000000, s2;
	s6 =	simm.s32 $0x108;
	_ =	swait.ge @!p0 [sflag:s8], $0x0  }
0x24: {  	s3 =	sadd.s32 $0x88, s3;
	s6 =	simm.s32 @!p1 $0x1082;
	[sflag:s4] =	ssyncset.s32 $0xFFFFF086  }
0x25: {  	[simem:s6], [sflag:s4] =	dma.local [hbm:s3], $0xF7A  }
0x26: {  	[smem:$0x3F9C] =	sst s1;
	(tag) =	ssettag s2;
	_ =	strace s9  }
0x27: {  	s1 =	sld [smem:$0x3FAC]  }
0x28: {  	s2 =	sld [smem:$0x3FAD]  }
0x29: {  	s4 =	sld [smem:$0x3FAF]  }
0x2a: {  	p0 =	seq.s32 s5, $0x0;
	s5 =	sld [smem:$0x3FB0]  }
0x2b: {  	s6 =	sld [smem:$0x3FB1]  }
0x2c: {  	s7 =	sld [smem:$0x3FB2]  }
0x2d: {  	s3 =	simm.s32 $0x108;
	s8 =	sld [smem:$0x3FB3]  }
0x2e: {  	s3 =	simm.s32 @!p0 $0x1082;
	s9 =	sld [smem:$0x3FB4]  }
0x2f: {  	lr =	sadd.s32 s0, s3;
	s0 =	sld [smem:$0x3FAB]  }
0x30: {  	s3 =	sld [smem:$0x3FAE]  }
0x31: {  	[smem:$0x3FB7] =	sst s10  }
0x32: {  	s10 =	sld [smem:$0x3FB5];
	_ =	sdelay $0x3  }
0x33: {  	p0 =	seq.s32 s10, $0x1;
	s10 =	sld [smem:$0x3FB7];
	_ =	sdelay $0x3  }
0x34: {  	[smem:$0x3FB7] =	sst s10  }
0x35: {  	s10 =	sld [smem:$0x3FB6];
	_ =	sdelay $0x3  }
0x36: {  	p1 =	seq.s32 s10, $0x1;
	s10 =	sld [smem:$0x3FB7];
	_ =	sdelay $0x3  }
0x37: {  	[smem:$0x3FB7] =	sst s10  }
0x38: {  	s10 =	sld [smem:$0x3FB8]  }
0x39: {  	_ = 	snop;
	(pc) =	sbr.ind lr, $3  }
0x3a: {  	_ = 	snop  }
0x3b: {  	_ = 	snop  }
0x3c: {  	p2 =	seq.s32 s10, $0x1;
	s10 =	sld [smem:$0x3FB7]  }
0x3d: {  	_ =	shalt  }
0x3e: {  	_ =	shalt  }
0x3f: {  	_ =	shalt  }
0x40: {  	_ =	shalt  }
0x41: {  	_ =	shalt  }
0x42: {  	_ =	shalt  }
0x43: {  	_ =	shalt  }
0x44: {  	_ =	shalt  }
0x45: {  	_ =	shalt  }
0x46: {  	_ =	shalt  }
0x47: {  	_ =	shalt  }
0x48: {  	_ =	shalt  }
0x49: {  	_ =	shalt  }
0x4a: {  	_ =	shalt  }
0x4b: {  	_ =	shalt  }
0x4c: {  	_ =	shalt  }
0x4d: {  	_ =	shalt  }
0x4e: {  	_ =	shalt  }
0x4f: {  	_ =	shalt  }
0x50: {  	_ =	shalt  }
0x51: {  	_ =	shalt  }
0x52: {  	_ =	shalt  }
0x53: {  	_ =	shalt  }
0x54: {  	_ =	shalt  }
0x55: {  	_ =	shalt  }
0x56: {  	_ =	shalt  }
0x57: {  	_ =	shalt  }
0x58: {  	_ =	shalt  }
0x59: {  	_ =	shalt  }
0x5a: {  	_ =	shalt  }
0x5b: {  	_ =	shalt  }
0x5c: {  	_ =	shalt  }
0x5d: {  	_ =	shalt  }
0x5e: {  	_ =	shalt  }
0x5f: {  	_ =	shalt  }
0x60: {  	_ =	shalt  }
0x61: {  	_ =	shalt  }
0x62: {  	_ =	shalt  }
0x63: {  	_ =	shalt  }
0x64: {  	_ =	shalt  }
0x65: {  	_ =	shalt  }
0x66: {  	_ =	shalt  }
0x67: {  	_ =	shalt  }
0x68: {  	_ =	shalt  }
0x69: {  	_ =	shalt  }
0x6a: {  	_ =	shalt  }
0x6b: {  	_ =	shalt  }
0x6c: {  	_ =	shalt  }
0x6d: {  	_ =	shalt  }
0x6e: {  	_ =	shalt  }
0x6f: {  	_ =	shalt  }
0x70: {  	_ =	shalt  }
0x71: {  	_ =	shalt  }
0x72: {  	_ =	shalt  }
0x73: {  	_ =	shalt  }
0x74: {  	_ =	shalt  }
0x75: {  	_ =	shalt  }
0x76: {  	_ =	shalt  }
0x77: {  	_ =	shalt  }
0x78: {  	_ =	shalt  }
0x79: {  	_ =	shalt  }
0x7a: {  	_ =	shalt  }
0x7b: {  	_ =	shalt  }
0x7c: {  	_ =	shalt  }
0x7d: {  	_ =	shalt  }
0x7e: {  	_ =	shalt  }
0x7f: {  	_ =	shalt  }
0x80: {  	_ =	shalt  }
0x81: {  	_ =	shalt  }
0x82: {  	_ =	shalt  }
0x83: {  	_ =	shalt  }
0x84: {  	_ =	shalt  }
0x85: {  	_ =	shalt  }
0x86: {  	_ =	shalt  }
0x87: {  	_ =	shalt  }
.Lfunc_end0:
.L_simem_size_0:
called_computation_lowered:
.L_overlay_start_0:
0x88: {  	s2 =	sld [smem:$0x3FD9]  }
0x89: {  	s3 =	sld [smem:$0x3FFE];
	_ =	sdelay $0x1  }
0x8a: {  	s1 =	srdreg.scid  }
0x8b: {  	s0 =	sand.u32 $0x1, s1  }
0x8c: {  	s17 =	sshll.u32 s0, $0xA;
	s2 =	sadd.s32 s3, s2  }
0x8d: {  	s2 =	sadd.s32 s2, s17  }
0x8e: {  	[smem:$0x3FC3] =	sst s2  }
0x8f: {  	_ = 	snop  }
0x90: {  	s2 =	sld [smem:$0x3FD0];
	(tm) =	ssettm $0x1  }
0x91: {  	s18 =	sld [smem:$0x3FFB];
	_ =	sdelay $0x3  }
0x92: {  	_ =	strace s18  }
0x93: {  	s3 =	sld [smem:$0x3FFC];
	_ =	sdelay $0x3  }
0x94: {  	_ =	strace s3  }
0x95: {  	s3 =	sld [smem:$0x3FFD];
	_ =	sdelay $0x3  }
0x96: {  	_ =	strace s3  }
0x97: {  	_ =	strace $0x8FFFFFFF  }
0x98: {  	s19 =	sld [smem:$0x3FDB];
	_ =	sdelay $0x1  }
0x99: {  	s4 =	simm.s32 $_scs_section_size  }
0x9a: {  	s5 =	simm.s32 $_size__tile_overlayer_lowered;
	s6 =	simm.s32 $_tile_overlayer_lowered  }
0x9b: {  	s22 =	simm.s32 $0x1BFF;
	s21 =	sshll.u32 s6, $0x1;
	s3 =	sadd.s32 s4, s19  }
0x9c: {  	s7 =	simm.s32 $0x0;
	s20 =	sshll.u32 s5, $0x1;
	s5 =	sadd.s32 s21, s3  }
0x9d: {  	[timem:s7], [sflag:s22] =	dma.local [hbm:s5], s20  }
0x9e: {  	_ =	swait.ge [sflag:s22], s20  }
0x9f: {  	s4 =	ssub.s32 $0x0, s20;
	[sflag:s22] =	ssyncset.done $0x0  }
0xa0: {  	[sflag:s22] =	ssyncadd.s32 s4;
	_ =	sdelay $0x1  }
0xa1: {  	s23 =	simm.s32 $0x1B8B  }
0xa2: {  	_ =	swait.ge [sflag:s23], $0x1  }
0xa3: {  	[sflag:s23] =	ssyncset.done $0x0  }
0xa4: {  	s25 =	simm.s32 $0x1B8E;
	s24 =	sld [smem:$0x3FFE];
	[sflag:s23] =	ssyncadd.s32 $0xFFFFFFFF  }
0xa5: {  	s26 =	simm.s32 $execute0_lowered;
	[smem:$0x3FD2] =	sst s25  }
0xa6: {  	s5 =	sshll.u32 s26, $0x1;
	_ =	strace $0x80000046;
	[dreg:$0x1] =	wrdreg $0xFFFFFFFF  }
0xa7: {  	s28 =	simm.s32 $_size_execute0_lowered;
	s3 =	sadd.s32 s3, s5;
	[dreg:$0x0] =	wrdreg $0x0  }
0xa8: {  	s5 =	sshll.u32 s28, $0x1;
	[dreg:$0x2] =	wrdreg s3  }
0xa9: {  	[dreg:$0x3] =	wrdreg s5  }
0xaa: {  	[dreg:$0x4] =	wrdreg $0xC0  }
0xab: {  	_ =	task [dreg:s7], $0x5FFFF  }
0xac: {  	[dreg:$0x1] =	wrdreg $0xFFFFFFFF  }
0xad: {  	[dreg:$0x0] =	wrdreg $0x60  }
0xae: {  	[dreg:$0x2] =	wrdreg s2  }
0xaf: {  	[dreg:$0x3] =	wrdreg s24  }
0xb0: {  	[dreg:$0x4] =	wrdreg $0x0  }
0xb1: {  	[dreg:$0x5] =	wrdreg $0x9  }
0xb2: {  	_ =	task.clear_ibuf [dreg:s7], $0x6FFFF;
	_ =	strace $0x90000046  }
0xb3: {  	s29 =	simm.s32 $0x9;
	_ =	strace $0x80000048  }
0xb4: {  	_ =	swait.ge [sflag:s29], $0x1  }
0xb5: {  	[sflag:s29] =	ssyncadd.s32 $0xFFFFFFFF  }
0xb6: {  	_ =	strace $0x90000048  }
0xb7: {  	_ =	sfence  }
0xb8: {  	s30 =	sld [smem:$0x0];
	_ =	sdelay $0x2  }
0xb9: {  	s31 =	sshll.u32 s1, $0xD;
	s1 =	sshrl.u32 s1, $0x2  }
0xba: {  	s3 =	sand.u32 $0x4000, s31;
	s1 =	sadd.s32 s1, s30  }
0xbb: {  	s0 =	sor.u32 s3, s0;
	s1 =	sshll.u32 s1, $0x11  }
0xbc: {  	s0 =	sor.u32 s1, s0  }
0xbd: {  	s0 =	sadd.s32 $0x8F2B, s0  }
0xbe: {  	[sflag:s0] =	ssyncadd.remote.s32 $0x1  }
0xbf: {  	_ =	sfence.sel $0xFFFF  }
0xc0: {  	[dreg:$0x0] =	wrdreg $0xFFFFFFFF;
	(pc) =	sbr.abs _section_cstart, $3  }
0xc1: {  	[dreg:$0x1] =	wrdreg $0xFFFFFFFF  }
0xc2: {  	_ =	task.clear_ibuf [dreg:s7], $0x2FFFF;
	_ =	strace $0x9FFFFFFF  }
0xc3: {  	(tm) =	ssettm $0x7FFFFFFF  }
tec
execute0_lowered:
.L_overlay_start_1:
0x0: {  	(tag) =	ssettag $0x1  }
0x1: {  	s1 =	rddreg [dreg:$0x0]  }
0x2: {  	s2 =	rddreg [dreg:$0x1]  }
0x3: {  	s3 =	rddreg [dreg:$0x2]  }
0x4: {  	s4 =	simm.s32 $0x0;
	s0 =	srdreg.scid;
	s26 =	stileid.u32  }
0x5: {  	[smem:$0x7FF] =	sst s4;
	s9 =	sand.u32 $0x1, s0;
	s18 =	sshll.u32 s26, $0x1  }
0x6: {  	s12 =	smul.u32 $0x13800, s26;
	s14 =	sadd.s32 $0x15400, s2;
	_ =	strace $0x80000047  }
0x7: {  	s6 =	sor.u32 s9, s18;
	s19 =	ssub.s32 $0x2, s9;
	s13 =	smul.u32 $0x138800, s9  }
0x8: {  	s5 =	ssub.s32 $0x13A7, s6;
	s7 =	sshrl.u32 s19, $0x1;
	s17 =	sadd.s32 $0x9000, s12  }
0x9: {  	s5 =	sshrl.u32 s5, $0x5;
	s0 =	ssub.s32 s19, s7;
	s8 =	sadd.s32 s12, s13  }
0xa: {  	s7 =	sadd.s32 $0x1800, s12;
	s24 =	sadd.s32 s13, s17;
	s20 =	sadd.s32 $0xFFFFFFFF, s5  }
0xb: {  	s8 =	sshrl.u32 s8, $0x3;
	s10 =	sadd.s32 s13, s7;
	s25 =	sshrl.u32 s24, $0x3  }
0xc: {  	s24 =	sadd.s32 $0x10800, s12;
	[dreg:$0x4] =	wrdreg s20;
	s8 =	sadd.s32 s14, s8  }
0xd: {  	s0 =	smax.u32 s0, $0x1;
	[dreg:$0x6] =	wrdreg s8;
	s8 =	sadd.s32 $0x3000, s12  }
0xe: {  	s11 =	sshrl.u32 s10, $0x3;
	s10 =	sadd.s32 $0x4800, s12;
	s15 =	sadd.s32 s13, s8  }
0xf: {  	s11 =	sadd.s32 s14, s11;
	s22 =	sadd.s32 s13, s10;
	s21 =	sshrl.u32 s15, $0x3  }
0x10: {  	[dreg:$0x7] =	wrdreg s11;
	s15 =	sshrl.u32 s22, $0x3;
	s11 =	sadd.s32 s14, s21  }
0x11: {  	s15 =	sadd.s32 s14, s15;
	[dreg:$0x8] =	wrdreg s11;
	s11 =	sadd.s32 $0x6000, s12  }
0x12: {  	[dreg:$0x9] =	wrdreg s15;
	s15 =	sadd.s32 $0x7800, s12;
	s16 =	sadd.s32 s13, s11  }
0x13: {  	s22 =	sadd.s32 $0xD800, s12;
	s18 =	sadd.s32 s13, s15;
	s16 =	sshrl.u32 s16, $0x3  }
0x14: {  	s23 =	sshrl.u32 s18, $0x3;
	s18 =	sadd.s32 $0xA800, s12;
	s16 =	sadd.s32 s14, s16  }
0x15: {  	s29 =	sadd.s32 s13, s22;
	s19 =	sadd.s32 s13, s18;
	[dreg:$0xa] =	wrdreg s16  }
0x16: {  	s16 =	sadd.s32 s14, s23;
	s19 =	sshrl.u32 s19, $0x3;
	s23 =	sadd.s32 $0xF000, s12  }
0x17: {  	[dreg:$0xb] =	wrdreg s16;
	s16 =	sadd.s32 s14, s25;
	s19 =	sadd.s32 s14, s19  }
0x18: {  	s21 =	sadd.s32 s13, s23;
	[dreg:$0xc] =	wrdreg s16;
	s16 =	sadd.s32 $0xC000, s12  }
0x19: {  	s25 =	sadd.s32 s13, s24;
	[dreg:$0xd] =	wrdreg s19;
	s20 =	sadd.s32 s13, s16  }
0x1a: {  	s12 =	sadd.s32 $0x12000, s12;
	s28 =	sshrl.u32 s20, $0x3;
	s20 =	sshrl.u32 s29, $0x3  }
0x1b: {  	s29 =	sadd.s32 s13, s12;
	s13 =	sshrl.u32 s13, $0x3;
	s19 =	sadd.s32 s14, s28  }
0x1c: {  	s28 =	sshrl.u32 s25, $0x3;
	[dreg:$0xe] =	wrdreg s19;
	s19 =	sadd.s32 s14, s20  }
0x1d: {  	s13 =	sadd.s32 s14, s13;
	[dreg:$0xf] =	wrdreg s19;
	s19 =	sshrl.u32 s21, $0x3  }
0x1e: {  	s25 =	sadd.s32 $0x1, s5;
	s21 =	sshrl.u32 s29, $0x3;
	s19 =	sadd.s32 s14, s19  }
0x1f: {  	s29 =	smul.u32 $0x50000, s26;
	[dreg:$0x10] =	wrdreg s19;
	s19 =	sadd.s32 s14, s28  }
0x20: {  	s28 =	sshll.u32 s9, $0xD;
	[dreg:$0x11] =	wrdreg s19;
	s19 =	sadd.s32 s14, s21  }
0x21: {  	s14 =	sand.u32 $0x9E, s25;
	s25 =	sshll.u32 s26, $0xE;
	[dreg:$0x12] =	wrdreg s19  }
0x22: {  	[dreg:$0x5] =	wrdreg s14;
	s14 =	sor.u32 s28, s25;
	s28 =	sshrl.u32 s29, $0x2  }
0x23: {  	s19 =	sadd.s32 $0x4E3A00, s2;
	s29 =	sshll.u32 s6, $0x4;
	s6 =	sshll.u32 s6, $0xA  }
0x24: {  	[smem:$0x7D8] =	sst s0;
	s20 =	sadd.s32 $0x1A00, s2;
	s2 =	sadd.s32 s19, s6  }
0x25: {  	s6 =	sadd.s32 s7, s3;
	[dreg:$0x14] =	wrdreg s2  }
0x26: {  	s7 =	sadd.s32 s8, s3;
	[dreg:$0x16] =	wrdreg s6  }
0x27: {  	s8 =	sadd.s32 s10, s3;
	[dreg:$0x17] =	wrdreg s7  }
0x28: {  	s10 =	sadd.s32 s11, s3;
	[dreg:$0x18] =	wrdreg s8  }
0x29: {  	s11 =	sadd.s32 s15, s3;
	[dreg:$0x19] =	wrdreg s10  }
0x2a: {  	s9 =	sshll.u32 s9, $0x7;
	s15 =	sadd.s32 s17, s3;
	[dreg:$0x1a] =	wrdreg s11  }
0x2b: {  	s21 =	sshll.u32 s26, $0x8;
	s17 =	sadd.s32 s18, s3;
	[dreg:$0x1b] =	wrdreg s15  }
0x2c: {  	s9 =	sor.u32 s9, s21;
	s18 =	sadd.s32 s16, s3;
	[dreg:$0x1c] =	wrdreg s17  }
0x2d: {  	s21 =	sadd.s32 s28, s3;
	s28 =	sadd.s32 s20, s29;
	[dreg:$0x1d] =	wrdreg s18  }
0x2e: {  	s6 =	sadd.s32 s24, s3;
	[dreg:$0x13] =	wrdreg s28  }
0x2f: {  	s7 =	sadd.s32 s12, s3;
	[smem:$0x7D5] =	sst s6  }
0x30: {  	s8 =	sadd.s32 $0x27000, s13;
	[smem:$0x7D6] =	sst s7  }
0x31: {  	s10 =	sor.u32 $0x80000, s14;
	[smem:$0x7D7] =	sst s8  }
0x32: {  	s11 =	sor.u32 $0x3000, s9;
	[smem:$0x7D9] =	sst s10  }
0x33: {  	s12 =	sadd.s32 $0x200, s28;
	[smem:$0x7DA] =	sst s11  }
0x34: {  	s13 =	sadd.s32 $0x138000, s3;
	[smem:$0x7DB] =	sst s12  }
0x35: {  	s14 =	sadd.s32 $0x800, s21;
	[smem:$0x7DC] =	sst s13  }
0x36: {  	s15 =	sadd.s32 $0x1000, s21;
	[smem:$0x7DD] =	sst s14  }
0x37: {  	s16 =	sadd.s32 $0x1800, s21;
	[smem:$0x7DE] =	sst s15  }
0x38: {  	s17 =	sadd.s32 $0x2000, s21;
	[smem:$0x7DF] =	sst s16  }
0x39: {  	s18 =	sadd.s32 $0x2800, s21;
	[smem:$0x7E0] =	sst s17  }
0x3a: {  	p0 =	sne.s32 s26, $0xF;
	s24 =	sadd.s32 $0x4000, s21;
	[smem:$0x7E1] =	sst s18  }
0x3b: {  	s25 =	smul.u32 $0x4E000, s26;
	s26 =	sadd.s32 $0x5000, s21;
	[smem:$0x7E4] =	sst s24  }
0x3c: {  	s28 =	sadd.s32 $0x5800, s21;
	[smem:$0x7E6] =	sst s26  }
0x3d: {  	s2 =	sadd.s32 $0x6800, s21;
	[smem:$0x7E7] =	sst s28  }
0x3e: {  	s25 =	sshrl.u32 s25, $0x2;
	s9 =	sadd.s32 $0x8800, s21;
	[smem:$0x7E9] =	sst s2  }
0x3f: {  	s29 =	sadd.s32 s25, s3;
	[smem:$0x7ED] =	sst s9  }
0x40: {  	s25 =	sadd.s32 s22, s3;
	[dreg:$0x15] =	wrdreg s29  }
0x41: {  	s22 =	sadd.s32 $0x3000, s21;
	[dreg:$0x1e] =	wrdreg s25  }
0x42: {  	s6 =	sadd.s32 $0x7000, s21;
	[smem:$0x7E2] =	sst s22  }
0x43: {  	s7 =	sadd.s32 $0x7800, s21;
	[smem:$0x7EA] =	sst s6  }
0x44: {  	s8 =	sadd.s32 $0x8000, s21;
	[smem:$0x7EB] =	sst s7  }
0x45: {  	s10 =	sadd.s32 $0x9000, s21;
	[smem:$0x7EC] =	sst s8  }
0x46: {  	s11 =	sadd.s32 $0x9800, s21;
	[smem:$0x7EE] =	sst s10  }
0x47: {  	s12 =	sadd.s32 $0xA000, s21;
	[smem:$0x7EF] =	sst s11  }
0x48: {  	s13 =	sadd.s32 $0xA800, s21;
	[smem:$0x7F0] =	sst s12  }
0x49: {  	s14 =	sadd.s32 $0xB000, s21;
	[smem:$0x7F1] =	sst s13  }
0x4a: {  	s30 =	sadd.s32 $0x11000, s21;
	s15 =	sadd.s32 $0xB800, s21;
	[smem:$0x7F2] =	sst s14  }
0x4b: {  	s31 =	sadd.s32 $0x11800, s21;
	s16 =	sadd.s32 $0xC000, s21;
	[smem:$0x7F3] =	sst s15  }
0x4c: {  	s0 =	sadd.s32 $0x12000, s21;
	s17 =	sadd.s32 $0xC800, s21;
	[smem:$0x7F4] =	sst s16  }
0x4d: {  	s18 =	sadd.s32 $0xD000, s21;
	s24 =	sadd.s32 $0xE800, s21;
	[smem:$0x7F5] =	sst s17  }
0x4e: {  	s26 =	sadd.s32 $0xF800, s21;
	s28 =	sadd.s32 $0x10000, s21;
	[smem:$0x7F6] =	sst s18  }
0x4f: {  	s2 =	sadd.s32 $0x12800, s21;
	s9 =	simm.s32 $0x14000;
	[smem:$0x7F9] =	sst s24  }
0x50: {  	s29 =	sadd.s32 s23, s3;
	s23 =	sadd.s32 $0x3800, s21;
	[smem:$0x7FB] =	sst s26  }
0x51: {  	s25 =	sadd.s32 $0x4800, s21;
	s22 =	sadd.s32 $0xD800, s21;
	[smem:$0x7FC] =	sst s28  }
0x52: {  	s6 =	sadd.s32 $0x13000, s21;
	s7 =	simm.s32 $0x1C200;
	[dreg:$0x1f] =	wrdreg s29  }
0x53: {  	s8 =	simm.s32 $0x1;
	s10 =	simm.s32 $0x20;
	[smem:$0x7E3] =	sst s23  }
0x54: {  	s11 =	simm.s32 $0x14200;
	s14 =	simm.s32 $0x5;
	[smem:$0x7E5] =	sst s25  }
0x55: {  	s15 =	simm.s32 $0x6;
	s29 =	sadd.s32 $0x6000, s21;
	[smem:$0x7F7] =	sst s22  }
0x56: {  	s12 =	simm.s32 $0x3;
	s23 =	sadd.s32 $0xE000, s21;
	[smem:$0x7E8] =	sst s29  }
0x57: {  	s16 =	simm.s32 $0x18200;
	s25 =	sadd.s32 $0xF000, s21;
	[smem:$0x7F8] =	sst s23  }
0x58: {  	s13 =	simm.s32 $0x4;
	[smem:$0x7FA] =	sst s25;
	s29 =	sadd.s32 $0x10800, s21  }
0x59: {  	v0 =	vimm.f32 $0.0e+00;
	s17 =	simm.s32 $0x0;
	s22 =	sadd.s32 $0x13800, s21;
	[smem:$0x7FD] =	sst s29  }
.LBB2_1:
0x5a: {  	s18 =	simm.s32 $0x0;
	s23 =	simm.s32 $0x200  }
.LBB2_2:
0x5b: {  	p1 =	sne.s32 s23, $0x1E00;
	[tilespmem:s18+$0x1C270] =	vst v0  }
0x5c: {  	[tilespmem:s18+$0x1C200] =	vst v0  }
0x5d: {  	[tilespmem:s18+$0x1C210] =	vst v0  }
.Ltmp0:
0x5e: {  	[tilespmem:s18+$0x1C220] =	vst v0;
	(pc) =	sbr.rel @p1 .LBB2_2-.Ltmp0, $4  }
0x5f: {  	[tilespmem:s18+$0x1C230] =	vst v0  }
0x60: {  	[tilespmem:s18+$0x1C240] =	vst v0  }
0x61: {  	[tilespmem:s18+$0x1C250] =	vst v0  }
0x62: {  	[tilespmem:s18+$0x1C260] =	vst v0;
	s18 =	sshra.s32 s23, $0x2;
	s23 =	sadd.s32 $0x200, s23  }
0x63: {  	[tilespmem:s18+$0x1C270] =	vst v0  }
0x64: {  	[tilespmem:s18+$0x1C200] =	vst v0  }
0x65: {  	[tilespmem:s18+$0x1C210] =	vst v0  }
0x66: {  	[tilespmem:s18+$0x1C220] =	vst v0  }
0x67: {  	[tilespmem:s18+$0x1C230] =	vst v0  }
0x68: {  	[tilespmem:s18+$0x1C240] =	vst v0  }
0x69: {  	[tilespmem:s18+$0x1C250] =	vst v0  }
0x6a: {  	[tilespmem:s18+$0x1C260] =	vst v0;
	s26 =	sld [smem:$0x7DD]  }
0x6b: {  	[spmem:s21] =	stream.linear.scatter [tilespmem:s7], [sflag:$0x1], $0x800, $0x38;
	[tilespmem:$0x1CA00] =	vst v63  }
0x6c: {  	s28 =	sld [smem:$0x7DE]  }
0x6d: {  	[spmem:s26] =	stream.linear.scatter [tilespmem:s7], [sflag:$0x1], $0x800, $0x38;
	[tilespmem:$0x1CA00] =	vst v63  }
0x6e: {  	s29 =	sld [smem:$0x7DF]  }
0x6f: {  	[spmem:s28] =	stream.linear.scatter [tilespmem:s7], [sflag:$0x1], $0x800, $0x38;
	[tilespmem:$0x1CA00] =	vst v63  }
0x70: {  	s23 =	sld [smem:$0x7E0]  }
0x71: {  	[spmem:s29] =	stream.linear.scatter [tilespmem:s7], [sflag:$0x1], $0x800, $0x38;
	[tilespmem:$0x1CA00] =	vst v63  }
0x72: {  	s24 =	sld [smem:$0x7E1]  }
0x73: {  	[spmem:s23] =	stream.linear.scatter [tilespmem:s7], [sflag:$0x1], $0x800, $0x38;
	[tilespmem:$0x1CA00] =	vst v63  }
0x74: {  	s25 =	sld [smem:$0x7E2]  }
0x75: {  	[spmem:s24] =	stream.linear.scatter [tilespmem:s7], [sflag:$0x1], $0x800, $0x38;
	[tilespmem:$0x1CA00] =	vst v63  }
0x76: {  	s26 =	sld [smem:$0x7E3]  }
0x77: {  	[spmem:s25] =	stream.linear.scatter [tilespmem:s7], [sflag:$0x1], $0x800, $0x38;
	[tilespmem:$0x1CA00] =	vst v63  }
0x78: {  	s28 =	sld [smem:$0x7E4]  }
0x79: {  	[spmem:s26] =	stream.linear.scatter [tilespmem:s7], [sflag:$0x1], $0x800, $0x38;
	[tilespmem:$0x1CA00] =	vst v63  }
0x7a: {  	s29 =	sld [smem:$0x7E5]  }
0x7b: {  	[spmem:s28] =	stream.linear.scatter [tilespmem:s7], [sflag:$0x1], $0x800, $0x38;
	[tilespmem:$0x1CA00] =	vst v63  }
0x7c: {  	s23 =	sld [smem:$0x7E6]  }
0x7d: {  	[spmem:s29] =	stream.linear.scatter [tilespmem:s7], [sflag:$0x1], $0x800, $0x38;
	[tilespmem:$0x1CA00] =	vst v63  }
0x7e: {  	s24 =	sld [smem:$0x7E7]  }
0x7f: {  	[spmem:s23] =	stream.linear.scatter [tilespmem:s7], [sflag:$0x1], $0x800, $0x38;
	[tilespmem:$0x1CA00] =	vst v63  }
0x80: {  	s25 =	sld [smem:$0x7E8]  }
0x81: {  	[spmem:s24] =	stream.linear.scatter [tilespmem:s7], [sflag:$0x1], $0x800, $0x38;
	[tilespmem:$0x1CA00] =	vst v63  }
0x82: {  	s26 =	sld [smem:$0x7E9]  }
0x83: {  	[spmem:s25] =	stream.linear.scatter [tilespmem:s7], [sflag:$0x1], $0x800, $0x38;
	[tilespmem:$0x1CA00] =	vst v63  }
0x84: {  	s28 =	sld [smem:$0x7EA]  }
0x85: {  	[spmem:s26] =	stream.linear.scatter [tilespmem:s7], [sflag:$0x1], $0x800, $0x38;
	[tilespmem:$0x1CA00] =	vst v63  }
0x86: {  	s29 =	sld [smem:$0x7EB]  }
0x87: {  	[spmem:s28] =	stream.linear.scatter [tilespmem:s7], [sflag:$0x1], $0x800, $0x38;
	[tilespmem:$0x1CA00] =	vst v63  }
0x88: {  	s23 =	sld [smem:$0x7EC]  }
0x89: {  	[spmem:s29] =	stream.linear.scatter [tilespmem:s7], [sflag:$0x1], $0x800, $0x38;
	[tilespmem:$0x1CA00] =	vst v63  }
0x8a: {  	s24 =	sld [smem:$0x7ED]  }
0x8b: {  	[spmem:s23] =	stream.linear.scatter [tilespmem:s7], [sflag:$0x1], $0x800, $0x38;
	[tilespmem:$0x1CA00] =	vst v63  }
0x8c: {  	s25 =	sld [smem:$0x7EE]  }
0x8d: {  	[spmem:s24] =	stream.linear.scatter [tilespmem:s7], [sflag:$0x1], $0x800, $0x38;
	[tilespmem:$0x1CA00] =	vst v63  }
0x8e: {  	s26 =	sld [smem:$0x7EF]  }
0x8f: {  	[spmem:s25] =	stream.linear.scatter [tilespmem:s7], [sflag:$0x1], $0x800, $0x38;
	[tilespmem:$0x1CA00] =	vst v63  }
0x90: {  	s28 =	sld [smem:$0x7F0]  }
0x91: {  	[spmem:s26] =	stream.linear.scatter [tilespmem:s7], [sflag:$0x1], $0x800, $0x38;
	[tilespmem:$0x1CA00] =	vst v63  }
0x92: {  	s29 =	sld [smem:$0x7F1]  }
0x93: {  	[spmem:s28] =	stream.linear.scatter [tilespmem:s7], [sflag:$0x1], $0x800, $0x38;
	[tilespmem:$0x1CA00] =	vst v63  }
0x94: {  	s23 =	sld [smem:$0x7F2]  }
0x95: {  	[spmem:s29] =	stream.linear.scatter [tilespmem:s7], [sflag:$0x1], $0x800, $0x38;
	[tilespmem:$0x1CA00] =	vst v63  }
0x96: {  	s24 =	sld [smem:$0x7F3]  }
0x97: {  	[spmem:s23] =	stream.linear.scatter [tilespmem:s7], [sflag:$0x1], $0x800, $0x38;
	[tilespmem:$0x1CA00] =	vst v63  }
0x98: {  	s25 =	sld [smem:$0x7F4]  }
0x99: {  	[spmem:s24] =	stream.linear.scatter [tilespmem:s7], [sflag:$0x1], $0x800, $0x38;
	[tilespmem:$0x1CA00] =	vst v63  }
0x9a: {  	s26 =	sld [smem:$0x7F5]  }
0x9b: {  	[spmem:s25] =	stream.linear.scatter [tilespmem:s7], [sflag:$0x1], $0x800, $0x38;
	[tilespmem:$0x1CA00] =	vst v63  }
0x9c: {  	s28 =	sld [smem:$0x7F6]  }
0x9d: {  	[spmem:s26] =	stream.linear.scatter [tilespmem:s7], [sflag:$0x1], $0x800, $0x38;
	[tilespmem:$0x1CA00] =	vst v63  }
0x9e: {  	s29 =	sld [smem:$0x7F7]  }
0x9f: {  	[spmem:s28] =	stream.linear.scatter [tilespmem:s7], [sflag:$0x1], $0x800, $0x38;
	[tilespmem:$0x1CA00] =	vst v63  }
0xa0: {  	s23 =	sld [smem:$0x7F8]  }
0xa1: {  	[spmem:s29] =	stream.linear.scatter [tilespmem:s7], [sflag:$0x1], $0x800, $0x38;
	[tilespmem:$0x1CA00] =	vst v63  }
0xa2: {  	s24 =	sld [smem:$0x7F9]  }
0xa3: {  	[spmem:s23] =	stream.linear.scatter [tilespmem:s7], [sflag:$0x1], $0x800, $0x38;
	[tilespmem:$0x1CA00] =	vst v63  }
0xa4: {  	s25 =	sld [smem:$0x7FA]  }
0xa5: {  	[spmem:s24] =	stream.linear.scatter [tilespmem:s7], [sflag:$0x1], $0x800, $0x38;
	[tilespmem:$0x1CA00] =	vst v63  }
0xa6: {  	s26 =	sld [smem:$0x7FB]  }
0xa7: {  	[spmem:s25] =	stream.linear.scatter [tilespmem:s7], [sflag:$0x1], $0x800, $0x38;
	[tilespmem:$0x1CA00] =	vst v63  }
0xa8: {  	s28 =	sld [smem:$0x7FC]  }
0xa9: {  	[spmem:s26] =	stream.linear.scatter [tilespmem:s7], [sflag:$0x1], $0x800, $0x38;
	[tilespmem:$0x1CA00] =	vst v63  }
0xaa: {  	s29 =	sld [smem:$0x7FD]  }
0xab: {  	[spmem:s28] =	stream.linear.scatter [tilespmem:s7], [sflag:$0x1], $0x800, $0x38;
	[tilespmem:$0x1CA00] =	vst v63  }
0xac: {  	_ = 	snop  }
0xad: {  	[spmem:s29] =	stream.linear.scatter [tilespmem:s7], [sflag:$0x1], $0x800, $0x38;
	[tilespmem:$0x1CA00] =	vst v63  }
0xae: {  	_ = 	snop  }
0xaf: {  	[spmem:s30] =	stream.linear.scatter [tilespmem:s7], [sflag:$0x1], $0x800, $0x38;
	[tilespmem:$0x1CA00] =	vst v63  }
0xb0: {  	_ = 	snop  }
0xb1: {  	[spmem:s31] =	stream.linear.scatter [tilespmem:s7], [sflag:$0x1], $0x800, $0x38;
	[tilespmem:$0x1CA00] =	vst v63  }
0xb2: {  	_ = 	snop  }
0xb3: {  	[spmem:s0] =	stream.linear.scatter [tilespmem:s7], [sflag:$0x1], $0x800, $0x38;
	[tilespmem:$0x1CA00] =	vst v63  }
0xb4: {  	_ = 	snop  }
0xb5: {  	[spmem:s2] =	stream.linear.scatter [tilespmem:s7], [sflag:$0x1], $0x800, $0x38;
	[tilespmem:$0x1CA00] =	vst v63  }
0xb6: {  	_ = 	snop  }
0xb7: {  	[spmem:s6] =	stream.linear.scatter [tilespmem:s7], [sflag:$0x1], $0x800, $0x38;
	[tilespmem:$0x1CA00] =	vst v63  }
0xb8: {  	_ = 	snop  }
0xb9: {  	[spmem:s22] =	stream.linear.scatter [tilespmem:s7], [sflag:$0x1], $0x800, $0x38;
	[tilespmem:$0x1CA00] =	vst v63  }
0xba: {  	_ =	swait.ge [sflag:s8], $0x800  }
0xbb: {  	s18 =	simm.s32 $0x27;
	[sflag:s8] =	ssyncset.done $0x0  }
.LBB2_4:
0xbc: {  	p1 =	sne.s32 s18, $0x1;
	s18 =	sadd.s32 $0xFFFFFFFF, s18;
	[sflag:s8] =	ssyncadd.s32 $0xFFFFF800  }
.Ltmp1:
0xbd: {  	(pc) =	sbr.rel @p1 .LBB2_4-.Ltmp1, $3  }
0xbe: {  	_ =	sdelay $0x1  }
0xbf: {  	_ =	swait.ge [sflag:s8], $0x800  }
0xc0: {  	[sflag:s8] =	ssyncset.done $0x0  }
0xc1: {  	[sflag:s8] =	ssyncadd.s32 $0xFFFFF800  }
0xc2: {  	[bflag:$0x0] =	sbarrier.arrive $0xFFFF  }
0xc3: {  	s18 =	simm.s32 $0x0;
	s23 =	rddreg [dreg:$0x13]  }
0xc4: {  	[tilespmem:s9], [sflag:$0x1] =	stream.linear.gather [hbm4b:s23+s18], $0x80, $0x38;
	[tilespmem:$0x1CA00] =	vst v63  }
0xc5: {  	_ =	swait.ge [sflag:s8], $0x80  }
0xc6: {  	[sflag:s8] =	ssyncset.done $0x0  }
0xc7: {  	s25 =	rddreg [dreg:$0x14];
	[sflag:s8] =	ssyncadd.s32 $0xFFFFFF80  }
0xc8: {  	[tilespmem:s11], [sflag:$0x3] =	stream.indirect.gather [hbm4b:s1+s10], $0x80, s9, s10, $0xb8;
	[tilespmem:$0x1CA00] =	vst v63  }
0xc9: {  	s29 =	simm.s32 $0x14020;
	s24 =	simm.s32 $0x15200;
	s28 =	sld [smem:$0x7DB]  }
0xca: {  	[tilespmem:s24], [sflag:$0x7] =	stream.indirect.gather [hbm4b:s1+s10], $0x80, s29, s10, $0xb8;
	[tilespmem:$0x1CA00] =	vst v63  }
0xcb: {  	s26 =	simm.s32 $0x16200;
	s23 =	sld [smem:$0x7DA]  }
0xcc: {  	[tilespmem:s26], [sflag:$0x3] =	stream.linear.gather [hbm4b:s25+s18], $0x2000, $0x38;
	[tilespmem:$0x1CA00] =	vst v63  }
0xcd: {  	s29 =	simm.s32 $0x14080;
	s24 =	sld [smem:$0x7D9]  }
0xce: {  	[tilespmem:s29], [sflag:$0x2] =	stream.linear.gather [hbm4b:s28+s18], $0x80, $0x38;
	[tilespmem:$0x1CA00] =	vst v63  }
.LBB2_6:
0xcf: {  	p1 =	sge.u32 s18, s5  }
0xd0: {  	s25 =	sadd.s32 @!p1 $0x1, s18  }
0xd1: {  	p3 =	sge.u32 @!p1 s25, s5  }
0xd2: {  	p2 =	por p3, p1  }
0xd3: {  	s25 =	simm.s32 @!p2 $0x2;
	p4 =	seq.s32 @!p2 s18, $0x0  }
0xd4: {  	_ =	swait.ge @!p2 [sflag:s25], $0x80;
	p3 =	por @!p1 p4, p3  }
0xd5: {  	[sflag:s25] =	ssyncset.done @!p2 $0x0;
	p3 =	por p3, p1  }
0xd6: {  	[sflag:s25] =	ssyncadd.s32 @!p2 $0xFFFFFF80;
	s25 =	simm.s32 @!p3 $0x6  }
0xd7: {  	_ =	swait.ge @!p3 [sflag:s25], $0x4000  }
0xd8: {  	s26 =	simm.s32 @!p2 $0x14080;
	[sflag:s25] =	ssyncset.done @!p3 $0x0  }
0xd9: {  	s28 =	simm.s32 @!p2 $0x18200;
	[sflag:s25] =	ssyncadd.s32 @!p3 $0xFFFFC000;
	s25 =	simm.s32 @!p2 $0x20  }
0xda: {  	[tilespmem:s28], [sflag:$0x4] =	stream.indirect.gather @!p2 [hbm4b:s1+s25], $0x80, s26, s25, $0xb8;
	[tilespmem:$0x1CA00] =	vst v63  }
0xdb: {  	s26 =	simm.s32 @!p2 $0x140A0;
	s28 =	simm.s32 @!p2 $0x19200  }
0xdc: {  	[tilespmem:s28], [sflag:$0x8] =	stream.indirect.gather @!p2 [hbm4b:s1+s25], $0x80, s26, s25, $0xb8;
	[tilespmem:$0x1CA00] =	vst v63  }
0xdd: {  	s25 =	sadd.s32 @!p2 $0xFFFC0000, s24  }
0xde: {  	s25 =	sshrl.u32 @!p2 s25, $0x3  }
0xdf: {  	s26 =	simm.s32 @!p2 $0x0;
	s28 =	simm.s32 @!p2 $0x1A200;
	s25 =	sadd.s32 @!p2 s19, s25  }
0xe0: {  	[tilespmem:s28], [sflag:$0x4] =	stream.linear.gather @!p2 [hbm4b:s25+s26], $0x2000, $0x38;
	[tilespmem:$0x1CA00] =	vst v63  }
0xe1: {  	s25 =	simm.s32 @!p1 $0x3  }
0xe2: {  	_ =	swait.ge @!p1 [sflag:s25], $0x1000  }
0xe3: {  	[sflag:s25] =	ssyncset.done @!p1 $0x0  }
0xe4: {  	s26 =	simm.s32 @!p1 $0x7;
	[sflag:s25] =	ssyncadd.s32 @!p1 $0xFFFFF000  }
0xe5: {  	_ =	swait.ge @!p1 [sflag:s26], $0x1000  }
0xe6: {  	[sflag:s26] =	ssyncset.done @!p1 $0x0  }
0xe7: {  	[sflag:s26] =	ssyncadd.s32 @!p1 $0xFFFFF000  }
0xe8: {  	_ =	swait.ge @!p1 [sflag:s25], $0x2000  }
0xe9: {  	[sflag:s25] =	ssyncset.done @!p1 $0x0  }
0xea: {  	[sflag:s25] =	ssyncadd.s32 @!p1 $0xFFFFE000  }
0xeb: {  	v1 =	vld @!p1 [tilespmem:$0x14040];
	_ =	sdelay $0x1  }
0xec: {  	v2 =	vld @!p1 [tilespmem:$0x14050];
	_ =	sdelay $0x1  }
0xed: {  	v3 =	vld @!p1 [tilespmem:$0x14060]  }
0xee: {  	[tilespmem:$0x14100] =	vst @!p1 v1  }
0xef: {  	[tilespmem:$0x14140] =	vst @!p1 v1;
	v1 =	vld @!p1 [tilespmem:$0x14070]  }
0xf0: {  	[tilespmem:$0x14110] =	vst @!p1 v2  }
0xf1: {  	[tilespmem:$0x14150] =	vst @!p1 v2  }
0xf2: {  	[tilespmem:$0x14120] =	vst @!p1 v3  }
0xf3: {  	[tilespmem:$0x14160] =	vst @!p1 v3  }
0xf4: {  	[tilespmem:$0x14130] =	vst @!p1 v1  }
0xf5: {  	s28 =	simm.s32 @!p1 $0x14200;
	s26 =	simm.s32 @!p1 $0x14100;
	s25 =	simm.s32 @!p1 $0x80;
	[tilespmem:$0x14170] =	vst @!p1 v1  }
0xf6: {  	[spmem:s3] =	stream.indirect.scatter.add.f32 @!p1 [tilespmem:s28], [sflag:$0x5], $0x80, s26, s25, $0xb8;
	[tilespmem:$0x1CA00] =	vst v63  }
0xf7: {  	s25 =	sadd.s32 @!p1 $0x2, s18  }
0xf8: {  	p2 =	sge.u32 @!p1 s25, s5  }
0xf9: {  	p1 =	por p2, p1  }
0xfa: {  	s25 =	sadd.s32 @!p1 $0xFFFFF000, s23  }
0xfb: {  	s26 =	rddreg [dreg:$0x4];
	s25 =	sshrl.u32 @!p1 s25, $0x3  }
0xfc: {  	s28 =	simm.s32 @!p1 $0x0;
	s29 =	simm.s32 @!p1 $0x14000;
	s25 =	sadd.s32 @!p1 s20, s25  }
0xfd: {  	[tilespmem:s29], [sflag:$0x1] =	stream.linear.gather @!p1 [hbm4b:s25+s28], $0x80, $0x38;
	[tilespmem:$0x1CA00] =	vst v63  }
0xfe: {  	p1 =	sge.u32 s18, s26  }
0xff: {  	s25 =	sadd.s32 @!p1 $0x2, s18  }
0x100: {  	p2 =	sge.u32 @!p1 s25, s5  }
0x101: {  	p2 =	por p2, p1  }
0x102: {  	s25 =	simm.s32 @!p2 $0x1  }
0x103: {  	_ =	swait.ge @!p2 [sflag:s25], $0x80  }
0x104: {  	[sflag:s25] =	ssyncset.done @!p2 $0x0  }
0x105: {  	[sflag:s25] =	ssyncadd.s32 @!p2 $0xFFFFFF80;
	s25 =	simm.s32 @!p2 $0x5  }
0x106: {  	_ =	swait.ge @!p2 [sflag:s25], $0x4000  }
0x107: {  	s26 =	simm.s32 @!p2 $0x14000;
	[sflag:s25] =	ssyncset.done @!p2 $0x0  }
0x108: {  	s28 =	simm.s32 @!p2 $0x14200;
	[sflag:s25] =	ssyncadd.s32 @!p2 $0xFFFFC000;
	s25 =	simm.s32 @!p2 $0x20  }
0x109: {  	[tilespmem:s28], [sflag:$0x3] =	stream.indirect.gather @!p2 [hbm4b:s1+s25], $0x80, s26, s25, $0xb8;
	[tilespmem:$0x1CA00] =	vst v63  }
0x10a: {  	s26 =	simm.s32 @!p2 $0x14020;
	s28 =	simm.s32 @!p2 $0x15200  }
0x10b: {  	[tilespmem:s28], [sflag:$0x7] =	stream.indirect.gather @!p2 [hbm4b:s1+s25], $0x80, s26, s25, $0xb8;
	[tilespmem:$0x1CA00] =	vst v63  }
0x10c: {  	s25 =	sshrl.u32 @!p2 s24, $0x3  }
0x10d: {  	s26 =	simm.s32 @!p2 $0x0;
	s28 =	simm.s32 @!p2 $0x16200;
	s25 =	sadd.s32 @!p2 s19, s25  }
0x10e: {  	[tilespmem:s28], [sflag:$0x3] =	stream.linear.gather @!p2 [hbm4b:s25+s26], $0x2000, $0x38;
	[tilespmem:$0x1CA00] =	vst v63  }
0x10f: {  	s25 =	simm.s32 @!p1 $0x4  }
0x110: {  	_ =	swait.ge @!p1 [sflag:s25], $0x1000  }
0x111: {  	[sflag:s25] =	ssyncset.done @!p1 $0x0  }
0x112: {  	s26 =	simm.s32 @!p1 $0x8;
	[sflag:s25] =	ssyncadd.s32 @!p1 $0xFFFFF000  }
0x113: {  	_ =	swait.ge @!p1 [sflag:s26], $0x1000  }
0x114: {  	[sflag:s26] =	ssyncset.done @!p1 $0x0  }
0x115: {  	[sflag:s26] =	ssyncadd.s32 @!p1 $0xFFFFF000  }
0x116: {  	_ =	swait.ge @!p1 [sflag:s25], $0x2000  }
0x117: {  	[sflag:s25] =	ssyncset.done @!p1 $0x0  }
0x118: {  	[sflag:s25] =	ssyncadd.s32 @!p1 $0xFFFFE000  }
0x119: {  	v1 =	vld @!p1 [tilespmem:$0x140C0];
	_ =	sdelay $0x1  }
0x11a: {  	v2 =	vld @!p1 [tilespmem:$0x140D0];
	_ =	sdelay $0x1  }
0x11b: {  	v3 =	vld @!p1 [tilespmem:$0x140E0]  }
0x11c: {  	[tilespmem:$0x14180] =	vst @!p1 v1  }
0x11d: {  	[tilespmem:$0x141C0] =	vst @!p1 v1;
	v1 =	vld @!p1 [tilespmem:$0x140F0]  }
0x11e: {  	[tilespmem:$0x14190] =	vst @!p1 v2  }
0x11f: {  	[tilespmem:$0x141D0] =	vst @!p1 v2  }
0x120: {  	[tilespmem:$0x141A0] =	vst @!p1 v3  }
0x121: {  	[tilespmem:$0x141E0] =	vst @!p1 v3  }
0x122: {  	[tilespmem:$0x141B0] =	vst @!p1 v1  }
0x123: {  	s28 =	simm.s32 @!p1 $0x18200;
	s26 =	simm.s32 @!p1 $0x14180;
	s25 =	simm.s32 @!p1 $0x80;
	[tilespmem:$0x141F0] =	vst @!p1 v1  }
0x124: {  	[spmem:s3] =	stream.indirect.scatter.add.f32 @!p1 [tilespmem:s28], [sflag:$0x6], $0x80, s26, s25, $0xb8;
	[tilespmem:$0x1CA00] =	vst v63  }
0x125: {  	s25 =	sadd.s32 @!p1 $0x3, s18  }
0x126: {  	p2 =	sge.u32 @!p1 s25, s5  }
0x127: {  	p1 =	por p2, p1  }
0x128: {  	s29 =	rddreg [dreg:$0x5];
	s18 =	sadd.s32 $0x2, s18;
	s25 =	sshrl.u32 @!p1 s23, $0x3  }
0x129: {  	s26 =	simm.s32 @!p1 $0x0;
	s28 =	simm.s32 @!p1 $0x14080;
	s25 =	sadd.s32 @!p1 s20, s25  }
0x12a: {  	[tilespmem:s28], [sflag:$0x2] =	stream.linear.gather @!p1 [hbm4b:s25+s26], $0x80, $0x38;
	[tilespmem:$0x1CA00] =	vst v63  }
0x12b: {  	p1 =	sne.s32 s29, s18  }
.Ltmp2:
0x12c: {  	_ = 	snop;
	(pc) =	sbr.rel @p1 .LBB2_6-.Ltmp2, $2  }
0x12d: {  	_ =	sdelay $0x2  }
0x12e: {  	s24 =	sadd.s32 $0x80000, s24;
	s23 =	sadd.s32 $0x2000, s23  }
0x12f: {  	_ =	swait.ge [sflag:s14], $0x4000  }
0x130: {  	[sflag:s14] =	ssyncset.done $0x0  }
0x131: {  	[sflag:s14] =	ssyncadd.s32 $0xFFFFC000  }
0x132: {  	_ =	swait.ge [sflag:s15], $0x4000  }
0x133: {  	[sflag:s15] =	ssyncset.done $0x0  }
0x134: {  	[sflag:s15] =	ssyncadd.s32 $0xFFFFC000  }
0x135: {  	[bflag:$0x0] =	sbarrier.arrive $0xFFFF  }
0x136: {  	s18 =	rddreg [dreg:$0x15]  }
0x137: {  	[tilespmem:s11], [sflag:$0x3] =	stream.linear.gather [spmem:s18], $0x1800, $0x38;
	[tilespmem:$0x1CA00] =	vst v63  }
0x138: {  	_ =	swait.ge [sflag:s12], $0x1800  }
0x139: {  	[sflag:s12] =	ssyncset.done $0x0  }
0x13a: {  	s28 =	rddreg [dreg:$0x16];
	[sflag:s12] =	ssyncadd.s32 $0xFFFFE800  }
0x13b: {  	[tilespmem:s16], [sflag:$0x4] =	stream.linear.gather [spmem:s28], $0x1800, $0x38;
	[tilespmem:$0x1CA00] =	vst v63  }
0x13c: {  	s29 =	rddreg [dreg:$0x6]  }
0x13d: {  	[hbm4b:s29+s4] =	stream.linear.scatter [tilespmem:s11], [sflag:$0x5], $0x1800, $0x38;
	[tilespmem:$0x1CA00] =	vst v63  }
0x13e: {  	_ =	swait.ge [sflag:s13], $0x1800  }
0x13f: {  	[sflag:s13] =	ssyncset.done $0x0  }
0x140: {  	[sflag:s13] =	ssyncadd.s32 $0xFFFFE800  }
0x141: {  	_ =	swait.ge [sflag:s14], $0x1800  }
0x142: {  	[sflag:s14] =	ssyncset.done $0x0  }
0x143: {  	s23 =	rddreg [dreg:$0x17];
	[sflag:s14] =	ssyncadd.s32 $0xFFFFE800  }
0x144: {  	[tilespmem:s11], [sflag:$0x3] =	stream.linear.gather [spmem:s23], $0x1800, $0x38;
	[tilespmem:$0x1CA00] =	vst v63  }
0x145: {  	s24 =	rddreg [dreg:$0x7]  }
0x146: {  	[hbm4b:s24+s4] =	stream.linear.scatter [tilespmem:s16], [sflag:$0x6], $0x1800, $0x38;
	[tilespmem:$0x1CA00] =	vst v63  }
0x147: {  	_ =	swait.ge [sflag:s12], $0x1800  }
0x148: {  	[sflag:s12] =	ssyncset.done $0x0  }
0x149: {  	[sflag:s12] =	ssyncadd.s32 $0xFFFFE800  }
0x14a: {  	_ =	swait.ge [sflag:s15], $0x1800  }
0x14b: {  	[sflag:s15] =	ssyncset.done $0x0  }
0x14c: {  	s25 =	rddreg [dreg:$0x18];
	[sflag:s15] =	ssyncadd.s32 $0xFFFFE800  }
0x14d: {  	[tilespmem:s16], [sflag:$0x4] =	stream.linear.gather [spmem:s25], $0x1800, $0x38;
	[tilespmem:$0x1CA00] =	vst v63  }
0x14e: {  	s26 =	rddreg [dreg:$0x8]  }
0x14f: {  	[hbm4b:s26+s4] =	stream.linear.scatter [tilespmem:s11], [sflag:$0x5], $0x1800, $0x38;
	[tilespmem:$0x1CA00] =	vst v63  }
0x150: {  	_ =	swait.ge [sflag:s13], $0x1800  }
0x151: {  	[sflag:s13] =	ssyncset.done $0x0  }
0x152: {  	[sflag:s13] =	ssyncadd.s32 $0xFFFFE800  }
0x153: {  	_ =	swait.ge [sflag:s14], $0x1800  }
0x154: {  	[sflag:s14] =	ssyncset.done $0x0  }
0x155: {  	s28 =	rddreg [dreg:$0x19];
	[sflag:s14] =	ssyncadd.s32 $0xFFFFE800  }
0x156: {  	[tilespmem:s11], [sflag:$0x3] =	stream.linear.gather [spmem:s28], $0x1800, $0x38;
	[tilespmem:$0x1CA00] =	vst v63  }
0x157: {  	s29 =	rddreg [dreg:$0x9]  }
0x158: {  	[hbm4b:s29+s4] =	stream.linear.scatter [tilespmem:s16], [sflag:$0x6], $0x1800, $0x38;
	[tilespmem:$0x1CA00] =	vst v63  }
0x159: {  	_ =	swait.ge [sflag:s12], $0x1800  }
0x15a: {  	[sflag:s12] =	ssyncset.done $0x0  }
0x15b: {  	[sflag:s12] =	ssyncadd.s32 $0xFFFFE800  }
0x15c: {  	_ =	swait.ge [sflag:s15], $0x1800  }
0x15d: {  	[sflag:s15] =	ssyncset.done $0x0  }
0x15e: {  	s23 =	rddreg [dreg:$0x1a];
	[sflag:s15] =	ssyncadd.s32 $0xFFFFE800  }
0x15f: {  	[tilespmem:s16], [sflag:$0x4] =	stream.linear.gather [spmem:s23], $0x1800, $0x38;
	[tilespmem:$0x1CA00] =	vst v63  }
0x160: {  	s24 =	rddreg [dreg:$0xa]  }
0x161: {  	[hbm4b:s24+s4] =	stream.linear.scatter [tilespmem:s11], [sflag:$0x5], $0x1800, $0x38;
	[tilespmem:$0x1CA00] =	vst v63  }
0x162: {  	_ =	swait.ge [sflag:s13], $0x1800  }
0x163: {  	[sflag:s13] =	ssyncset.done $0x0  }
0x164: {  	[sflag:s13] =	ssyncadd.s32 $0xFFFFE800  }
0x165: {  	_ =	swait.ge [sflag:s14], $0x1800  }
0x166: {  	[sflag:s14] =	ssyncset.done $0x0  }
0x167: {  	s25 =	rddreg [dreg:$0x1b];
	[sflag:s14] =	ssyncadd.s32 $0xFFFFE800  }
0x168: {  	[tilespmem:s11], [sflag:$0x3] =	stream.linear.gather [spmem:s25], $0x1800, $0x38;
	[tilespmem:$0x1CA00] =	vst v63  }
0x169: {  	s26 =	rddreg [dreg:$0xb]  }
0x16a: {  	[hbm4b:s26+s4] =	stream.linear.scatter [tilespmem:s16], [sflag:$0x6], $0x1800, $0x38;
	[tilespmem:$0x1CA00] =	vst v63  }
0x16b: {  	_ =	swait.ge [sflag:s12], $0x1800  }
0x16c: {  	[sflag:s12] =	ssyncset.done $0x0  }
0x16d: {  	[sflag:s12] =	ssyncadd.s32 $0xFFFFE800  }
0x16e: {  	_ =	swait.ge [sflag:s15], $0x1800  }
0x16f: {  	[sflag:s15] =	ssyncset.done $0x0  }
0x170: {  	s28 =	rddreg [dreg:$0x1c];
	[sflag:s15] =	ssyncadd.s32 $0xFFFFE800  }
0x171: {  	[tilespmem:s16], [sflag:$0x4] =	stream.linear.gather [spmem:s28], $0x1800, $0x38;
	[tilespmem:$0x1CA00] =	vst v63  }
0x172: {  	s29 =	rddreg [dreg:$0xc]  }
0x173: {  	[hbm4b:s29+s4] =	stream.linear.scatter [tilespmem:s11], [sflag:$0x5], $0x1800, $0x38;
	[tilespmem:$0x1CA00] =	vst v63  }
0x174: {  	_ =	swait.ge [sflag:s13], $0x1800  }
0x175: {  	[sflag:s13] =	ssyncset.done $0x0  }
0x176: {  	[sflag:s13] =	ssyncadd.s32 $0xFFFFE800  }
0x177: {  	_ =	swait.ge [sflag:s14], $0x1800  }
0x178: {  	[sflag:s14] =	ssyncset.done $0x0  }
0x179: {  	s23 =	rddreg [dreg:$0x1d];
	[sflag:s14] =	ssyncadd.s32 $0xFFFFE800  }
0x17a: {  	[tilespmem:s11], [sflag:$0x3] =	stream.linear.gather [spmem:s23], $0x1800, $0x38;
	[tilespmem:$0x1CA00] =	vst v63  }
0x17b: {  	s24 =	rddreg [dreg:$0xd]  }
0x17c: {  	[hbm4b:s24+s4] =	stream.linear.scatter [tilespmem:s16], [sflag:$0x6], $0x1800, $0x38;
	[tilespmem:$0x1CA00] =	vst v63  }
0x17d: {  	_ =	swait.ge [sflag:s12], $0x1800  }
0x17e: {  	[sflag:s12] =	ssyncset.done $0x0  }
0x17f: {  	[sflag:s12] =	ssyncadd.s32 $0xFFFFE800  }
0x180: {  	_ =	swait.ge [sflag:s15], $0x1800  }
0x181: {  	[sflag:s15] =	ssyncset.done $0x0  }
0x182: {  	s25 =	rddreg [dreg:$0x1e];
	[sflag:s15] =	ssyncadd.s32 $0xFFFFE800  }
0x183: {  	[tilespmem:s16], [sflag:$0x4] =	stream.linear.gather [spmem:s25], $0x1800, $0x38;
	[tilespmem:$0x1CA00] =	vst v63  }
0x184: {  	s26 =	rddreg [dreg:$0xe]  }
0x185: {  	[hbm4b:s26+s4] =	stream.linear.scatter [tilespmem:s11], [sflag:$0x5], $0x1800, $0x38;
	[tilespmem:$0x1CA00] =	vst v63  }
0x186: {  	_ =	swait.ge [sflag:s13], $0x1800  }
0x187: {  	[sflag:s13] =	ssyncset.done $0x0  }
0x188: {  	[sflag:s13] =	ssyncadd.s32 $0xFFFFE800  }
0x189: {  	_ =	swait.ge [sflag:s14], $0x1800  }
0x18a: {  	[sflag:s14] =	ssyncset.done $0x0  }
0x18b: {  	s28 =	rddreg [dreg:$0x1f];
	[sflag:s14] =	ssyncadd.s32 $0xFFFFE800  }
0x18c: {  	[tilespmem:s11], [sflag:$0x3] =	stream.linear.gather [spmem:s28], $0x1800, $0x38;
	[tilespmem:$0x1CA00] =	vst v63  }
0x18d: {  	s29 =	rddreg [dreg:$0xf]  }
0x18e: {  	[hbm4b:s29+s4] =	stream.linear.scatter [tilespmem:s16], [sflag:$0x6], $0x1800, $0x38;
	[tilespmem:$0x1CA00] =	vst v63  }
0x18f: {  	_ =	swait.ge [sflag:s12], $0x1800  }
0x190: {  	[sflag:s12] =	ssyncset.done $0x0  }
0x191: {  	[sflag:s12] =	ssyncadd.s32 $0xFFFFE800  }
0x192: {  	_ =	swait.ge [sflag:s15], $0x1800  }
0x193: {  	s23 =	sld [smem:$0x7D5]  }
0x194: {  	[sflag:s15] =	ssyncset.done $0x0  }
0x195: {  	[sflag:s15] =	ssyncadd.s32 $0xFFFFE800  }
0x196: {  	[tilespmem:s16], [sflag:$0x4] =	stream.linear.gather [spmem:s23], $0x1800, $0x38;
	[tilespmem:$0x1CA00] =	vst v63  }
0x197: {  	s24 =	rddreg [dreg:$0x10]  }
0x198: {  	[hbm4b:s24+s4] =	stream.linear.scatter [tilespmem:s11], [sflag:$0x5], $0x1800, $0x38;
	[tilespmem:$0x1CA00] =	vst v63  }
0x199: {  	_ =	swait.ge [sflag:s13], $0x1800  }
0x19a: {  	[sflag:s13] =	ssyncset.done $0x0  }
0x19b: {  	[sflag:s13] =	ssyncadd.s32 $0xFFFFE800  }
0x19c: {  	_ =	swait.ge [sflag:s14], $0x1800  }
0x19d: {  	s25 =	sld [smem:$0x7D6]  }
0x19e: {  	[sflag:s14] =	ssyncset.done $0x0  }
0x19f: {  	[sflag:s14] =	ssyncadd.s32 $0xFFFFE800  }
0x1a0: {  	[tilespmem:s11], [sflag:$0x3] =	stream.linear.gather [spmem:s25], $0x1800, $0x38;
	[tilespmem:$0x1CA00] =	vst v63  }
0x1a1: {  	s26 =	rddreg [dreg:$0x11]  }
0x1a2: {  	[hbm4b:s26+s4] =	stream.linear.scatter [tilespmem:s16], [sflag:$0x6], $0x1800, $0x38;
	[tilespmem:$0x1CA00] =	vst v63  }
0x1a3: {  	_ =	swait.ge [sflag:s12], $0x1800  }
0x1a4: {  	[sflag:s12] =	ssyncset.done $0x0  }
0x1a5: {  	s28 =	rddreg [dreg:$0x12];
	[sflag:s12] =	ssyncadd.s32 $0xFFFFE800  }
0x1a6: {  	[hbm4b:s28+s4] =	stream.linear.scatter [tilespmem:s11], [sflag:$0x5], $0x1800, $0x38;
	[tilespmem:$0x1CA00] =	vst v63  }
0x1a7: {  	_ =	swait.ge [sflag:s15], $0x1800  }
0x1a8: {  	[sflag:s15] =	ssyncset.done $0x0  }
0x1a9: {  	[sflag:s15] =	ssyncadd.s32 $0xFFFFE800  }
0x1aa: {  	_ =	swait.ge [sflag:s14], $0x1800  }
0x1ab: {  	s23 =	sld [smem:$0x7DC]  }
0x1ac: {  	[sflag:s14] =	ssyncset.done $0x0  }
0x1ad: {  	s18 =	simm.s32 @!p0 $0x18200;
	[sflag:s14] =	ssyncadd.s32 $0xFFFFE800  }
0x1ae: {  	[tilespmem:s18], [sflag:$0x9] =	stream.linear.gather @!p0 [spmem:s23], $0x800, $0x38;
	[tilespmem:$0x1CA00] =	vst v63  }
0x1af: {  	s23 =	simm.s32 @!p0 $0x9  }
0x1b0: {  	_ =	swait.ge @!p0 [sflag:s23], $0x800  }
0x1b1: {  	s25 =	sld [smem:$0x7D7]  }
0x1b2: {  	[sflag:s23] =	ssyncset.done @!p0 $0x0  }
0x1b3: {  	s24 =	simm.s32 @!p0 $0x0;
	[sflag:s23] =	ssyncadd.s32 @!p0 $0xFFFFF800  }
0x1b4: {  	[hbm4b:s25+s24] =	stream.linear.scatter @!p0 [tilespmem:s18], [sflag:$0x9], $0x800, $0x38;
	[tilespmem:$0x1CA00] =	vst v63  }
0x1b5: {  	_ =	swait.ge @!p0 [sflag:s23], $0x800  }
0x1b6: {  	s29 =	sld [smem:$0x7D8];
	_ =	sdelay $0x1  }
0x1b7: {  	s17 =	sadd.s32 $0x1, s17  }
0x1b8: {  	p1 =	sne.s32 s17, s29  }
.Ltmp3:
0x1b9: {  	_ = 	snop;
	(pc) =	sbr.rel @p1 .LBB2_1-.Ltmp3, $3  }
0x1ba: {  	_ =	sdelay $0x1  }
0x1bb: {  	[sflag:s23] =	ssyncset.done @!p0 $0x0  }
0x1bc: {  	[sflag:s23] =	ssyncadd.s32 @!p0 $0xFFFFF800  }
0x1bd: {  	_ =	sfence.sel $0x180000  }
0x1be: {  	[bflag:$0x0] =	sbarrier.arrive $0xFFFF  }
0x1bf: {  	_ =	strace $0x90000047  }
0x1c0: {  	s0 =	stileid.u32;
	[bflag:$0x2] =	sbarrier.arrive $0xFFFF  }
0x1c1: {  	p0 =	sne.s32 s0, $0x0;
	s0 =	rddreg [dreg:$0x3]  }
0x1c2: {  	s0 =	sadd.s32 @!p0 $0x100000, s0  }
0x1c3: {  	[sflag:s0] =	ssyncadd.tile.s32 @!p0 $0x1;
	_ =	shalt  }
.Lfunc_end2:
_tile_overlayer_lowered:
.L_overlay_start_2:
0x1c4: {  	(tag) =	ssettag $0x2  }
0x1c5: {  	s0 =	rddreg [dreg:$0x0];
	s2 =	stileid.u32  }
0x1c6: {  	s1 =	rddreg [dreg:$0x1];
	p0 =	sne.s32 s2, $0x0  }
0x1c7: {  	s3 =	rddreg [dreg:$0x2];
	[bflag:$0x3] =	sbarrier.arrive $0xFFFF;
	s2 =	simm.s32 @!p0 $0x1C09  }
0x1c8: {  	[timem:s3], [sflag:s2] =	dma.local @!p0 [hbm:s0], s1  }
0x1c9: {  	s0 =	simm.s32 @!p0 $0x9  }
0x1ca: {  	_ =	swait.ge @!p0 [sflag:s0], s1  }
0x1cb: {  	s1 =	ssub.s32 @!p0 $0x0, s1;
	[sflag:s0] =	ssyncset.done @!p0 $0x0  }
0x1cc: {  	[sflag:s0] =	ssyncadd.s32 @!p0 s1  }
0x1cd: {  	[bflag:$0x3] =	sbarrier.arrive $0xFFFF  }
0x1ce: {  	_ =	shalt  }

</sc_bundles>
